<compile_context>
chip_gen: v7x
topology: tpu7x:2x2x1
jax: 0.10.2.dev20260603
libtpu: 0.0.44.dev20260713+nightly
codegen_flags: <defaults>
</compile_context>

<pallas_src>
import jax
import jax.numpy as jnp
from jax import lax
from jax.experimental import pallas as pl
from jax.experimental.pallas import tpu as pltpu
from jax.experimental.pallas import tpu_sc as plsc

N = 10000
E = 320000
D = 128
H = 8
C = 16
EPS = 1e-5

NC = 2
NS = 16
NW = NC * NS
L = 16

S = 128
ETOT = E + N
IBLK = 9
NSUB = 81
assert NSUB * NW * S >= ETOT and NSUB % IBLK == 0
CSZ = NSUB * S
EPAD = NW * CSZ
NPAD = -(-N // (NS * 8)) * NS * 8
RPT = NPAD // NS


def _vgather(v, idx):
    return lax.gather(
        v, idx[:, None],
        lax.GatherDimensionNumbers(offset_dims=(), collapsed_slice_dims=(0,),
                                   start_index_map=(0,)),
        (1,), mode=lax.GatherScatterMode.PROMISE_IN_BOUNDS)


def _edge_body(src_hbm, dst_hbm, h_hbm, combs_hbm, combd_hbm, zacc_hbm,
               zden_hbm, acc_out, den_out,
               acc_sh, den_sh, isrc_v, idst_v, srows, drows, wden,
               rows0, sem_h0, sem_a, sem_b, sem_w, sem_s):
    cid = lax.axis_index("c")
    sid = lax.axis_index("s")
    wid = sid * NC + cid

    pltpu.sync_copy(zacc_hbm.at[pl.ds(sid * RPT, RPT)],
                    acc_sh.at[pl.ds(sid * RPT, RPT)])
    pltpu.sync_copy(zden_hbm.at[pl.ds(sid * RPT, RPT)],
                    den_sh.at[pl.ds(sid * RPT, RPT)])
    plsc.subcore_barrier()

    iota_i = lax.iota(jnp.int32, L)
    penal = jnp.minimum(float(H) - 0.5 - iota_i.astype(jnp.float32), 0.0) * 1e30
    idx_hi = jnp.minimum(iota_i + H, L - 1)

    def alpha_w(isrc, idst):
        cp_s = pltpu.async_copy(combs_hbm.at[isrc], srows, sem_a)
        cp_d = pltpu.async_copy(combd_hbm.at[idst], drows, sem_b)
        cp_s.wait()
        cp_d.wait()

        @plsc.parallel_loop(0, S, unroll=8)
        def wstage(e):
            ev = srows[e, :] + drows[e, :]
            lr = jnp.maximum(ev, 0.2 * ev)
            m = _vgather(ev, idx_hi)
            wden[e, :] = jnp.exp(lr - m + penal)

    def scale(rows):
        @plsc.parallel_loop(0, S, unroll=4)
        def _s(e):
            w = wden[e, :]
            for h in range(H):
                sl = pl.ds(h * C, C)
                rows[e, sl] = rows[e, sl] * _vgather(
                    w, jnp.full((L,), h, jnp.int32))

    def sub(j, carry):
        isrc, idst = isrc_v.at[j], idst_v.at[j]
        cp_h = pltpu.async_copy(h_hbm.at[isrc], rows0, sem_h0)
        alpha_w(isrc, idst)
        cp_w = pltpu.async_copy(wden, den_sh.at[idst], sem_w, add=True)
        cp_h.wait()
        scale(rows0)
        cp_s = pltpu.async_copy(rows0, acc_sh.at[idst], sem_s, add=True)
        cp_w.wait()
        cp_s.wait()
        return carry

    def blk(bi, carry):
        pltpu.sync_copy(src_hbm.at[wid, pl.ds(bi * IBLK, IBLK)], isrc_v)
        pltpu.sync_copy(dst_hbm.at[wid, pl.ds(bi * IBLK, IBLK)], idst_v)
        lax.fori_loop(0, IBLK, sub, 0)
        return carry

    lax.fori_loop(0, NSUB // IBLK, blk, 0)
    plsc.subcore_barrier()

    pltpu.sync_copy(acc_sh.at[pl.ds(sid * RPT, RPT)],
                    acc_out.at[cid, pl.ds(sid * RPT, RPT)])
    pltpu.sync_copy(den_sh.at[pl.ds(sid * RPT, RPT)],
                    den_out.at[cid, pl.ds(sid * RPT, RPT)])


def _edge(src3, dst3, h, combs, combd, zacc, zden):
    fn = pl.kernel(
        _edge_body,
        out_type=[jax.ShapeDtypeStruct((NC, NPAD, D), jnp.float32),
                  jax.ShapeDtypeStruct((NC, NPAD, L), jnp.float32)],
        mesh=plsc.VectorSubcoreMesh(core_axis_name="c", subcore_axis_name="s",
                                    num_cores=NC, num_subcores=NS),
        scratch_types=[
            pltpu.VMEM_SHARED((NPAD, D), jnp.float32),
            pltpu.VMEM_SHARED((NPAD, L), jnp.float32),
            pltpu.VMEM((IBLK, S), jnp.int32),
            pltpu.VMEM((IBLK, S), jnp.int32),
            pltpu.VMEM((S, L), jnp.float32),
            pltpu.VMEM((S, L), jnp.float32),
            pltpu.VMEM((S, L), jnp.float32),
            pltpu.VMEM((S, D), jnp.float32),
            pltpu.SemaphoreType.DMA,
            pltpu.SemaphoreType.DMA,
            pltpu.SemaphoreType.DMA,
            pltpu.SemaphoreType.DMA,
            pltpu.SemaphoreType.DMA,
        ],
        compiler_params=pltpu.CompilerParams(use_tc_tiling_on_sc=False),
    )
    return fn(src3, dst3, h, combs, combd, zacc, zden)


def _comb_mat(a_flat):
    r = lax.broadcasted_iota(jnp.int32, (D, H), 0) // C
    c = lax.broadcasted_iota(jnp.int32, (D, H), 1)
    m = (r == c).astype(jnp.float32)
    return jnp.concatenate([a_flat[:, None] * m, jnp.zeros((D, H))], axis=1)


def _expand_mask():
    r = lax.broadcasted_iota(jnp.int32, (H, D), 0)
    c = lax.broadcasted_iota(jnp.int32, (H, D), 1) // C
    return (r == c).astype(jnp.float32)


def _attn_rows(h, a_s, a_d):
    cs = jnp.dot(h, _comb_mat(a_s), preferred_element_type=jnp.float32)
    cd = jnp.dot(h, _comb_mat(a_d), preferred_element_type=jnp.float32)
    amax = jnp.max(cs[:, :H], axis=0, keepdims=True)
    m = amax + cd[:, :H]
    m = jnp.maximum(m, 0.2 * m)
    return cs, jnp.concatenate([cd[:, :H], m], axis=1)


def _init_body(x_ref, wi_ref, w0_ref, as_ref, ad_ref, h_ref, cs_ref, cd_ref):
    h0 = jnp.dot(x_ref[...], wi_ref[...], preferred_element_type=jnp.float32)
    h = jnp.dot(h0, w0_ref[...], preferred_element_type=jnp.float32)
    h_ref[...] = h
    cs_ref[...], cd_ref[...] = _attn_rows(h, as_ref[...], ad_ref[...])


def _combine(acc_ref, den_ref, b_ref):
    acc = acc_ref[0] + acc_ref[1]
    den = den_ref[0] + den_ref[1]
    dchan = jnp.dot(den[:N, :H], _expand_mask(),
                    preferred_element_type=jnp.float32)
    return acc[:N] / (dchan + 1e-16) + b_ref[...]


def _mid_body(acc_ref, den_ref, b_ref, g_ref, be_ref, w_ref, as_ref, ad_ref,
              h_ref, cs_ref, cd_ref):
    y = _combine(acc_ref, den_ref, b_ref)
    mu = jnp.mean(y, axis=0)
    var = jnp.mean((y - mu) ** 2, axis=0)
    xn = (y - mu) / jnp.sqrt(var + EPS) * g_ref[...] + be_ref[...]
    h = jnp.dot(xn, w_ref[...], preferred_element_type=jnp.float32)
    h_ref[...] = h
    cs_ref[...], cd_ref[...] = _attn_rows(h, as_ref[...], ad_ref[...])


def _final_body(acc_ref, den_ref, b_ref, o_ref):
    o_ref[...] = _combine(acc_ref, den_ref, b_ref)


_HC_OUT = [jax.ShapeDtypeStruct((N, D), jnp.float32),
           jax.ShapeDtypeStruct((N, 2 * H), jnp.float32),
           jax.ShapeDtypeStruct((N, 2 * H), jnp.float32)]


def kernel(x, edge_index, W_init, W0, a_src0, a_dst0, b0,
           W1, a_src1, a_dst1, b1, W2, a_src2, a_dst2, b2,
           gamma0, beta0, gamma1, beta1):
    loop = jnp.arange(N, dtype=jnp.int32)
    pad = EPAD - ETOT
    src = jnp.concatenate([edge_index[0].astype(jnp.int32), loop,
                           jnp.zeros((pad,), jnp.int32)]).reshape(NW, NSUB, S)
    pad_dst = N + jnp.arange(pad, dtype=jnp.int32) % (NPAD - N)
    dst = jnp.concatenate([edge_index[1].astype(jnp.int32), loop,
                           pad_dst]).reshape(NW, NSUB, S)
    zacc = jnp.zeros((NPAD, D), jnp.float32)
    zden = jnp.zeros((NPAD, L), jnp.float32)

    tc_init = pl.pallas_call(_init_body, out_shape=_HC_OUT)
    tc_mid = pl.pallas_call(_mid_body, out_shape=_HC_OUT)
    tc_final = pl.pallas_call(
        _final_body, out_shape=jax.ShapeDtypeStruct((N, D), jnp.float32))

    h, cs, cd = tc_init(x, W_init, W0, a_src0.reshape(D), a_dst0.reshape(D))
    acc, den = _edge(src, dst, h, cs, cd, zacc, zden)
    h, cs, cd = tc_mid(acc, den, b0, gamma0, beta0, W1,
                       a_src1.reshape(D), a_dst1.reshape(D))
    acc, den = _edge(src, dst, h, cs, cd, zacc, zden)
    h, cs, cd = tc_mid(acc, den, b1, gamma1, beta1, W2,
                       a_src2.reshape(D), a_dst2.reshape(D))
    acc, den = _edge(src, dst, h, cs, cd, zacc, zden)
    return tc_final(acc, den, b2)

# --- scband reference (transcript-rebuilt; emitter-appended) ---
"""Pipeline reference for scband-graph-encoder-6579889897663 (READ-ONLY COPY).

The authoritative reference and input builder live on the scoring server;
editing this copy changes nothing except your own understanding.
"""

import jax, jax.numpy as jnp
import numpy as np

N = 10000
E = 320000
D = 128
H = 8
C = 16
EPS = 1e-5

def gat_layer(h_in, src, dst, W, a_src, a_dst, b):
    h = (h_in @ W).reshape(N, H, C)
    alpha_src = jnp.sum(h * a_src, axis=-1)
    alpha_dst = jnp.sum(h * a_dst, axis=-1)
    e = alpha_src[src] + alpha_dst[dst]
    e = jnp.where(e > 0, e, 0.2 * e)
    m = jax.lax.stop_gradient(jax.ops.segment_max(e, dst, num_segments=N))
    ex = jnp.exp(e - m[dst])
    denom = jax.ops.segment_sum(ex, dst, num_segments=N)
    alpha = ex / (denom[dst] + 1e-16)
    out = jax.ops.segment_sum(h[src] * alpha[:, :, None], dst, num_segments=N)
    return out.reshape(N, H * C) + b

def batch_norm(x, gamma, beta):
    mu = jnp.mean(x, axis=0)
    var = jnp.var(x, axis=0)
    return (x - mu) / jnp.sqrt(var + EPS) * gamma + beta

def setup_inputs(seed: int = 0):
    key = jax.random.key(seed)
    ks = jax.random.split(key, 24)
    inp = {}
    inp["x"] = jax.random.normal(ks[0], (N, D), dtype=jnp.float32)
    inp["edge_index"] = jax.random.randint(ks[1], (2, E), 0, N, dtype=jnp.int32)
    inp["W_init"] = jax.random.normal(ks[2], (D, D), dtype=jnp.float32) * 0.05
    k = 3
    for l in range(3):
        inp["W%d" % l] = jax.random.normal(ks[k], (D, H * C), dtype=jnp.float32) * 0.05; k += 1
        inp["a_src%d" % l] = jax.random.normal(ks[k], (1, H, C), dtype=jnp.float32) * 0.05; k += 1
        inp["a_dst%d" % l] = jax.random.normal(ks[k], (1, H, C), dtype=jnp.float32) * 0.05; k += 1
        inp["b%d" % l] = jnp.zeros((H * C,), dtype=jnp.float32)
    for l in range(2):
        inp["gamma%d" % l] = jnp.ones((D,), dtype=jnp.float32)
        inp["beta%d" % l] = jnp.zeros((D,), dtype=jnp.float32)
    return inp

def reference(x, edge_index, W_init, W0, a_src0, a_dst0, b0, W1, a_src1, a_dst1, b1, W2, a_src2, a_dst2, b2, gamma0, beta0, gamma1, beta1):
    loop_idx = jnp.arange(N, dtype=edge_index.dtype)
    src = jnp.concatenate([edge_index[0], loop_idx])
    dst = jnp.concatenate([edge_index[1], loop_idx])
    h = x @ W_init
    h = gat_layer(h, src, dst, W0, a_src0, a_dst0, b0)
    h = batch_norm(h, gamma0, beta0)
    h = gat_layer(h, src, dst, W1, a_src1, a_dst1, b1)
    h = batch_norm(h, gamma1, beta1)
    h = gat_layer(h, src, dst, W2, a_src2, a_dst2, b2)
    return h

if __name__ == "__main__":
    import jax
    _d = setup_inputs()
    print(jax.jit(kernel)(*tuple(_d.values())))

</pallas_src>

<mosaic_0001>
#map = affine_map<(d0, d1) -> (0, 0, 0)>
#map1 = affine_map<(d0, d1) -> (0, 0)>
module attributes {stable_mosaic.version = 14 : i64} {
  func.func @_edge_body(%arg0: i32, %arg1: i32, %arg2: memref<32x81x128xi32, #tpu.memory_space<hbm>>, %arg3: memref<32x81x128xi32, #tpu.memory_space<hbm>>, %arg4: memref<10000x128xf32, #tpu.memory_space<hbm>>, %arg5: memref<10000x16xf32, #tpu.memory_space<hbm>>, %arg6: memref<10000x16xf32, #tpu.memory_space<hbm>>, %arg7: memref<10112x128xf32, #tpu.memory_space<hbm>>, %arg8: memref<10112x16xf32, #tpu.memory_space<hbm>>, %arg9: memref<2x10112x128xf32, #tpu.memory_space<hbm>>, %arg10: memref<2x10112x16xf32, #tpu.memory_space<hbm>>, %arg11: memref<10112x128xf32, #tpu.memory_space<vmem_shared>>, %arg12: memref<10112x16xf32, #tpu.memory_space<vmem_shared>>, %arg13: memref<9x128xi32, #tpu.memory_space<vmem>>, %arg14: memref<9x128xi32, #tpu.memory_space<vmem>>, %arg15: memref<128x16xf32, #tpu.memory_space<vmem>>, %arg16: memref<128x16xf32, #tpu.memory_space<vmem>>, %arg17: memref<128x16xf32, #tpu.memory_space<vmem>>, %arg18: memref<128x128xf32, #tpu.memory_space<vmem>>, %arg19: memref<!tpu.dma_semaphore, #tpu.memory_space<semaphore_mem>>, %arg20: memref<!tpu.dma_semaphore, #tpu.memory_space<semaphore_mem>>, %arg21: memref<!tpu.dma_semaphore, #tpu.memory_space<semaphore_mem>>, %arg22: memref<!tpu.dma_semaphore, #tpu.memory_space<semaphore_mem>>, %arg23: memref<!tpu.dma_semaphore, #tpu.memory_space<semaphore_mem>>) attributes {dimension_semantics = [#tpu.dimension_semantics<core_parallel>, #tpu.dimension_semantics<subcore_parallel>], iteration_bounds = array<i64: 2, 16>, scalar_prefetch = 0 : i64, scratch_operands = 13 : i64, tpu.core_type = #tpu.core_type<sc_vector_subcore>, window_params = [{transform_indices = #map}, {transform_indices = #map}, {transform_indices = #map1}, {transform_indices = #map1}, {transform_indices = #map1}, {transform_indices = #map1}, {transform_indices = #map1}, {transform_indices = #map}, {transform_indices = #map}]} {
    %mul3A = arith.constant 2 : i32
    %mul3A_0 = arith.muli %arg1, %mul3A : i32
    %add3A = arith.addi %mul3A_0, %arg0 : i32
    %mul3A_1 = arith.constant 632 : i32
    %mul3A_2 = arith.muli %arg1, %mul3A_1 : i32
    %mul3A_3 = arith.constant 632 : i32
    %mul3A_4 = arith.muli %arg1, %mul3A_3 : i32
    "tpu.region"() ({
      %run_scoped3A = tpu.sem_alloc : memref<!tpu.dma_semaphore, #tpu.memory_space<semaphore_mem>>
      %dma_start3A = arith.constant 0 : i32
      %dma_start3A_36 = tpu.memref_slice %arg11[%mul3A_4, %dma_start3A] : memref<10112x128xf32, #tpu.memory_space<vmem_shared>> -> memref<632x128xf32, #tpu.memory_space<vmem_shared>>
      %dma_start3A_37 = arith.constant 0 : i32
      %dma_start3A_38 = tpu.memref_slice %arg7[%mul3A_2, %dma_start3A_37] : memref<10112x128xf32, #tpu.memory_space<hbm>> -> memref<632x128xf32, #tpu.memory_space<hbm>>
      tpu.enqueue_dma source(%dma_start3A_38 : memref<632x128xf32, #tpu.memory_space<hbm>>) target(%dma_start3A_36 : memref<632x128xf32, #tpu.memory_space<vmem_shared>>) target_semaphore(%run_scoped3A : memref<!tpu.dma_semaphore, #tpu.memory_space<semaphore_mem>>)
      %dma_wait3A = arith.constant 0 : i32
      %dma_wait3A_39 = tpu.memref_slice %arg11[%mul3A_4, %dma_wait3A] : memref<10112x128xf32, #tpu.memory_space<vmem_shared>> -> memref<632x128xf32, #tpu.memory_space<vmem_shared>>
      %dma_wait3A_40 = arith.constant 0 : i32
      %dma_wait3A_41 = tpu.memref_slice %arg7[%mul3A_2, %dma_wait3A_40] : memref<10112x128xf32, #tpu.memory_space<hbm>> -> memref<632x128xf32, #tpu.memory_space<hbm>>
      tpu.wait_dma2 semaphore(%run_scoped3A : memref<!tpu.dma_semaphore, #tpu.memory_space<semaphore_mem>>) src(%dma_wait3A_41 : memref<632x128xf32, #tpu.memory_space<hbm>>) dst(%dma_wait3A_39 : memref<632x128xf32, #tpu.memory_space<vmem_shared>>)
      tpu.yield
    }) : () -> ()
    %mul3A_5 = arith.constant 632 : i32
    %mul3A_6 = arith.muli %arg1, %mul3A_5 : i32
    %mul3A_7 = arith.constant 632 : i32
    %mul3A_8 = arith.muli %arg1, %mul3A_7 : i32
    "tpu.region"() ({
      %run_scoped3A = tpu.sem_alloc : memref<!tpu.dma_semaphore, #tpu.memory_space<semaphore_mem>>
      %dma_start3A = arith.constant 0 : i32
      %dma_start3A_36 = tpu.memref_slice %arg12[%mul3A_8, %dma_start3A] : memref<10112x16xf32, #tpu.memory_space<vmem_shared>> -> memref<632x16xf32, #tpu.memory_space<vmem_shared>>
      %dma_start3A_37 = arith.constant 0 : i32
      %dma_start3A_38 = tpu.memref_slice %arg8[%mul3A_6, %dma_start3A_37] : memref<10112x16xf32, #tpu.memory_space<hbm>> -> memref<632x16xf32, #tpu.memory_space<hbm>>
      tpu.enqueue_dma source(%dma_start3A_38 : memref<632x16xf32, #tpu.memory_space<hbm>>) target(%dma_start3A_36 : memref<632x16xf32, #tpu.memory_space<vmem_shared>>) target_semaphore(%run_scoped3A : memref<!tpu.dma_semaphore, #tpu.memory_space<semaphore_mem>>)
      %dma_wait3A = arith.constant 0 : i32
      %dma_wait3A_39 = tpu.memref_slice %arg12[%mul3A_8, %dma_wait3A] : memref<10112x16xf32, #tpu.memory_space<vmem_shared>> -> memref<632x16xf32, #tpu.memory_space<vmem_shared>>
      %dma_wait3A_40 = arith.constant 0 : i32
      %dma_wait3A_41 = tpu.memref_slice %arg8[%mul3A_6, %dma_wait3A_40] : memref<10112x16xf32, #tpu.memory_space<hbm>> -> memref<632x16xf32, #tpu.memory_space<hbm>>
      tpu.wait_dma2 semaphore(%run_scoped3A : memref<!tpu.dma_semaphore, #tpu.memory_space<semaphore_mem>>) src(%dma_wait3A_41 : memref<632x16xf32, #tpu.memory_space<hbm>>) dst(%dma_wait3A_39 : memref<632x16xf32, #tpu.memory_space<vmem_shared>>)
      tpu.yield
    }) : () -> ()
    %barrier3A = arith.constant 0 : index
    tpu.barrier barrier_id(%barrier3A)
    %iota3A = tpu.iota {dimensions = array<i32: 0>} : vector<16xi32>
    %convert_element_type3A = arith.sitofp %iota3A : vector<16xi32> to vector<16xf32>
    %sub3A = arith.constant 7.500000e+00 : f32
    %sub3A_9 = vector.broadcast %sub3A : f32 to vector<16xf32>
    %sub3A_10 = arith.subf %sub3A_9, %convert_element_type3A : vector<16xf32>
    %min3A = arith.constant 0.000000e+00 : f32
    %min3A_11 = vector.broadcast %min3A : f32 to vector<16xf32>
    %min3A_12 = arith.minimumf %sub3A_10, %min3A_11 : vector<16xf32>
    %mul3A_13 = arith.constant 1.000000e+30 : f32
    %mul3A_14 = vector.broadcast %mul3A_13 : f32 to vector<16xf32>
    %mul3A_15 = arith.mulf %min3A_12, %mul3A_14 : vector<16xf32>
    %add3A_16 = arith.constant 8 : i32
    %add3A_17 = vector.broadcast %add3A_16 : i32 to vector<16xi32>
    %add3A_18 = arith.addi %iota3A, %add3A_17 : vector<16xi32>
    %min3A_19 = arith.constant 15 : i32
    %min3A_20 = vector.broadcast %min3A_19 : i32 to vector<16xi32>
    %min3A_21 = arith.minsi %add3A_18, %min3A_20 : vector<16xi32>
    %scan3A = arith.constant 0 : i32
    %scan3A_22 = arith.constant 0 : i32
    %scan3A_23 = arith.constant 9 : i32
    %scan3A_24 = arith.addi %scan3A_22, %scan3A_23 : i32
    %scan3A_25 = arith.constant 1 : i32
    scf.for %scan3A_36 = %scan3A_22 to %scan3A_24 step %scan3A_25  : i32 {
      %mul3A_37 = arith.constant 9 : i32
      %mul3A_38 = arith.muli %scan3A_36, %mul3A_37 : i32
      "tpu.region"() ({
        %run_scoped3A = tpu.sem_alloc : memref<!tpu.dma_semaphore, #tpu.memory_space<semaphore_mem>>
        %dma_start3A = arith.constant 0 : i32
        %dma_start3A_47 = tpu.memref_slice %arg2[%add3A, %mul3A_38, %dma_start3A] : memref<32x81x128xi32, #tpu.memory_space<hbm>> -> memref<1x9x128xi32, #tpu.memory_space<hbm>>
        %dma_start3A_48 = tpu.memref_squeeze %dma_start3A_47 : memref<1x9x128xi32, #tpu.memory_space<hbm>> -> memref<9x128xi32, #tpu.memory_space<hbm>>
        %dma_start3A_49 = arith.constant 0 : i32
        %dma_start3A_50 = tpu.memref_slice %arg2[%add3A, %mul3A_38, %dma_start3A_49] : memref<32x81x128xi32, #tpu.memory_space<hbm>> -> memref<1x9x128xi32, #tpu.memory_space<hbm>>
        %dma_start3A_51 = tpu.memref_squeeze %dma_start3A_50 : memref<1x9x128xi32, #tpu.memory_space<hbm>> -> memref<9x128xi32, #tpu.memory_space<hbm>>
        tpu.enqueue_dma source(%dma_start3A_51 : memref<9x128xi32, #tpu.memory_space<hbm>>) target(%arg13 : memref<9x128xi32, #tpu.memory_space<vmem>>) target_semaphore(%run_scoped3A : memref<!tpu.dma_semaphore, #tpu.memory_space<semaphore_mem>>)
        %dma_wait3A = arith.constant 0 : i32
        %dma_wait3A_52 = tpu.memref_slice %arg2[%add3A, %mul3A_38, %dma_wait3A] : memref<32x81x128xi32, #tpu.memory_space<hbm>> -> memref<1x9x128xi32, #tpu.memory_space<hbm>>
        %dma_wait3A_53 = tpu.memref_squeeze %dma_wait3A_52 : memref<1x9x128xi32, #tpu.memory_space<hbm>> -> memref<9x128xi32, #tpu.memory_space<hbm>>
        %dma_wait3A_54 = arith.constant 0 : i32
        %dma_wait3A_55 = tpu.memref_slice %arg2[%add3A, %mul3A_38, %dma_wait3A_54] : memref<32x81x128xi32, #tpu.memory_space<hbm>> -> memref<1x9x128xi32, #tpu.memory_space<hbm>>
        %dma_wait3A_56 = tpu.memref_squeeze %dma_wait3A_55 : memref<1x9x128xi32, #tpu.memory_space<hbm>> -> memref<9x128xi32, #tpu.memory_space<hbm>>
        tpu.wait_dma2 semaphore(%run_scoped3A : memref<!tpu.dma_semaphore, #tpu.memory_space<semaphore_mem>>) src(%dma_wait3A_56 : memref<9x128xi32, #tpu.memory_space<hbm>>) dst(%arg13 : memref<9x128xi32, #tpu.memory_space<vmem>>)
        tpu.yield
      }) : () -> ()
      %mul3A_39 = arith.constant 9 : i32
      %mul3A_40 = arith.muli %scan3A_36, %mul3A_39 : i32
      "tpu.region"() ({
        %run_scoped3A = tpu.sem_alloc : memref<!tpu.dma_semaphore, #tpu.memory_space<semaphore_mem>>
        %dma_start3A = arith.constant 0 : i32
        %dma_start3A_47 = tpu.memref_slice %arg3[%add3A, %mul3A_40, %dma_start3A] : memref<32x81x128xi32, #tpu.memory_space<hbm>> -> memref<1x9x128xi32, #tpu.memory_space<hbm>>
        %dma_start3A_48 = tpu.memref_squeeze %dma_start3A_47 : memref<1x9x128xi32, #tpu.memory_space<hbm>> -> memref<9x128xi32, #tpu.memory_space<hbm>>
        %dma_start3A_49 = arith.constant 0 : i32
        %dma_start3A_50 = tpu.memref_slice %arg3[%add3A, %mul3A_40, %dma_start3A_49] : memref<32x81x128xi32, #tpu.memory_space<hbm>> -> memref<1x9x128xi32, #tpu.memory_space<hbm>>
        %dma_start3A_51 = tpu.memref_squeeze %dma_start3A_50 : memref<1x9x128xi32, #tpu.memory_space<hbm>> -> memref<9x128xi32, #tpu.memory_space<hbm>>
        tpu.enqueue_dma source(%dma_start3A_51 : memref<9x128xi32, #tpu.memory_space<hbm>>) target(%arg14 : memref<9x128xi32, #tpu.memory_space<vmem>>) target_semaphore(%run_scoped3A : memref<!tpu.dma_semaphore, #tpu.memory_space<semaphore_mem>>)
        %dma_wait3A = arith.constant 0 : i32
        %dma_wait3A_52 = tpu.memref_slice %arg3[%add3A, %mul3A_40, %dma_wait3A] : memref<32x81x128xi32, #tpu.memory_space<hbm>> -> memref<1x9x128xi32, #tpu.memory_space<hbm>>
        %dma_wait3A_53 = tpu.memref_squeeze %dma_wait3A_52 : memref<1x9x128xi32, #tpu.memory_space<hbm>> -> memref<9x128xi32, #tpu.memory_space<hbm>>
        %dma_wait3A_54 = arith.constant 0 : i32
        %dma_wait3A_55 = tpu.memref_slice %arg3[%add3A, %mul3A_40, %dma_wait3A_54] : memref<32x81x128xi32, #tpu.memory_space<hbm>> -> memref<1x9x128xi32, #tpu.memory_space<hbm>>
        %dma_wait3A_56 = tpu.memref_squeeze %dma_wait3A_55 : memref<1x9x128xi32, #tpu.memory_space<hbm>> -> memref<9x128xi32, #tpu.memory_space<hbm>>
        tpu.wait_dma2 semaphore(%run_scoped3A : memref<!tpu.dma_semaphore, #tpu.memory_space<semaphore_mem>>) src(%dma_wait3A_56 : memref<9x128xi32, #tpu.memory_space<hbm>>) dst(%arg14 : memref<9x128xi32, #tpu.memory_space<vmem>>)
        tpu.yield
      }) : () -> ()
      %scan3A_41 = arith.constant 0 : i32
      %scan3A_42 = arith.constant 0 : i32
      %scan3A_43 = arith.constant 9 : i32
      %scan3A_44 = arith.addi %scan3A_42, %scan3A_43 : i32
      %scan3A_45 = arith.constant 1 : i32
      scf.for %scan3A_47 = %scan3A_42 to %scan3A_44 step %scan3A_45  : i32 {
        %dma_start3A = arith.constant 0 : i32
        %dma_start3A_48 = tpu.memref_slice %arg13[%scan3A_47, %dma_start3A] : memref<9x128xi32, #tpu.memory_space<vmem>> -> memref<1x128xi32, #tpu.memory_space<vmem>>
        %dma_start3A_49 = tpu.memref_squeeze %dma_start3A_48 : memref<1x128xi32, #tpu.memory_space<vmem>> -> memref<128xi32, #tpu.memory_space<vmem>>
        %dma_start3A_50 = arith.constant 0 : i32
        %dma_start3A_51 = arith.constant 0 : i32
        %dma_start3A_52 = tpu.memref_slice %arg4[%dma_start3A_50, %dma_start3A_51] : memref<10000x128xf32, #tpu.memory_space<hbm>> -> memref<10000x128xf32, #tpu.memory_space<hbm>>
        tpu.enqueue_indirect_dma source(%dma_start3A_52 : memref<10000x128xf32, #tpu.memory_space<hbm>>) target(%arg18 : memref<128x128xf32, #tpu.memory_space<vmem>>) offsets(%dma_start3A_49 : memref<128xi32, #tpu.memory_space<vmem>>) semaphore(%arg19 : memref<!tpu.dma_semaphore, #tpu.memory_space<semaphore_mem>>)
        %dma_start3A_53 = arith.constant 0 : i32
        %dma_start3A_54 = tpu.memref_slice %arg13[%scan3A_47, %dma_start3A_53] : memref<9x128xi32, #tpu.memory_space<vmem>> -> memref<1x128xi32, #tpu.memory_space<vmem>>
        %dma_start3A_55 = tpu.memref_squeeze %dma_start3A_54 : memref<1x128xi32, #tpu.memory_space<vmem>> -> memref<128xi32, #tpu.memory_space<vmem>>
        %dma_start3A_56 = arith.constant 0 : i32
        %dma_start3A_57 = arith.constant 0 : i32
        %dma_start3A_58 = tpu.memref_slice %arg5[%dma_start3A_56, %dma_start3A_57] : memref<10000x16xf32, #tpu.memory_space<hbm>> -> memref<10000x16xf32, #tpu.memory_space<hbm>>
        tpu.enqueue_indirect_dma source(%dma_start3A_58 : memref<10000x16xf32, #tpu.memory_space<hbm>>) target(%arg15 : memref<128x16xf32, #tpu.memory_space<vmem>>) offsets(%dma_start3A_55 : memref<128xi32, #tpu.memory_space<vmem>>) semaphore(%arg20 : memref<!tpu.dma_semaphore, #tpu.memory_space<semaphore_mem>>)
        %dma_start3A_59 = arith.constant 0 : i32
        %dma_start3A_60 = tpu.memref_slice %arg14[%scan3A_47, %dma_start3A_59] : memref<9x128xi32, #tpu.memory_space<vmem>> -> memref<1x128xi32, #tpu.memory_space<vmem>>
        %dma_start3A_61 = tpu.memref_squeeze %dma_start3A_60 : memref<1x128xi32, #tpu.memory_space<vmem>> -> memref<128xi32, #tpu.memory_space<vmem>>
        %dma_start3A_62 = arith.constant 0 : i32
        %dma_start3A_63 = arith.constant 0 : i32
        %dma_start3A_64 = tpu.memref_slice %arg6[%dma_start3A_62, %dma_start3A_63] : memref<10000x16xf32, #tpu.memory_space<hbm>> -> memref<10000x16xf32, #tpu.memory_space<hbm>>
        tpu.enqueue_indirect_dma source(%dma_start3A_64 : memref<10000x16xf32, #tpu.memory_space<hbm>>) target(%arg16 : memref<128x16xf32, #tpu.memory_space<vmem>>) offsets(%dma_start3A_61 : memref<128xi32, #tpu.memory_space<vmem>>) semaphore(%arg21 : memref<!tpu.dma_semaphore, #tpu.memory_space<semaphore_mem>>)
        %dma_wait3A = arith.constant 0 : i32
        %dma_wait3A_65 = tpu.memref_slice %arg13[%scan3A_47, %dma_wait3A] : memref<9x128xi32, #tpu.memory_space<vmem>> -> memref<1x128xi32, #tpu.memory_space<vmem>>
        %dma_wait3A_66 = tpu.memref_squeeze %dma_wait3A_65 : memref<1x128xi32, #tpu.memory_space<vmem>> -> memref<128xi32, #tpu.memory_space<vmem>>
        %dma_wait3A_67 = arith.constant 0 : i32
        %dma_wait3A_68 = arith.constant 0 : i32
        %dma_wait3A_69 = tpu.memref_slice %arg5[%dma_wait3A_67, %dma_wait3A_68] : memref<10000x16xf32, #tpu.memory_space<hbm>> -> memref<10000x16xf32, #tpu.memory_space<hbm>>
        tpu.wait_indirect_dma semaphore(%arg20 : memref<!tpu.dma_semaphore, #tpu.memory_space<semaphore_mem>>) src(%dma_wait3A_69 : memref<10000x16xf32, #tpu.memory_space<hbm>>) dst(%arg15 : memref<128x16xf32, #tpu.memory_space<vmem>>)
        %dma_wait3A_70 = arith.constant 0 : i32
        %dma_wait3A_71 = tpu.memref_slice %arg14[%scan3A_47, %dma_wait3A_70] : memref<9x128xi32, #tpu.memory_space<vmem>> -> memref<1x128xi32, #tpu.memory_space<vmem>>
        %dma_wait3A_72 = tpu.memref_squeeze %dma_wait3A_71 : memref<1x128xi32, #tpu.memory_space<vmem>> -> memref<128xi32, #tpu.memory_space<vmem>>
        %dma_wait3A_73 = arith.constant 0 : i32
        %dma_wait3A_74 = arith.constant 0 : i32
        %dma_wait3A_75 = tpu.memref_slice %arg6[%dma_wait3A_73, %dma_wait3A_74] : memref<10000x16xf32, #tpu.memory_space<hbm>> -> memref<10000x16xf32, #tpu.memory_space<hbm>>
        tpu.wait_indirect_dma semaphore(%arg21 : memref<!tpu.dma_semaphore, #tpu.memory_space<semaphore_mem>>) src(%dma_wait3A_75 : memref<10000x16xf32, #tpu.memory_space<hbm>>) dst(%arg16 : memref<128x16xf32, #tpu.memory_space<vmem>>)
        %parallel_loop3A = arith.constant 0 : i32
        %parallel_loop3A_76 = arith.constant 128 : i32
        %parallel_loop3A_77 = arith.constant 1 : i32
        scf.for %parallel_loop3A_111 = %parallel_loop3A to %parallel_loop3A_76 step %parallel_loop3A_77  : i32 {
          %parallel_loop3A_112 = arith.index_cast %parallel_loop3A_111 : i32 to index
          %parallel_loop3A_113 = arith.constant 0 : index
          %parallel_loop3A_114 = tpu.vector_load %arg15[%parallel_loop3A_112, %parallel_loop3A_113] {strides = array<i32>} : memref<128x16xf32, #tpu.memory_space<vmem>>, vector<1x16xf32>,
          %parallel_loop3A_115 = vector.shape_cast %parallel_loop3A_114 : vector<1x16xf32> to vector<16xf32>
          %parallel_loop3A_116 = arith.index_cast %parallel_loop3A_111 : i32 to index
          %parallel_loop3A_117 = arith.constant 0 : index
          %parallel_loop3A_118 = tpu.vector_load %arg16[%parallel_loop3A_116, %parallel_loop3A_117] {strides = array<i32>} : memref<128x16xf32, #tpu.memory_space<vmem>>, vector<1x16xf32>,
          %parallel_loop3A_119 = vector.shape_cast %parallel_loop3A_118 : vector<1x16xf32> to vector<16xf32>
          %parallel_loop3A_120 = arith.addf %parallel_loop3A_115, %parallel_loop3A_119 : vector<16xf32>
          %parallel_loop3A_121 = arith.constant 2.000000e-01 : f32
          %parallel_loop3A_122 = vector.broadcast %parallel_loop3A_121 : f32 to vector<16xf32>
          %parallel_loop3A_123 = arith.mulf %parallel_loop3A_122, %parallel_loop3A_120 : vector<16xf32>
          %parallel_loop3A_124 = arith.maximumf %parallel_loop3A_120, %parallel_loop3A_123 : vector<16xf32>
          %parallel_loop3A_125 = vector.shape_cast %min3A_21 : vector<16xi32> to vector<16x1xi32>
          %parallel_loop3A_126 = vector.shape_cast %parallel_loop3A_125 : vector<16x1xi32> to vector<16xi32>
          %parallel_loop3A_127 = tpu.dynamic_gather %parallel_loop3A_120[%parallel_loop3A_126] in [0] : vector<16xf32>, vector<16xi32> -> vector<16xf32>
          %parallel_loop3A_128 = arith.subf %parallel_loop3A_124, %parallel_loop3A_127 : vector<16xf32>
          %parallel_loop3A_129 = arith.addf %parallel_loop3A_128, %mul3A_15 : vector<16xf32>
          %parallel_loop3A_130 = math.exp %parallel_loop3A_129 : vector<16xf32>
          %parallel_loop3A_131 = arith.index_cast %parallel_loop3A_111 : i32 to index
          %parallel_loop3A_132 = arith.constant 0 : index
          %parallel_loop3A_133 = tpu.vector_load %arg17[%parallel_loop3A_131, %parallel_loop3A_132] {strides = array<i32>} : memref<128x16xf32, #tpu.memory_space<vmem>>, vector<1x16xf32>,
          %parallel_loop3A_134 = vector.shape_cast %parallel_loop3A_133 : vector<1x16xf32> to vector<16xf32>
          %parallel_loop3A_135 = vector.shape_cast %parallel_loop3A_130 : vector<16xf32> to vector<1x16xf32>
          tpu.vector_store %arg17[%parallel_loop3A_131, %parallel_loop3A_132], %parallel_loop3A_135 {strides = array<i32>} : memref<128x16xf32, #tpu.memory_space<vmem>>, vector<1x16xf32>,
        } {sc.loop_unroll_factor = 8 : i64, sc.parallel_access}
        %dma_start3A_78 = arith.constant 0 : i32
        %dma_start3A_79 = tpu.memref_slice %arg14[%scan3A_47, %dma_start3A_78] : memref<9x128xi32, #tpu.memory_space<vmem>> -> memref<1x128xi32, #tpu.memory_space<vmem>>
        %dma_start3A_80 = tpu.memref_squeeze %dma_start3A_79 : memref<1x128xi32, #tpu.memory_space<vmem>> -> memref<128xi32, #tpu.memory_space<vmem>>
        %dma_start3A_81 = arith.constant 0 : i32
        %dma_start3A_82 = arith.constant 0 : i32
        %dma_start3A_83 = tpu.memref_slice %arg12[%dma_start3A_81, %dma_start3A_82] : memref<10112x16xf32, #tpu.memory_space<vmem_shared>> -> memref<10112x16xf32, #tpu.memory_space<vmem_shared>>
        tpu.enqueue_indirect_dma source(%arg17 : memref<128x16xf32, #tpu.memory_space<vmem>>) target(%dma_start3A_83 : memref<10112x16xf32, #tpu.memory_space<vmem_shared>>) offsets(%dma_start3A_80 : memref<128xi32, #tpu.memory_space<vmem>>) semaphore(%arg22 : memref<!tpu.dma_semaphore, #tpu.memory_space<semaphore_mem>>) {add = true}
        %dma_wait3A_84 = arith.constant 0 : i32
        %dma_wait3A_85 = tpu.memref_slice %arg13[%scan3A_47, %dma_wait3A_84] : memref<9x128xi32, #tpu.memory_space<vmem>> -> memref<1x128xi32, #tpu.memory_space<vmem>>
        %dma_wait3A_86 = tpu.memref_squeeze %dma_wait3A_85 : memref<1x128xi32, #tpu.memory_space<vmem>> -> memref<128xi32, #tpu.memory_space<vmem>>
        %dma_wait3A_87 = arith.constant 0 : i32
        %dma_wait3A_88 = arith.constant 0 : i32
        %dma_wait3A_89 = tpu.memref_slice %arg4[%dma_wait3A_87, %dma_wait3A_88] : memref<10000x128xf32, #tpu.memory_space<hbm>> -> memref<10000x128xf32, #tpu.memory_space<hbm>>
        tpu.wait_indirect_dma semaphore(%arg19 : memref<!tpu.dma_semaphore, #tpu.memory_space<semaphore_mem>>) src(%dma_wait3A_89 : memref<10000x128xf32, #tpu.memory_space<hbm>>) dst(%arg18 : memref<128x128xf32, #tpu.memory_space<vmem>>)
        %parallel_loop3A_90 = arith.constant 0 : i32
        %parallel_loop3A_91 = arith.constant 128 : i32
        %parallel_loop3A_92 = arith.constant 1 : i32
        scf.for %parallel_loop3A_111 = %parallel_loop3A_90 to %parallel_loop3A_91 step %parallel_loop3A_92  : i32 {
          %parallel_loop3A_112 = arith.index_cast %parallel_loop3A_111 : i32 to index
          %parallel_loop3A_113 = arith.constant 0 : index
          %parallel_loop3A_114 = tpu.vector_load %arg17[%parallel_loop3A_112, %parallel_loop3A_113] {strides = array<i32>} : memref<128x16xf32, #tpu.memory_space<vmem>>, vector<1x16xf32>,
          %parallel_loop3A_115 = vector.shape_cast %parallel_loop3A_114 : vector<1x16xf32> to vector<16xf32>
          %parallel_loop3A_116 = arith.index_cast %parallel_loop3A_111 : i32 to index
          %parallel_loop3A_117 = arith.constant 0 : index
          %parallel_loop3A_118 = tpu.vector_load %arg18[%parallel_loop3A_116, %parallel_loop3A_117] {strides = array<i32>} : memref<128x128xf32, #tpu.memory_space<vmem>>, vector<1x16xf32>,
          %parallel_loop3A_119 = vector.shape_cast %parallel_loop3A_118 : vector<1x16xf32> to vector<16xf32>
          %parallel_loop3A_120 = arith.constant 0 : i32
          %parallel_loop3A_121 = vector.broadcast %parallel_loop3A_120 : i32 to vector<16xi32>
          %parallel_loop3A_122 = vector.shape_cast %parallel_loop3A_121 : vector<16xi32> to vector<16x1xi32>
          %parallel_loop3A_123 = vector.shape_cast %parallel_loop3A_122 : vector<16x1xi32> to vector<16xi32>
          %parallel_loop3A_124 = tpu.dynamic_gather %parallel_loop3A_115[%parallel_loop3A_123] in [0] : vector<16xf32>, vector<16xi32> -> vector<16xf32>
          %parallel_loop3A_125 = arith.mulf %parallel_loop3A_119, %parallel_loop3A_124 : vector<16xf32>
          %parallel_loop3A_126 = arith.index_cast %parallel_loop3A_111 : i32 to index
          %parallel_loop3A_127 = arith.constant 0 : index
          %parallel_loop3A_128 = tpu.vector_load %arg18[%parallel_loop3A_126, %parallel_loop3A_127] {strides = array<i32>} : memref<128x128xf32, #tpu.memory_space<vmem>>, vector<1x16xf32>,
          %parallel_loop3A_129 = vector.shape_cast %parallel_loop3A_128 : vector<1x16xf32> to vector<16xf32>
          %parallel_loop3A_130 = vector.shape_cast %parallel_loop3A_125 : vector<16xf32> to vector<1x16xf32>
          tpu.vector_store %arg18[%parallel_loop3A_126, %parallel_loop3A_127], %parallel_loop3A_130 {strides = array<i32>} : memref<128x128xf32, #tpu.memory_space<vmem>>, vector<1x16xf32>,
          %parallel_loop3A_131 = arith.index_cast %parallel_loop3A_111 : i32 to index
          %parallel_loop3A_132 = arith.constant 16 : index
          %parallel_loop3A_133 = tpu.vector_load %arg18[%parallel_loop3A_131, %parallel_loop3A_132] {strides = array<i32>} : memref<128x128xf32, #tpu.memory_space<vmem>>, vector<1x16xf32>,
          %parallel_loop3A_134 = vector.shape_cast %parallel_loop3A_133 : vector<1x16xf32> to vector<16xf32>
          %parallel_loop3A_135 = arith.constant 1 : i32
          %parallel_loop3A_136 = vector.broadcast %parallel_loop3A_135 : i32 to vector<16xi32>
          %parallel_loop3A_137 = vector.shape_cast %parallel_loop3A_136 : vector<16xi32> to vector<16x1xi32>
          %parallel_loop3A_138 = vector.shape_cast %parallel_loop3A_137 : vector<16x1xi32> to vector<16xi32>
          %parallel_loop3A_139 = tpu.dynamic_gather %parallel_loop3A_115[%parallel_loop3A_138] in [0] : vector<16xf32>, vector<16xi32> -> vector<16xf32>
          %parallel_loop3A_140 = arith.mulf %parallel_loop3A_134, %parallel_loop3A_139 : vector<16xf32>
          %parallel_loop3A_141 = arith.index_cast %parallel_loop3A_111 : i32 to index
          %parallel_loop3A_142 = arith.constant 16 : index
          %parallel_loop3A_143 = tpu.vector_load %arg18[%parallel_loop3A_141, %parallel_loop3A_142] {strides = array<i32>} : memref<128x128xf32, #tpu.memory_space<vmem>>, vector<1x16xf32>,
          %parallel_loop3A_144 = vector.shape_cast %parallel_loop3A_143 : vector<1x16xf32> to vector<16xf32>
          %parallel_loop3A_145 = vector.shape_cast %parallel_loop3A_140 : vector<16xf32> to vector<1x16xf32>
          tpu.vector_store %arg18[%parallel_loop3A_141, %parallel_loop3A_142], %parallel_loop3A_145 {strides = array<i32>} : memref<128x128xf32, #tpu.memory_space<vmem>>, vector<1x16xf32>,
          %parallel_loop3A_146 = arith.index_cast %parallel_loop3A_111 : i32 to index
          %parallel_loop3A_147 = arith.constant 32 : index
          %parallel_loop3A_148 = tpu.vector_load %arg18[%parallel_loop3A_146, %parallel_loop3A_147] {strides = array<i32>} : memref<128x128xf32, #tpu.memory_space<vmem>>, vector<1x16xf32>,
          %parallel_loop3A_149 = vector.shape_cast %parallel_loop3A_148 : vector<1x16xf32> to vector<16xf32>
          %parallel_loop3A_150 = arith.constant 2 : i32
          %parallel_loop3A_151 = vector.broadcast %parallel_loop3A_150 : i32 to vector<16xi32>
          %parallel_loop3A_152 = vector.shape_cast %parallel_loop3A_151 : vector<16xi32> to vector<16x1xi32>
          %parallel_loop3A_153 = vector.shape_cast %parallel_loop3A_152 : vector<16x1xi32> to vector<16xi32>
          %parallel_loop3A_154 = tpu.dynamic_gather %parallel_loop3A_115[%parallel_loop3A_153] in [0] : vector<16xf32>, vector<16xi32> -> vector<16xf32>
          %parallel_loop3A_155 = arith.mulf %parallel_loop3A_149, %parallel_loop3A_154 : vector<16xf32>
          %parallel_loop3A_156 = arith.index_cast %parallel_loop3A_111 : i32 to index
          %parallel_loop3A_157 = arith.constant 32 : index
          %parallel_loop3A_158 = tpu.vector_load %arg18[%parallel_loop3A_156, %parallel_loop3A_157] {strides = array<i32>} : memref<128x128xf32, #tpu.memory_space<vmem>>, vector<1x16xf32>,
          %parallel_loop3A_159 = vector.shape_cast %parallel_loop3A_158 : vector<1x16xf32> to vector<16xf32>
          %parallel_loop3A_160 = vector.shape_cast %parallel_loop3A_155 : vector<16xf32> to vector<1x16xf32>
          tpu.vector_store %arg18[%parallel_loop3A_156, %parallel_loop3A_157], %parallel_loop3A_160 {strides = array<i32>} : memref<128x128xf32, #tpu.memory_space<vmem>>, vector<1x16xf32>,
          %parallel_loop3A_161 = arith.index_cast %parallel_loop3A_111 : i32 to index
          %parallel_loop3A_162 = arith.constant 48 : index
          %parallel_loop3A_163 = tpu.vector_load %arg18[%parallel_loop3A_161, %parallel_loop3A_162] {strides = array<i32>} : memref<128x128xf32, #tpu.memory_space<vmem>>, vector<1x16xf32>,
          %parallel_loop3A_164 = vector.shape_cast %parallel_loop3A_163 : vector<1x16xf32> to vector<16xf32>
          %parallel_loop3A_165 = arith.constant 3 : i32
          %parallel_loop3A_166 = vector.broadcast %parallel_loop3A_165 : i32 to vector<16xi32>
          %parallel_loop3A_167 = vector.shape_cast %parallel_loop3A_166 : vector<16xi32> to vector<16x1xi32>
          %parallel_loop3A_168 = vector.shape_cast %parallel_loop3A_167 : vector<16x1xi32> to vector<16xi32>
          %parallel_loop3A_169 = tpu.dynamic_gather %parallel_loop3A_115[%parallel_loop3A_168] in [0] : vector<16xf32>, vector<16xi32> -> vector<16xf32>
          %parallel_loop3A_170 = arith.mulf %parallel_loop3A_164, %parallel_loop3A_169 : vector<16xf32>
          %parallel_loop3A_171 = arith.index_cast %parallel_loop3A_111 : i32 to index
          %parallel_loop3A_172 = arith.constant 48 : index
          %parallel_loop3A_173 = tpu.vector_load %arg18[%parallel_loop3A_171, %parallel_loop3A_172] {strides = array<i32>} : memref<128x128xf32, #tpu.memory_space<vmem>>, vector<1x16xf32>,
          %parallel_loop3A_174 = vector.shape_cast %parallel_loop3A_173 : vector<1x16xf32> to vector<16xf32>
          %parallel_loop3A_175 = vector.shape_cast %parallel_loop3A_170 : vector<16xf32> to vector<1x16xf32>
          tpu.vector_store %arg18[%parallel_loop3A_171, %parallel_loop3A_172], %parallel_loop3A_175 {strides = array<i32>} : memref<128x128xf32, #tpu.memory_space<vmem>>, vector<1x16xf32>,
          %parallel_loop3A_176 = arith.index_cast %parallel_loop3A_111 : i32 to index
          %parallel_loop3A_177 = arith.constant 64 : index
          %parallel_loop3A_178 = tpu.vector_load %arg18[%parallel_loop3A_176, %parallel_loop3A_177] {strides = array<i32>} : memref<128x128xf32, #tpu.memory_space<vmem>>, vector<1x16xf32>,
          %parallel_loop3A_179 = vector.shape_cast %parallel_loop3A_178 : vector<1x16xf32> to vector<16xf32>
          %parallel_loop3A_180 = arith.constant 4 : i32
          %parallel_loop3A_181 = vector.broadcast %parallel_loop3A_180 : i32 to vector<16xi32>
          %parallel_loop3A_182 = vector.shape_cast %parallel_loop3A_181 : vector<16xi32> to vector<16x1xi32>
          %parallel_loop3A_183 = vector.shape_cast %parallel_loop3A_182 : vector<16x1xi32> to vector<16xi32>
          %parallel_loop3A_184 = tpu.dynamic_gather %parallel_loop3A_115[%parallel_loop3A_183] in [0] : vector<16xf32>, vector<16xi32> -> vector<16xf32>
          %parallel_loop3A_185 = arith.mulf %parallel_loop3A_179, %parallel_loop3A_184 : vector<16xf32>
          %parallel_loop3A_186 = arith.index_cast %parallel_loop3A_111 : i32 to index
          %parallel_loop3A_187 = arith.constant 64 : index
          %parallel_loop3A_188 = tpu.vector_load %arg18[%parallel_loop3A_186, %parallel_loop3A_187] {strides = array<i32>} : memref<128x128xf32, #tpu.memory_space<vmem>>, vector<1x16xf32>,
          %parallel_loop3A_189 = vector.shape_cast %parallel_loop3A_188 : vector<1x16xf32> to vector<16xf32>
          %parallel_loop3A_190 = vector.shape_cast %parallel_loop3A_185 : vector<16xf32> to vector<1x16xf32>
          tpu.vector_store %arg18[%parallel_loop3A_186, %parallel_loop3A_187], %parallel_loop3A_190 {strides = array<i32>} : memref<128x128xf32, #tpu.memory_space<vmem>>, vector<1x16xf32>,
          %parallel_loop3A_191 = arith.index_cast %parallel_loop3A_111 : i32 to index
          %parallel_loop3A_192 = arith.constant 80 : index
          %parallel_loop3A_193 = tpu.vector_load %arg18[%parallel_loop3A_191, %parallel_loop3A_192] {strides = array<i32>} : memref<128x128xf32, #tpu.memory_space<vmem>>, vector<1x16xf32>,
          %parallel_loop3A_194 = vector.shape_cast %parallel_loop3A_193 : vector<1x16xf32> to vector<16xf32>
          %parallel_loop3A_195 = arith.constant 5 : i32
          %parallel_loop3A_196 = vector.broadcast %parallel_loop3A_195 : i32 to vector<16xi32>
          %parallel_loop3A_197 = vector.shape_cast %parallel_loop3A_196 : vector<16xi32> to vector<16x1xi32>
          %parallel_loop3A_198 = vector.shape_cast %parallel_loop3A_197 : vector<16x1xi32> to vector<16xi32>
          %parallel_loop3A_199 = tpu.dynamic_gather %parallel_loop3A_115[%parallel_loop3A_198] in [0] : vector<16xf32>, vector<16xi32> -> vector<16xf32>
          %parallel_loop3A_200 = arith.mulf %parallel_loop3A_194, %parallel_loop3A_199 : vector<16xf32>
          %parallel_loop3A_201 = arith.index_cast %parallel_loop3A_111 : i32 to index
          %parallel_loop3A_202 = arith.constant 80 : index
          %parallel_loop3A_203 = tpu.vector_load %arg18[%parallel_loop3A_201, %parallel_loop3A_202] {strides = array<i32>} : memref<128x128xf32, #tpu.memory_space<vmem>>, vector<1x16xf32>,
          %parallel_loop3A_204 = vector.shape_cast %parallel_loop3A_203 : vector<1x16xf32> to vector<16xf32>
          %parallel_loop3A_205 = vector.shape_cast %parallel_loop3A_200 : vector<16xf32> to vector<1x16xf32>
          tpu.vector_store %arg18[%parallel_loop3A_201, %parallel_loop3A_202], %parallel_loop3A_205 {strides = array<i32>} : memref<128x128xf32, #tpu.memory_space<vmem>>, vector<1x16xf32>,
          %parallel_loop3A_206 = arith.index_cast %parallel_loop3A_111 : i32 to index
          %parallel_loop3A_207 = arith.constant 96 : index
          %parallel_loop3A_208 = tpu.vector_load %arg18[%parallel_loop3A_206, %parallel_loop3A_207] {strides = array<i32>} : memref<128x128xf32, #tpu.memory_space<vmem>>, vector<1x16xf32>,
          %parallel_loop3A_209 = vector.shape_cast %parallel_loop3A_208 : vector<1x16xf32> to vector<16xf32>
          %parallel_loop3A_210 = arith.constant 6 : i32
          %parallel_loop3A_211 = vector.broadcast %parallel_loop3A_210 : i32 to vector<16xi32>
          %parallel_loop3A_212 = vector.shape_cast %parallel_loop3A_211 : vector<16xi32> to vector<16x1xi32>
          %parallel_loop3A_213 = vector.shape_cast %parallel_loop3A_212 : vector<16x1xi32> to vector<16xi32>
          %parallel_loop3A_214 = tpu.dynamic_gather %parallel_loop3A_115[%parallel_loop3A_213] in [0] : vector<16xf32>, vector<16xi32> -> vector<16xf32>
          %parallel_loop3A_215 = arith.mulf %parallel_loop3A_209, %parallel_loop3A_214 : vector<16xf32>
          %parallel_loop3A_216 = arith.index_cast %parallel_loop3A_111 : i32 to index
          %parallel_loop3A_217 = arith.constant 96 : index
          %parallel_loop3A_218 = tpu.vector_load %arg18[%parallel_loop3A_216, %parallel_loop3A_217] {strides = array<i32>} : memref<128x128xf32, #tpu.memory_space<vmem>>, vector<1x16xf32>,
          %parallel_loop3A_219 = vector.shape_cast %parallel_loop3A_218 : vector<1x16xf32> to vector<16xf32>
          %parallel_loop3A_220 = vector.shape_cast %parallel_loop3A_215 : vector<16xf32> to vector<1x16xf32>
          tpu.vector_store %arg18[%parallel_loop3A_216, %parallel_loop3A_217], %parallel_loop3A_220 {strides = array<i32>} : memref<128x128xf32, #tpu.memory_space<vmem>>, vector<1x16xf32>,
          %parallel_loop3A_221 = arith.index_cast %parallel_loop3A_111 : i32 to index
          %parallel_loop3A_222 = arith.constant 112 : index
          %parallel_loop3A_223 = tpu.vector_load %arg18[%parallel_loop3A_221, %parallel_loop3A_222] {strides = array<i32>} : memref<128x128xf32, #tpu.memory_space<vmem>>, vector<1x16xf32>,
          %parallel_loop3A_224 = vector.shape_cast %parallel_loop3A_223 : vector<1x16xf32> to vector<16xf32>
          %parallel_loop3A_225 = arith.constant 7 : i32
          %parallel_loop3A_226 = vector.broadcast %parallel_loop3A_225 : i32 to vector<16xi32>
          %parallel_loop3A_227 = vector.shape_cast %parallel_loop3A_226 : vector<16xi32> to vector<16x1xi32>
          %parallel_loop3A_228 = vector.shape_cast %parallel_loop3A_227 : vector<16x1xi32> to vector<16xi32>
          %parallel_loop3A_229 = tpu.dynamic_gather %parallel_loop3A_115[%parallel_loop3A_228] in [0] : vector<16xf32>, vector<16xi32> -> vector<16xf32>
          %parallel_loop3A_230 = arith.mulf %parallel_loop3A_224, %parallel_loop3A_229 : vector<16xf32>
          %parallel_loop3A_231 = arith.index_cast %parallel_loop3A_111 : i32 to index
          %parallel_loop3A_232 = arith.constant 112 : index
          %parallel_loop3A_233 = tpu.vector_load %arg18[%parallel_loop3A_231, %parallel_loop3A_232] {strides = array<i32>} : memref<128x128xf32, #tpu.memory_space<vmem>>, vector<1x16xf32>,
          %parallel_loop3A_234 = vector.shape_cast %parallel_loop3A_233 : vector<1x16xf32> to vector<16xf32>
          %parallel_loop3A_235 = vector.shape_cast %parallel_loop3A_230 : vector<16xf32> to vector<1x16xf32>
          tpu.vector_store %arg18[%parallel_loop3A_231, %parallel_loop3A_232], %parallel_loop3A_235 {strides = array<i32>} : memref<128x128xf32, #tpu.memory_space<vmem>>, vector<1x16xf32>,
        } {sc.loop_unroll_factor = 4 : i64, sc.parallel_access}
        %dma_start3A_93 = arith.constant 0 : i32
        %dma_start3A_94 = tpu.memref_slice %arg14[%scan3A_47, %dma_start3A_93] : memref<9x128xi32, #tpu.memory_space<vmem>> -> memref<1x128xi32, #tpu.memory_space<vmem>>
        %dma_start3A_95 = tpu.memref_squeeze %dma_start3A_94 : memref<1x128xi32, #tpu.memory_space<vmem>> -> memref<128xi32, #tpu.memory_space<vmem>>
        %dma_start3A_96 = arith.constant 0 : i32
        %dma_start3A_97 = arith.constant 0 : i32
        %dma_start3A_98 = tpu.memref_slice %arg11[%dma_start3A_96, %dma_start3A_97] : memref<10112x128xf32, #tpu.memory_space<vmem_shared>> -> memref<10112x128xf32, #tpu.memory_space<vmem_shared>>
        tpu.enqueue_indirect_dma source(%arg18 : memref<128x128xf32, #tpu.memory_space<vmem>>) target(%dma_start3A_98 : memref<10112x128xf32, #tpu.memory_space<vmem_shared>>) offsets(%dma_start3A_95 : memref<128xi32, #tpu.memory_space<vmem>>) semaphore(%arg23 : memref<!tpu.dma_semaphore, #tpu.memory_space<semaphore_mem>>) {add = true}
        %dma_wait3A_99 = arith.constant 0 : i32
        %dma_wait3A_100 = tpu.memref_slice %arg14[%scan3A_47, %dma_wait3A_99] : memref<9x128xi32, #tpu.memory_space<vmem>> -> memref<1x128xi32, #tpu.memory_space<vmem>>
        %dma_wait3A_101 = tpu.memref_squeeze %dma_wait3A_100 : memref<1x128xi32, #tpu.memory_space<vmem>> -> memref<128xi32, #tpu.memory_space<vmem>>
        %dma_wait3A_102 = arith.constant 0 : i32
        %dma_wait3A_103 = arith.constant 0 : i32
        %dma_wait3A_104 = tpu.memref_slice %arg12[%dma_wait3A_102, %dma_wait3A_103] : memref<10112x16xf32, #tpu.memory_space<vmem_shared>> -> memref<10112x16xf32, #tpu.memory_space<vmem_shared>>
        tpu.wait_indirect_dma semaphore(%arg22 : memref<!tpu.dma_semaphore, #tpu.memory_space<semaphore_mem>>) src(%arg17 : memref<128x16xf32, #tpu.memory_space<vmem>>) dst(%dma_wait3A_104 : memref<10112x16xf32, #tpu.memory_space<vmem_shared>>)
        %dma_wait3A_105 = arith.constant 0 : i32
        %dma_wait3A_106 = tpu.memref_slice %arg14[%scan3A_47, %dma_wait3A_105] : memref<9x128xi32, #tpu.memory_space<vmem>> -> memref<1x128xi32, #tpu.memory_space<vmem>>
        %dma_wait3A_107 = tpu.memref_squeeze %dma_wait3A_106 : memref<1x128xi32, #tpu.memory_space<vmem>> -> memref<128xi32, #tpu.memory_space<vmem>>
        %dma_wait3A_108 = arith.constant 0 : i32
        %dma_wait3A_109 = arith.constant 0 : i32
        %dma_wait3A_110 = tpu.memref_slice %arg11[%dma_wait3A_108, %dma_wait3A_109] : memref<10112x128xf32, #tpu.memory_space<vmem_shared>> -> memref<10112x128xf32, #tpu.memory_space<vmem_shared>>
        tpu.wait_indirect_dma semaphore(%arg23 : memref<!tpu.dma_semaphore, #tpu.memory_space<semaphore_mem>>) src(%arg18 : memref<128x128xf32, #tpu.memory_space<vmem>>) dst(%dma_wait3A_110 : memref<10112x128xf32, #tpu.memory_space<vmem_shared>>)
      }
      %scan3A_46 = arith.constant 9 : i32
    }
    %scan3A_26 = arith.constant 9 : i32
    %barrier3A_27 = arith.constant 0 : index
    tpu.barrier barrier_id(%barrier3A_27)
    %mul3A_28 = arith.constant 632 : i32
    %mul3A_29 = arith.muli %arg1, %mul3A_28 : i32
    %mul3A_30 = arith.constant 632 : i32
    %mul3A_31 = arith.muli %arg1, %mul3A_30 : i32
    "tpu.region"() ({
      %run_scoped3A = tpu.sem_alloc : memref<!tpu.dma_semaphore, #tpu.memory_space<semaphore_mem>>
      %dma_start3A = arith.constant 0 : i32
      %dma_start3A_36 = tpu.memref_slice %arg9[%arg0, %mul3A_31, %dma_start3A] : memref<2x10112x128xf32, #tpu.memory_space<hbm>> -> memref<1x632x128xf32, #tpu.memory_space<hbm>>
      %dma_start3A_37 = tpu.memref_squeeze %dma_start3A_36 : memref<1x632x128xf32, #tpu.memory_space<hbm>> -> memref<632x128xf32, #tpu.memory_space<hbm>>
      %dma_start3A_38 = arith.constant 0 : i32
      %dma_start3A_39 = tpu.memref_slice %arg11[%mul3A_29, %dma_start3A_38] : memref<10112x128xf32, #tpu.memory_space<vmem_shared>> -> memref<632x128xf32, #tpu.memory_space<vmem_shared>>
      tpu.enqueue_dma source(%dma_start3A_39 : memref<632x128xf32, #tpu.memory_space<vmem_shared>>) target(%dma_start3A_37 : memref<632x128xf32, #tpu.memory_space<hbm>>) target_semaphore(%run_scoped3A : memref<!tpu.dma_semaphore, #tpu.memory_space<semaphore_mem>>)
      %dma_wait3A = arith.constant 0 : i32
      %dma_wait3A_40 = tpu.memref_slice %arg9[%arg0, %mul3A_31, %dma_wait3A] : memref<2x10112x128xf32, #tpu.memory_space<hbm>> -> memref<1x632x128xf32, #tpu.memory_space<hbm>>
      %dma_wait3A_41 = tpu.memref_squeeze %dma_wait3A_40 : memref<1x632x128xf32, #tpu.memory_space<hbm>> -> memref<632x128xf32, #tpu.memory_space<hbm>>
      %dma_wait3A_42 = arith.constant 0 : i32
      %dma_wait3A_43 = tpu.memref_slice %arg11[%mul3A_29, %dma_wait3A_42] : memref<10112x128xf32, #tpu.memory_space<vmem_shared>> -> memref<632x128xf32, #tpu.memory_space<vmem_shared>>
      tpu.wait_dma2 semaphore(%run_scoped3A : memref<!tpu.dma_semaphore, #tpu.memory_space<semaphore_mem>>) src(%dma_wait3A_43 : memref<632x128xf32, #tpu.memory_space<vmem_shared>>) dst(%dma_wait3A_41 : memref<632x128xf32, #tpu.memory_space<hbm>>)
      tpu.yield
    }) : () -> ()
    %mul3A_32 = arith.constant 632 : i32
    %mul3A_33 = arith.muli %arg1, %mul3A_32 : i32
    %mul3A_34 = arith.constant 632 : i32
    %mul3A_35 = arith.muli %arg1, %mul3A_34 : i32
    "tpu.region"() ({
      %run_scoped3A = tpu.sem_alloc : memref<!tpu.dma_semaphore, #tpu.memory_space<semaphore_mem>>
      %dma_start3A = arith.constant 0 : i32
      %dma_start3A_36 = tpu.memref_slice %arg10[%arg0, %mul3A_35, %dma_start3A] : memref<2x10112x16xf32, #tpu.memory_space<hbm>> -> memref<1x632x16xf32, #tpu.memory_space<hbm>>
      %dma_start3A_37 = tpu.memref_squeeze %dma_start3A_36 : memref<1x632x16xf32, #tpu.memory_space<hbm>> -> memref<632x16xf32, #tpu.memory_space<hbm>>
      %dma_start3A_38 = arith.constant 0 : i32
      %dma_start3A_39 = tpu.memref_slice %arg12[%mul3A_33, %dma_start3A_38] : memref<10112x16xf32, #tpu.memory_space<vmem_shared>> -> memref<632x16xf32, #tpu.memory_space<vmem_shared>>
      tpu.enqueue_dma source(%dma_start3A_39 : memref<632x16xf32, #tpu.memory_space<vmem_shared>>) target(%dma_start3A_37 : memref<632x16xf32, #tpu.memory_space<hbm>>) target_semaphore(%run_scoped3A : memref<!tpu.dma_semaphore, #tpu.memory_space<semaphore_mem>>)
      %dma_wait3A = arith.constant 0 : i32
      %dma_wait3A_40 = tpu.memref_slice %arg10[%arg0, %mul3A_35, %dma_wait3A] : memref<2x10112x16xf32, #tpu.memory_space<hbm>> -> memref<1x632x16xf32, #tpu.memory_space<hbm>>
      %dma_wait3A_41 = tpu.memref_squeeze %dma_wait3A_40 : memref<1x632x16xf32, #tpu.memory_space<hbm>> -> memref<632x16xf32, #tpu.memory_space<hbm>>
      %dma_wait3A_42 = arith.constant 0 : i32
      %dma_wait3A_43 = tpu.memref_slice %arg12[%mul3A_33, %dma_wait3A_42] : memref<10112x16xf32, #tpu.memory_space<vmem_shared>> -> memref<632x16xf32, #tpu.memory_space<vmem_shared>>
      tpu.wait_dma2 semaphore(%run_scoped3A : memref<!tpu.dma_semaphore, #tpu.memory_space<semaphore_mem>>) src(%dma_wait3A_43 : memref<632x16xf32, #tpu.memory_space<vmem_shared>>) dst(%dma_wait3A_41 : memref<632x16xf32, #tpu.memory_space<hbm>>)
      tpu.yield
    }) : () -> ()
    return
  }
}

#map = affine_map<(d0, d1) -> (0, 0, 0)>
#map1 = affine_map<(d0, d1) -> (0, 0)>
module attributes {stable_mosaic.version = 14 : i64} {
  func.func @_edge_body(%arg0: i32, %arg1: i32, %arg2: memref<32x81x128xi32, #tpu.memory_space<hbm>>, %arg3: memref<32x81x128xi32, #tpu.memory_space<hbm>>, %arg4: memref<10000x128xf32, #tpu.memory_space<hbm>>, %arg5: memref<10000x16xf32, #tpu.memory_space<hbm>>, %arg6: memref<10000x16xf32, #tpu.memory_space<hbm>>, %arg7: memref<10112x128xf32, #tpu.memory_space<hbm>>, %arg8: memref<10112x16xf32, #tpu.memory_space<hbm>>, %arg9: memref<2x10112x128xf32, #tpu.memory_space<hbm>>, %arg10: memref<2x10112x16xf32, #tpu.memory_space<hbm>>, %arg11: memref<10112x128xf32, #tpu.memory_space<vmem_shared>>, %arg12: memref<10112x16xf32, #tpu.memory_space<vmem_shared>>, %arg13: memref<9x128xi32, #tpu.memory_space<vmem>>, %arg14: memref<9x128xi32, #tpu.memory_space<vmem>>, %arg15: memref<128x16xf32, #tpu.memory_space<vmem>>, %arg16: memref<128x16xf32, #tpu.memory_space<vmem>>, %arg17: memref<128x16xf32, #tpu.memory_space<vmem>>, %arg18: memref<128x128xf32, #tpu.memory_space<vmem>>, %arg19: memref<!tpu.dma_semaphore, #tpu.memory_space<semaphore_mem>>, %arg20: memref<!tpu.dma_semaphore, #tpu.memory_space<semaphore_mem>>, %arg21: memref<!tpu.dma_semaphore, #tpu.memory_space<semaphore_mem>>, %arg22: memref<!tpu.dma_semaphore, #tpu.memory_space<semaphore_mem>>, %arg23: memref<!tpu.dma_semaphore, #tpu.memory_space<semaphore_mem>>) attributes {dimension_semantics = [#tpu.dimension_semantics<core_parallel>, #tpu.dimension_semantics<subcore_parallel>], iteration_bounds = array<i64: 2, 16>, scalar_prefetch = 0 : i64, scratch_operands = 13 : i64, tpu.core_type = #tpu.core_type<sc_vector_subcore>, window_params = [{transform_indices = #map}, {transform_indices = #map}, {transform_indices = #map1}, {transform_indices = #map1}, {transform_indices = #map1}, {transform_indices = #map1}, {transform_indices = #map1}, {transform_indices = #map}, {transform_indices = #map}]} {
    %mul3A = arith.constant 2 : i32
    %mul3A_0 = arith.muli %arg1, %mul3A : i32
    %add3A = arith.addi %mul3A_0, %arg0 : i32
    %mul3A_1 = arith.constant 632 : i32
    %mul3A_2 = arith.muli %arg1, %mul3A_1 : i32
    %mul3A_3 = arith.constant 632 : i32
    %mul3A_4 = arith.muli %arg1, %mul3A_3 : i32
    "tpu.region"() ({
      %run_scoped3A = tpu.sem_alloc : memref<!tpu.dma_semaphore, #tpu.memory_space<semaphore_mem>>
      %dma_start3A = arith.constant 0 : i32
      %dma_start3A_36 = tpu.memref_slice %arg11[%mul3A_4, %dma_start3A] : memref<10112x128xf32, #tpu.memory_space<vmem_shared>> -> memref<632x128xf32, #tpu.memory_space<vmem_shared>>
      %dma_start3A_37 = arith.constant 0 : i32
      %dma_start3A_38 = tpu.memref_slice %arg7[%mul3A_2, %dma_start3A_37] : memref<10112x128xf32, #tpu.memory_space<hbm>> -> memref<632x128xf32, #tpu.memory_space<hbm>>
      tpu.enqueue_dma source(%dma_start3A_38 : memref<632x128xf32, #tpu.memory_space<hbm>>) target(%dma_start3A_36 : memref<632x128xf32, #tpu.memory_space<vmem_shared>>) target_semaphore(%run_scoped3A : memref<!tpu.dma_semaphore, #tpu.memory_space<semaphore_mem>>)
      %dma_wait3A = arith.constant 0 : i32
      %dma_wait3A_39 = tpu.memref_slice %arg11[%mul3A_4, %dma_wait3A] : memref<10112x128xf32, #tpu.memory_space<vmem_shared>> -> memref<632x128xf32, #tpu.memory_space<vmem_shared>>
      %dma_wait3A_40 = arith.constant 0 : i32
      %dma_wait3A_41 = tpu.memref_slice %arg7[%mul3A_2, %dma_wait3A_40] : memref<10112x128xf32, #tpu.memory_space<hbm>> -> memref<632x128xf32, #tpu.memory_space<hbm>>
      tpu.wait_dma2 semaphore(%run_scoped3A : memref<!tpu.dma_semaphore, #tpu.memory_space<semaphore_mem>>) src(%dma_wait3A_41 : memref<632x128xf32, #tpu.memory_space<hbm>>) dst(%dma_wait3A_39 : memref<632x128xf32, #tpu.memory_space<vmem_shared>>)
      tpu.yield
    }) : () -> ()
    %mul3A_5 = arith.constant 632 : i32
    %mul3A_6 = arith.muli %arg1, %mul3A_5 : i32
    %mul3A_7 = arith.constant 632 : i32
    %mul3A_8 = arith.muli %arg1, %mul3A_7 : i32
    "tpu.region"() ({
      %run_scoped3A = tpu.sem_alloc : memref<!tpu.dma_semaphore, #tpu.memory_space<semaphore_mem>>
      %dma_start3A = arith.constant 0 : i32
      %dma_start3A_36 = tpu.memref_slice %arg12[%mul3A_8, %dma_start3A] : memref<10112x16xf32, #tpu.memory_space<vmem_shared>> -> memref<632x16xf32, #tpu.memory_space<vmem_shared>>
      %dma_start3A_37 = arith.constant 0 : i32
      %dma_start3A_38 = tpu.memref_slice %arg8[%mul3A_6, %dma_start3A_37] : memref<10112x16xf32, #tpu.memory_space<hbm>> -> memref<632x16xf32, #tpu.memory_space<hbm>>
      tpu.enqueue_dma source(%dma_start3A_38 : memref<632x16xf32, #tpu.memory_space<hbm>>) target(%dma_start3A_36 : memref<632x16xf32, #tpu.memory_space<vmem_shared>>) target_semaphore(%run_scoped3A : memref<!tpu.dma_semaphore, #tpu.memory_space<semaphore_mem>>)
      %dma_wait3A = arith.constant 0 : i32
      %dma_wait3A_39 = tpu.memref_slice %arg12[%mul3A_8, %dma_wait3A] : memref<10112x16xf32, #tpu.memory_space<vmem_shared>> -> memref<632x16xf32, #tpu.memory_space<vmem_shared>>
      %dma_wait3A_40 = arith.constant 0 : i32
      %dma_wait3A_41 = tpu.memref_slice %arg8[%mul3A_6, %dma_wait3A_40] : memref<10112x16xf32, #tpu.memory_space<hbm>> -> memref<632x16xf32, #tpu.memory_space<hbm>>
      tpu.wait_dma2 semaphore(%run_scoped3A : memref<!tpu.dma_semaphore, #tpu.memory_space<semaphore_mem>>) src(%dma_wait3A_41 : memref<632x16xf32, #tpu.memory_space<hbm>>) dst(%dma_wait3A_39 : memref<632x16xf32, #tpu.memory_space<vmem_shared>>)
      tpu.yield
    }) : () -> ()
    %barrier3A = arith.constant 0 : index
    tpu.barrier barrier_id(%barrier3A)
    %iota3A = tpu.iota {dimensions = array<i32: 0>} : vector<16xi32>
    %convert_element_type3A = arith.sitofp %iota3A : vector<16xi32> to vector<16xf32>
    %sub3A = arith.constant 7.500000e+00 : f32
    %sub3A_9 = vector.broadcast %sub3A : f32 to vector<16xf32>
    %sub3A_10 = arith.subf %sub3A_9, %convert_element_type3A : vector<16xf32>
    %min3A = arith.constant 0.000000e+00 : f32
    %min3A_11 = vector.broadcast %min3A : f32 to vector<16xf32>
    %min3A_12 = arith.minimumf %sub3A_10, %min3A_11 : vector<16xf32>
    %mul3A_13 = arith.constant 1.000000e+30 : f32
    %mul3A_14 = vector.broadcast %mul3A_13 : f32 to vector<16xf32>
    %mul3A_15 = arith.mulf %min3A_12, %mul3A_14 : vector<16xf32>
    %add3A_16 = arith.constant 8 : i32
    %add3A_17 = vector.broadcast %add3A_16 : i32 to vector<16xi32>
    %add3A_18 = arith.addi %iota3A, %add3A_17 : vector<16xi32>
    %min3A_19 = arith.constant 15 : i32
    %min3A_20 = vector.broadcast %min3A_19 : i32 to vector<16xi32>
    %min3A_21 = arith.minsi %add3A_18, %min3A_20 : vector<16xi32>
    %scan3A = arith.constant 0 : i32
    %scan3A_22 = arith.constant 0 : i32
    %scan3A_23 = arith.constant 9 : i32
    %scan3A_24 = arith.addi %scan3A_22, %scan3A_23 : i32
    %scan3A_25 = arith.constant 1 : i32
    scf.for %scan3A_36 = %scan3A_22 to %scan3A_24 step %scan3A_25  : i32 {
      %mul3A_37 = arith.constant 9 : i32
      %mul3A_38 = arith.muli %scan3A_36, %mul3A_37 : i32
      "tpu.region"() ({
        %run_scoped3A = tpu.sem_alloc : memref<!tpu.dma_semaphore, #tpu.memory_space<semaphore_mem>>
        %dma_start3A = arith.constant 0 : i32
        %dma_start3A_47 = tpu.memref_slice %arg2[%add3A, %mul3A_38, %dma_start3A] : memref<32x81x128xi32, #tpu.memory_space<hbm>> -> memref<1x9x128xi32, #tpu.memory_space<hbm>>
        %dma_start3A_48 = tpu.memref_squeeze %dma_start3A_47 : memref<1x9x128xi32, #tpu.memory_space<hbm>> -> memref<9x128xi32, #tpu.memory_space<hbm>>
        %dma_start3A_49 = arith.constant 0 : i32
        %dma_start3A_50 = tpu.memref_slice %arg2[%add3A, %mul3A_38, %dma_start3A_49] : memref<32x81x128xi32, #tpu.memory_space<hbm>> -> memref<1x9x128xi32, #tpu.memory_space<hbm>>
        %dma_start3A_51 = tpu.memref_squeeze %dma_start3A_50 : memref<1x9x128xi32, #tpu.memory_space<hbm>> -> memref<9x128xi32, #tpu.memory_space<hbm>>
        tpu.enqueue_dma source(%dma_start3A_51 : memref<9x128xi32, #tpu.memory_space<hbm>>) target(%arg13 : memref<9x128xi32, #tpu.memory_space<vmem>>) target_semaphore(%run_scoped3A : memref<!tpu.dma_semaphore, #tpu.memory_space<semaphore_mem>>)
        %dma_wait3A = arith.constant 0 : i32
        %dma_wait3A_52 = tpu.memref_slice %arg2[%add3A, %mul3A_38, %dma_wait3A] : memref<32x81x128xi32, #tpu.memory_space<hbm>> -> memref<1x9x128xi32, #tpu.memory_space<hbm>>
        %dma_wait3A_53 = tpu.memref_squeeze %dma_wait3A_52 : memref<1x9x128xi32, #tpu.memory_space<hbm>> -> memref<9x128xi32, #tpu.memory_space<hbm>>
        %dma_wait3A_54 = arith.constant 0 : i32
        %dma_wait3A_55 = tpu.memref_slice %arg2[%add3A, %mul3A_38, %dma_wait3A_54] : memref<32x81x128xi32, #tpu.memory_space<hbm>> -> memref<1x9x128xi32, #tpu.memory_space<hbm>>
        %dma_wait3A_56 = tpu.memref_squeeze %dma_wait3A_55 : memref<1x9x128xi32, #tpu.memory_space<hbm>> -> memref<9x128xi32, #tpu.memory_space<hbm>>
        tpu.wait_dma2 semaphore(%run_scoped3A : memref<!tpu.dma_semaphore, #tpu.memory_space<semaphore_mem>>) src(%dma_wait3A_56 : memref<9x128xi32, #tpu.memory_space<hbm>>) dst(%arg13 : memref<9x128xi32, #tpu.memory_space<vmem>>)
        tpu.yield
      }) : () -> ()
      %mul3A_39 = arith.constant 9 : i32
      %mul3A_40 = arith.muli %scan3A_36, %mul3A_39 : i32
      "tpu.region"() ({
        %run_scoped3A = tpu.sem_alloc : memref<!tpu.dma_semaphore, #tpu.memory_space<semaphore_mem>>
        %dma_start3A = arith.constant 0 : i32
        %dma_start3A_47 = tpu.memref_slice %arg3[%add3A, %mul3A_40, %dma_start3A] : memref<32x81x128xi32, #tpu.memory_space<hbm>> -> memref<1x9x128xi32, #tpu.memory_space<hbm>>
        %dma_start3A_48 = tpu.memref_squeeze %dma_start3A_47 : memref<1x9x128xi32, #tpu.memory_space<hbm>> -> memref<9x128xi32, #tpu.memory_space<hbm>>
        %dma_start3A_49 = arith.constant 0 : i32
        %dma_start3A_50 = tpu.memref_slice %arg3[%add3A, %mul3A_40, %dma_start3A_49] : memref<32x81x128xi32, #tpu.memory_space<hbm>> -> memref<1x9x128xi32, #tpu.memory_space<hbm>>
        %dma_start3A_51 = tpu.memref_squeeze %dma_start3A_50 : memref<1x9x128xi32, #tpu.memory_space<hbm>> -> memref<9x128xi32, #tpu.memory_space<hbm>>
        tpu.enqueue_dma source(%dma_start3A_51 : memref<9x128xi32, #tpu.memory_space<hbm>>) target(%arg14 : memref<9x128xi32, #tpu.memory_space<vmem>>) target_semaphore(%run_scoped3A : memref<!tpu.dma_semaphore, #tpu.memory_space<semaphore_mem>>)
        %dma_wait3A = arith.constant 0 : i32
        %dma_wait3A_52 = tpu.memref_slice %arg3[%add3A, %mul3A_40, %dma_wait3A] : memref<32x81x128xi32, #tpu.memory_space<hbm>> -> memref<1x9x128xi32, #tpu.memory_space<hbm>>
        %dma_wait3A_53 = tpu.memref_squeeze %dma_wait3A_52 : memref<1x9x128xi32, #tpu.memory_space<hbm>> -> memref<9x128xi32, #tpu.memory_space<hbm>>
        %dma_wait3A_54 = arith.constant 0 : i32
        %dma_wait3A_55 = tpu.memref_slice %arg3[%add3A, %mul3A_40, %dma_wait3A_54] : memref<32x81x128xi32, #tpu.memory_space<hbm>> -> memref<1x9x128xi32, #tpu.memory_space<hbm>>
        %dma_wait3A_56 = tpu.memref_squeeze %dma_wait3A_55 : memref<1x9x128xi32, #tpu.memory_space<hbm>> -> memref<9x128xi32, #tpu.memory_space<hbm>>
        tpu.wait_dma2 semaphore(%run_scoped3A : memref<!tpu.dma_semaphore, #tpu.memory_space<semaphore_mem>>) src(%dma_wait3A_56 : memref<9x128xi32, #tpu.memory_space<hbm>>) dst(%arg14 : memref<9x128xi32, #tpu.memory_space<vmem>>)
        tpu.yield
      }) : () -> ()
      %scan3A_41 = arith.constant 0 : i32
      %scan3A_42 = arith.constant 0 : i32
      %scan3A_43 = arith.constant 9 : i32
      %scan3A_44 = arith.addi %scan3A_42, %scan3A_43 : i32
      %scan3A_45 = arith.constant 1 : i32
      scf.for %scan3A_47 = %scan3A_42 to %scan3A_44 step %scan3A_45  : i32 {
        %dma_start3A = arith.constant 0 : i32
        %dma_start3A_48 = tpu.memref_slice %arg13[%scan3A_47, %dma_start3A] : memref<9x128xi32, #tpu.memory_space<vmem>> -> memref<1x128xi32, #tpu.memory_space<vmem>>
        %dma_start3A_49 = tpu.memref_squeeze %dma_start3A_48 : memref<1x128xi32, #tpu.memory_space<vmem>> -> memref<128xi32, #tpu.memory_space<vmem>>
        %dma_start3A_50 = arith.constant 0 : i32
        %dma_start3A_51 = arith.constant 0 : i32
        %dma_start3A_52 = tpu.memref_slice %arg4[%dma_start3A_50, %dma_start3A_51] : memref<10000x128xf32, #tpu.memory_space<hbm>> -> memref<10000x128xf32, #tpu.memory_space<hbm>>
        tpu.enqueue_indirect_dma source(%dma_start3A_52 : memref<10000x128xf32, #tpu.memory_space<hbm>>) target(%arg18 : memref<128x128xf32, #tpu.memory_space<vmem>>) offsets(%dma_start3A_49 : memref<128xi32, #tpu.memory_space<vmem>>) semaphore(%arg19 : memref<!tpu.dma_semaphore, #tpu.memory_space<semaphore_mem>>)
        %dma_start3A_53 = arith.constant 0 : i32
        %dma_start3A_54 = tpu.memref_slice %arg13[%scan3A_47, %dma_start3A_53] : memref<9x128xi32, #tpu.memory_space<vmem>> -> memref<1x128xi32, #tpu.memory_space<vmem>>
        %dma_start3A_55 = tpu.memref_squeeze %dma_start3A_54 : memref<1x128xi32, #tpu.memory_space<vmem>> -> memref<128xi32, #tpu.memory_space<vmem>>
        %dma_start3A_56 = arith.constant 0 : i32
        %dma_start3A_57 = arith.constant 0 : i32
        %dma_start3A_58 = tpu.memref_slice %arg5[%dma_start3A_56, %dma_start3A_57] : memref<10000x16xf32, #tpu.memory_space<hbm>> -> memref<10000x16xf32, #tpu.memory_space<hbm>>
        tpu.enqueue_indirect_dma source(%dma_start3A_58 : memref<10000x16xf32, #tpu.memory_space<hbm>>) target(%arg15 : memref<128x16xf32, #tpu.memory_space<vmem>>) offsets(%dma_start3A_55 : memref<128xi32, #tpu.memory_space<vmem>>) semaphore(%arg20 : memref<!tpu.dma_semaphore, #tpu.memory_space<semaphore_mem>>)
        %dma_start3A_59 = arith.constant 0 : i32
        %dma_start3A_60 = tpu.memref_slice %arg14[%scan3A_47, %dma_start3A_59] : memref<9x128xi32, #tpu.memory_space<vmem>> -> memref<1x128xi32, #tpu.memory_space<vmem>>
        %dma_start3A_61 = tpu.memref_squeeze %dma_start3A_60 : memref<1x128xi32, #tpu.memory_space<vmem>> -> memref<128xi32, #tpu.memory_space<vmem>>
        %dma_start3A_62 = arith.constant 0 : i32
        %dma_start3A_63 = arith.constant 0 : i32
        %dma_start3A_64 = tpu.memref_slice %arg6[%dma_start3A_62, %dma_start3A_63] : memref<10000x16xf32, #tpu.memory_space<hbm>> -> memref<10000x16xf32, #tpu.memory_space<hbm>>
        tpu.enqueue_indirect_dma source(%dma_start3A_64 : memref<10000x16xf32, #tpu.memory_space<hbm>>) target(%arg16 : memref<128x16xf32, #tpu.memory_space<vmem>>) offsets(%dma_start3A_61 : memref<128xi32, #tpu.memory_space<vmem>>) semaphore(%arg21 : memref<!tpu.dma_semaphore, #tpu.memory_space<semaphore_mem>>)
        %dma_wait3A = arith.constant 0 : i32
        %dma_wait3A_65 = tpu.memref_slice %arg13[%scan3A_47, %dma_wait3A] : memref<9x128xi32, #tpu.memory_space<vmem>> -> memref<1x128xi32, #tpu.memory_space<vmem>>
        %dma_wait3A_66 = tpu.memref_squeeze %dma_wait3A_65 : memref<1x128xi32, #tpu.memory_space<vmem>> -> memref<128xi32, #tpu.memory_space<vmem>>
        %dma_wait3A_67 = arith.constant 0 : i32
        %dma_wait3A_68 = arith.constant 0 : i32
        %dma_wait3A_69 = tpu.memref_slice %arg5[%dma_wait3A_67, %dma_wait3A_68] : memref<10000x16xf32, #tpu.memory_space<hbm>> -> memref<10000x16xf32, #tpu.memory_space<hbm>>
        tpu.wait_indirect_dma semaphore(%arg20 : memref<!tpu.dma_semaphore, #tpu.memory_space<semaphore_mem>>) src(%dma_wait3A_69 : memref<10000x16xf32, #tpu.memory_space<hbm>>) dst(%arg15 : memref<128x16xf32, #tpu.memory_space<vmem>>)
        %dma_wait3A_70 = arith.constant 0 : i32
        %dma_wait3A_71 = tpu.memref_slice %arg14[%scan3A_47, %dma_wait3A_70] : memref<9x128xi32, #tpu.memory_space<vmem>> -> memref<1x128xi32, #tpu.memory_space<vmem>>
        %dma_wait3A_72 = tpu.memref_squeeze %dma_wait3A_71 : memref<1x128xi32, #tpu.memory_space<vmem>> -> memref<128xi32, #tpu.memory_space<vmem>>
        %dma_wait3A_73 = arith.constant 0 : i32
        %dma_wait3A_74 = arith.constant 0 : i32
        %dma_wait3A_75 = tpu.memref_slice %arg6[%dma_wait3A_73, %dma_wait3A_74] : memref<10000x16xf32, #tpu.memory_space<hbm>> -> memref<10000x16xf32, #tpu.memory_space<hbm>>
        tpu.wait_indirect_dma semaphore(%arg21 : memref<!tpu.dma_semaphore, #tpu.memory_space<semaphore_mem>>) src(%dma_wait3A_75 : memref<10000x16xf32, #tpu.memory_space<hbm>>) dst(%arg16 : memref<128x16xf32, #tpu.memory_space<vmem>>)
        %parallel_loop3A = arith.constant 0 : i32
        %parallel_loop3A_76 = arith.constant 128 : i32
        %parallel_loop3A_77 = arith.constant 1 : i32
        scf.for %parallel_loop3A_111 = %parallel_loop3A to %parallel_loop3A_76 step %parallel_loop3A_77  : i32 {
          %parallel_loop3A_112 = arith.index_cast %parallel_loop3A_111 : i32 to index
          %parallel_loop3A_113 = arith.constant 0 : index
          %parallel_loop3A_114 = tpu.vector_load %arg15[%parallel_loop3A_112, %parallel_loop3A_113] {strides = array<i32>} : memref<128x16xf32, #tpu.memory_space<vmem>>, vector<1x16xf32>,
          %parallel_loop3A_115 = vector.shape_cast %parallel_loop3A_114 : vector<1x16xf32> to vector<16xf32>
          %parallel_loop3A_116 = arith.index_cast %parallel_loop3A_111 : i32 to index
          %parallel_loop3A_117 = arith.constant 0 : index
          %parallel_loop3A_118 = tpu.vector_load %arg16[%parallel_loop3A_116, %parallel_loop3A_117] {strides = array<i32>} : memref<128x16xf32, #tpu.memory_space<vmem>>, vector<1x16xf32>,
          %parallel_loop3A_119 = vector.shape_cast %parallel_loop3A_118 : vector<1x16xf32> to vector<16xf32>
          %parallel_loop3A_120 = arith.addf %parallel_loop3A_115, %parallel_loop3A_119 : vector<16xf32>
          %parallel_loop3A_121 = arith.constant 2.000000e-01 : f32
          %parallel_loop3A_122 = vector.broadcast %parallel_loop3A_121 : f32 to vector<16xf32>
          %parallel_loop3A_123 = arith.mulf %parallel_loop3A_122, %parallel_loop3A_120 : vector<16xf32>
          %parallel_loop3A_124 = arith.maximumf %parallel_loop3A_120, %parallel_loop3A_123 : vector<16xf32>
          %parallel_loop3A_125 = vector.shape_cast %min3A_21 : vector<16xi32> to vector<16x1xi32>
          %parallel_loop3A_126 = vector.shape_cast %parallel_loop3A_125 : vector<16x1xi32> to vector<16xi32>
          %parallel_loop3A_127 = tpu.dynamic_gather %parallel_loop3A_120[%parallel_loop3A_126] in [0] : vector<16xf32>, vector<16xi32> -> vector<16xf32>
          %parallel_loop3A_128 = arith.subf %parallel_loop3A_124, %parallel_loop3A_127 : vector<16xf32>
          %parallel_loop3A_129 = arith.addf %parallel_loop3A_128, %mul3A_15 : vector<16xf32>
          %parallel_loop3A_130 = math.exp %parallel_loop3A_129 : vector<16xf32>
          %parallel_loop3A_131 = arith.index_cast %parallel_loop3A_111 : i32 to index
          %parallel_loop3A_132 = arith.constant 0 : index
          %parallel_loop3A_133 = tpu.vector_load %arg17[%parallel_loop3A_131, %parallel_loop3A_132] {strides = array<i32>} : memref<128x16xf32, #tpu.memory_space<vmem>>, vector<1x16xf32>,
          %parallel_loop3A_134 = vector.shape_cast %parallel_loop3A_133 : vector<1x16xf32> to vector<16xf32>
          %parallel_loop3A_135 = vector.shape_cast %parallel_loop3A_130 : vector<16xf32> to vector<1x16xf32>
          tpu.vector_store %arg17[%parallel_loop3A_131, %parallel_loop3A_132], %parallel_loop3A_135 {strides = array<i32>} : memref<128x16xf32, #tpu.memory_space<vmem>>, vector<1x16xf32>,
        } {sc.loop_unroll_factor = 8 : i64, sc.parallel_access}
        %dma_start3A_78 = arith.constant 0 : i32
        %dma_start3A_79 = tpu.memref_slice %arg14[%scan3A_47, %dma_start3A_78] : memref<9x128xi32, #tpu.memory_space<vmem>> -> memref<1x128xi32, #tpu.memory_space<vmem>>
        %dma_start3A_80 = tpu.memref_squeeze %dma_start3A_79 : memref<1x128xi32, #tpu.memory_space<vmem>> -> memref<128xi32, #tpu.memory_space<vmem>>
        %dma_start3A_81 = arith.constant 0 : i32
        %dma_start3A_82 = arith.constant 0 : i32
        %dma_start3A_83 = tpu.memref_slice %arg12[%dma_start3A_81, %dma_start3A_82] : memref<10112x16xf32, #tpu.memory_space<vmem_shared>> -> memref<10112x16xf32, #tpu.memory_space<vmem_shared>>
        tpu.enqueue_indirect_dma source(%arg17 : memref<128x16xf32, #tpu.memory_space<vmem>>) target(%dma_start3A_83 : memref<10112x16xf32, #tpu.memory_space<vmem_shared>>) offsets(%dma_start3A_80 : memref<128xi32, #tpu.memory_space<vmem>>) semaphore(%arg22 : memref<!tpu.dma_semaphore, #tpu.memory_space<semaphore_mem>>) {add = true}
        %dma_wait3A_84 = arith.constant 0 : i32
        %dma_wait3A_85 = tpu.memref_slice %arg13[%scan3A_47, %dma_wait3A_84] : memref<9x128xi32, #tpu.memory_space<vmem>> -> memref<1x128xi32, #tpu.memory_space<vmem>>
        %dma_wait3A_86 = tpu.memref_squeeze %dma_wait3A_85 : memref<1x128xi32, #tpu.memory_space<vmem>> -> memref<128xi32, #tpu.memory_space<vmem>>
        %dma_wait3A_87 = arith.constant 0 : i32
        %dma_wait3A_88 = arith.constant 0 : i32
        %dma_wait3A_89 = tpu.memref_slice %arg4[%dma_wait3A_87, %dma_wait3A_88] : memref<10000x128xf32, #tpu.memory_space<hbm>> -> memref<10000x128xf32, #tpu.memory_space<hbm>>
        tpu.wait_indirect_dma semaphore(%arg19 : memref<!tpu.dma_semaphore, #tpu.memory_space<semaphore_mem>>) src(%dma_wait3A_89 : memref<10000x128xf32, #tpu.memory_space<hbm>>) dst(%arg18 : memref<128x128xf32, #tpu.memory_space<vmem>>)
        %parallel_loop3A_90 = arith.constant 0 : i32
        %parallel_loop3A_91 = arith.constant 128 : i32
        %parallel_loop3A_92 = arith.constant 1 : i32
        scf.for %parallel_loop3A_111 = %parallel_loop3A_90 to %parallel_loop3A_91 step %parallel_loop3A_92  : i32 {
          %parallel_loop3A_112 = arith.index_cast %parallel_loop3A_111 : i32 to index
          %parallel_loop3A_113 = arith.constant 0 : index
          %parallel_loop3A_114 = tpu.vector_load %arg17[%parallel_loop3A_112, %parallel_loop3A_113] {strides = array<i32>} : memref<128x16xf32, #tpu.memory_space<vmem>>, vector<1x16xf32>,
          %parallel_loop3A_115 = vector.shape_cast %parallel_loop3A_114 : vector<1x16xf32> to vector<16xf32>
          %parallel_loop3A_116 = arith.index_cast %parallel_loop3A_111 : i32 to index
          %parallel_loop3A_117 = arith.constant 0 : index
          %parallel_loop3A_118 = tpu.vector_load %arg18[%parallel_loop3A_116, %parallel_loop3A_117] {strides = array<i32>} : memref<128x128xf32, #tpu.memory_space<vmem>>, vector<1x16xf32>,
          %parallel_loop3A_119 = vector.shape_cast %parallel_loop3A_118 : vector<1x16xf32> to vector<16xf32>
          %parallel_loop3A_120 = arith.constant 0 : i32
          %parallel_loop3A_121 = vector.broadcast %parallel_loop3A_120 : i32 to vector<16xi32>
          %parallel_loop3A_122 = vector.shape_cast %parallel_loop3A_121 : vector<16xi32> to vector<16x1xi32>
          %parallel_loop3A_123 = vector.shape_cast %parallel_loop3A_122 : vector<16x1xi32> to vector<16xi32>
          %parallel_loop3A_124 = tpu.dynamic_gather %parallel_loop3A_115[%parallel_loop3A_123] in [0] : vector<16xf32>, vector<16xi32> -> vector<16xf32>
          %parallel_loop3A_125 = arith.mulf %parallel_loop3A_119, %parallel_loop3A_124 : vector<16xf32>
          %parallel_loop3A_126 = arith.index_cast %parallel_loop3A_111 : i32 to index
          %parallel_loop3A_127 = arith.constant 0 : index
          %parallel_loop3A_128 = tpu.vector_load %arg18[%parallel_loop3A_126, %parallel_loop3A_127] {strides = array<i32>} : memref<128x128xf32, #tpu.memory_space<vmem>>, vector<1x16xf32>,
          %parallel_loop3A_129 = vector.shape_cast %parallel_loop3A_128 : vector<1x16xf32> to vector<16xf32>
          %parallel_loop3A_130 = vector.shape_cast %parallel_loop3A_125 : vector<16xf32> to vector<1x16xf32>
          tpu.vector_store %arg18[%parallel_loop3A_126, %parallel_loop3A_127], %parallel_loop3A_130 {strides = array<i32>} : memref<128x128xf32, #tpu.memory_space<vmem>>, vector<1x16xf32>,
          %parallel_loop3A_131 = arith.index_cast %parallel_loop3A_111 : i32 to index
          %parallel_loop3A_132 = arith.constant 16 : index
          %parallel_loop3A_133 = tpu.vector_load %arg18[%parallel_loop3A_131, %parallel_loop3A_132] {strides = array<i32>} : memref<128x128xf32, #tpu.memory_space<vmem>>, vector<1x16xf32>,
          %parallel_loop3A_134 = vector.shape_cast %parallel_loop3A_133 : vector<1x16xf32> to vector<16xf32>
          %parallel_loop3A_135 = arith.constant 1 : i32
          %parallel_loop3A_136 = vector.broadcast %parallel_loop3A_135 : i32 to vector<16xi32>
          %parallel_loop3A_137 = vector.shape_cast %parallel_loop3A_136 : vector<16xi32> to vector<16x1xi32>
          %parallel_loop3A_138 = vector.shape_cast %parallel_loop3A_137 : vector<16x1xi32> to vector<16xi32>
          %parallel_loop3A_139 = tpu.dynamic_gather %parallel_loop3A_115[%parallel_loop3A_138] in [0] : vector<16xf32>, vector<16xi32> -> vector<16xf32>
          %parallel_loop3A_140 = arith.mulf %parallel_loop3A_134, %parallel_loop3A_139 : vector<16xf32>
          %parallel_loop3A_141 = arith.index_cast %parallel_loop3A_111 : i32 to index
          %parallel_loop3A_142 = arith.constant 16 : index
          %parallel_loop3A_143 = tpu.vector_load %arg18[%parallel_loop3A_141, %parallel_loop3A_142] {strides = array<i32>} : memref<128x128xf32, #tpu.memory_space<vmem>>, vector<1x16xf32>,
          %parallel_loop3A_144 = vector.shape_cast %parallel_loop3A_143 : vector<1x16xf32> to vector<16xf32>
          %parallel_loop3A_145 = vector.shape_cast %parallel_loop3A_140 : vector<16xf32> to vector<1x16xf32>
          tpu.vector_store %arg18[%parallel_loop3A_141, %parallel_loop3A_142], %parallel_loop3A_145 {strides = array<i32>} : memref<128x128xf32, #tpu.memory_space<vmem>>, vector<1x16xf32>,
          %parallel_loop3A_146 = arith.index_cast %parallel_loop3A_111 : i32 to index
          %parallel_loop3A_147 = arith.constant 32 : index
          %parallel_loop3A_148 = tpu.vector_load %arg18[%parallel_loop3A_146, %parallel_loop3A_147] {strides = array<i32>} : memref<128x128xf32, #tpu.memory_space<vmem>>, vector<1x16xf32>,
          %parallel_loop3A_149 = vector.shape_cast %parallel_loop3A_148 : vector<1x16xf32> to vector<16xf32>
          %parallel_loop3A_150 = arith.constant 2 : i32
          %parallel_loop3A_151 = vector.broadcast %parallel_loop3A_150 : i32 to vector<16xi32>
          %parallel_loop3A_152 = vector.shape_cast %parallel_loop3A_151 : vector<16xi32> to vector<16x1xi32>
          %parallel_loop3A_153 = vector.shape_cast %parallel_loop3A_152 : vector<16x1xi32> to vector<16xi32>
          %parallel_loop3A_154 = tpu.dynamic_gather %parallel_loop3A_115[%parallel_loop3A_153] in [0] : vector<16xf32>, vector<16xi32> -> vector<16xf32>
          %parallel_loop3A_155 = arith.mulf %parallel_loop3A_149, %parallel_loop3A_154 : vector<16xf32>
          %parallel_loop3A_156 = arith.index_cast %parallel_loop3A_111 : i32 to index
          %parallel_loop3A_157 = arith.constant 32 : index
          %parallel_loop3A_158 = tpu.vector_load %arg18[%parallel_loop3A_156, %parallel_loop3A_157] {strides = array<i32>} : memref<128x128xf32, #tpu.memory_space<vmem>>, vector<1x16xf32>,
          %parallel_loop3A_159 = vector.shape_cast %parallel_loop3A_158 : vector<1x16xf32> to vector<16xf32>
          %parallel_loop3A_160 = vector.shape_cast %parallel_loop3A_155 : vector<16xf32> to vector<1x16xf32>
          tpu.vector_store %arg18[%parallel_loop3A_156, %parallel_loop3A_157], %parallel_loop3A_160 {strides = array<i32>} : memref<128x128xf32, #tpu.memory_space<vmem>>, vector<1x16xf32>,
          %parallel_loop3A_161 = arith.index_cast %parallel_loop3A_111 : i32 to index
          %parallel_loop3A_162 = arith.constant 48 : index
          %parallel_loop3A_163 = tpu.vector_load %arg18[%parallel_loop3A_161, %parallel_loop3A_162] {strides = array<i32>} : memref<128x128xf32, #tpu.memory_space<vmem>>, vector<1x16xf32>,
          %parallel_loop3A_164 = vector.shape_cast %parallel_loop3A_163 : vector<1x16xf32> to vector<16xf32>
          %parallel_loop3A_165 = arith.constant 3 : i32
          %parallel_loop3A_166 = vector.broadcast %parallel_loop3A_165 : i32 to vector<16xi32>
          %parallel_loop3A_167 = vector.shape_cast %parallel_loop3A_166 : vector<16xi32> to vector<16x1xi32>
          %parallel_loop3A_168 = vector.shape_cast %parallel_loop3A_167 : vector<16x1xi32> to vector<16xi32>
          %parallel_loop3A_169 = tpu.dynamic_gather %parallel_loop3A_115[%parallel_loop3A_168] in [0] : vector<16xf32>, vector<16xi32> -> vector<16xf32>
          %parallel_loop3A_170 = arith.mulf %parallel_loop3A_164, %parallel_loop3A_169 : vector<16xf32>
          %parallel_loop3A_171 = arith.index_cast %parallel_loop3A_111 : i32 to index
          %parallel_loop3A_172 = arith.constant 48 : index
          %parallel_loop3A_173 = tpu.vector_load %arg18[%parallel_loop3A_171, %parallel_loop3A_172] {strides = array<i32>} : memref<128x128xf32, #tpu.memory_space<vmem>>, vector<1x16xf32>,
          %parallel_loop3A_174 = vector.shape_cast %parallel_loop3A_173 : vector<1x16xf32> to vector<16xf32>
          %parallel_loop3A_175 = vector.shape_cast %parallel_loop3A_170 : vector<16xf32> to vector<1x16xf32>
          tpu.vector_store %arg18[%parallel_loop3A_171, %parallel_loop3A_172], %parallel_loop3A_175 {strides = array<i32>} : memref<128x128xf32, #tpu.memory_space<vmem>>, vector<1x16xf32>,
          %parallel_loop3A_176 = arith.index_cast %parallel_loop3A_111 : i32 to index
          %parallel_loop3A_177 = arith.constant 64 : index
          %parallel_loop3A_178 = tpu.vector_load %arg18[%parallel_loop3A_176, %parallel_loop3A_177] {strides = array<i32>} : memref<128x128xf32, #tpu.memory_space<vmem>>, vector<1x16xf32>,
          %parallel_loop3A_179 = vector.shape_cast %parallel_loop3A_178 : vector<1x16xf32> to vector<16xf32>
          %parallel_loop3A_180 = arith.constant 4 : i32
          %parallel_loop3A_181 = vector.broadcast %parallel_loop3A_180 : i32 to vector<16xi32>
          %parallel_loop3A_182 = vector.shape_cast %parallel_loop3A_181 : vector<16xi32> to vector<16x1xi32>
          %parallel_loop3A_183 = vector.shape_cast %parallel_loop3A_182 : vector<16x1xi32> to vector<16xi32>
          %parallel_loop3A_184 = tpu.dynamic_gather %parallel_loop3A_115[%parallel_loop3A_183] in [0] : vector<16xf32>, vector<16xi32> -> vector<16xf32>
          %parallel_loop3A_185 = arith.mulf %parallel_loop3A_179, %parallel_loop3A_184 : vector<16xf32>
          %parallel_loop3A_186 = arith.index_cast %parallel_loop3A_111 : i32 to index
          %parallel_loop3A_187 = arith.constant 64 : index
          %parallel_loop3A_188 = tpu.vector_load %arg18[%parallel_loop3A_186, %parallel_loop3A_187] {strides = array<i32>} : memref<128x128xf32, #tpu.memory_space<vmem>>, vector<1x16xf32>,
          %parallel_loop3A_189 = vector.shape_cast %parallel_loop3A_188 : vector<1x16xf32> to vector<16xf32>
          %parallel_loop3A_190 = vector.shape_cast %parallel_loop3A_185 : vector<16xf32> to vector<1x16xf32>
          tpu.vector_store %arg18[%parallel_loop3A_186, %parallel_loop3A_187], %parallel_loop3A_190 {strides = array<i32>} : memref<128x128xf32, #tpu.memory_space<vmem>>, vector<1x16xf32>,
          %parallel_loop3A_191 = arith.index_cast %parallel_loop3A_111 : i32 to index
          %parallel_loop3A_192 = arith.constant 80 : index
          %parallel_loop3A_193 = tpu.vector_load %arg18[%parallel_loop3A_191, %parallel_loop3A_192] {strides = array<i32>} : memref<128x128xf32, #tpu.memory_space<vmem>>, vector<1x16xf32>,
          %parallel_loop3A_194 = vector.shape_cast %parallel_loop3A_193 : vector<1x16xf32> to vector<16xf32>
          %parallel_loop3A_195 = arith.constant 5 : i32
          %parallel_loop3A_196 = vector.broadcast %parallel_loop3A_195 : i32 to vector<16xi32>
          %parallel_loop3A_197 = vector.shape_cast %parallel_loop3A_196 : vector<16xi32> to vector<16x1xi32>
          %parallel_loop3A_198 = vector.shape_cast %parallel_loop3A_197 : vector<16x1xi32> to vector<16xi32>
          %parallel_loop3A_199 = tpu.dynamic_gather %parallel_loop3A_115[%parallel_loop3A_198] in [0] : vector<16xf32>, vector<16xi32> -> vector<16xf32>
          %parallel_loop3A_200 = arith.mulf %parallel_loop3A_194, %parallel_loop3A_199 : vector<16xf32>
          %parallel_loop3A_201 = arith.index_cast %parallel_loop3A_111 : i32 to index
          %parallel_loop3A_202 = arith.constant 80 : index
          %parallel_loop3A_203 = tpu.vector_load %arg18[%parallel_loop3A_201, %parallel_loop3A_202] {strides = array<i32>} : memref<128x128xf32, #tpu.memory_space<vmem>>, vector<1x16xf32>,
          %parallel_loop3A_204 = vector.shape_cast %parallel_loop3A_203 : vector<1x16xf32> to vector<16xf32>
          %parallel_loop3A_205 = vector.shape_cast %parallel_loop3A_200 : vector<16xf32> to vector<1x16xf32>
          tpu.vector_store %arg18[%parallel_loop3A_201, %parallel_loop3A_202], %parallel_loop3A_205 {strides = array<i32>} : memref<128x128xf32, #tpu.memory_space<vmem>>, vector<1x16xf32>,
          %parallel_loop3A_206 = arith.index_cast %parallel_loop3A_111 : i32 to index
          %parallel_loop3A_207 = arith.constant 96 : index
          %parallel_loop3A_208 = tpu.vector_load %arg18[%parallel_loop3A_206, %parallel_loop3A_207] {strides = array<i32>} : memref<128x128xf32, #tpu.memory_space<vmem>>, vector<1x16xf32>,
          %parallel_loop3A_209 = vector.shape_cast %parallel_loop3A_208 : vector<1x16xf32> to vector<16xf32>
          %parallel_loop3A_210 = arith.constant 6 : i32
          %parallel_loop3A_211 = vector.broadcast %parallel_loop3A_210 : i32 to vector<16xi32>
          %parallel_loop3A_212 = vector.shape_cast %parallel_loop3A_211 : vector<16xi32> to vector<16x1xi32>
          %parallel_loop3A_213 = vector.shape_cast %parallel_loop3A_212 : vector<16x1xi32> to vector<16xi32>
          %parallel_loop3A_214 = tpu.dynamic_gather %parallel_loop3A_115[%parallel_loop3A_213] in [0] : vector<16xf32>, vector<16xi32> -> vector<16xf32>
          %parallel_loop3A_215 = arith.mulf %parallel_loop3A_209, %parallel_loop3A_214 : vector<16xf32>
          %parallel_loop3A_216 = arith.index_cast %parallel_loop3A_111 : i32 to index
          %parallel_loop3A_217 = arith.constant 96 : index
          %parallel_loop3A_218 = tpu.vector_load %arg18[%parallel_loop3A_216, %parallel_loop3A_217] {strides = array<i32>} : memref<128x128xf32, #tpu.memory_space<vmem>>, vector<1x16xf32>,
          %parallel_loop3A_219 = vector.shape_cast %parallel_loop3A_218 : vector<1x16xf32> to vector<16xf32>
          %parallel_loop3A_220 = vector.shape_cast %parallel_loop3A_215 : vector<16xf32> to vector<1x16xf32>
          tpu.vector_store %arg18[%parallel_loop3A_216, %parallel_loop3A_217], %parallel_loop3A_220 {strides = array<i32>} : memref<128x128xf32, #tpu.memory_space<vmem>>, vector<1x16xf32>,
          %parallel_loop3A_221 = arith.index_cast %parallel_loop3A_111 : i32 to index
          %parallel_loop3A_222 = arith.constant 112 : index
          %parallel_loop3A_223 = tpu.vector_load %arg18[%parallel_loop3A_221, %parallel_loop3A_222] {strides = array<i32>} : memref<128x128xf32, #tpu.memory_space<vmem>>, vector<1x16xf32>,
          %parallel_loop3A_224 = vector.shape_cast %parallel_loop3A_223 : vector<1x16xf32> to vector<16xf32>
          %parallel_loop3A_225 = arith.constant 7 : i32
          %parallel_loop3A_226 = vector.broadcast %parallel_loop3A_225 : i32 to vector<16xi32>
          %parallel_loop3A_227 = vector.shape_cast %parallel_loop3A_226 : vector<16xi32> to vector<16x1xi32>
          %parallel_loop3A_228 = vector.shape_cast %parallel_loop3A_227 : vector<16x1xi32> to vector<16xi32>
          %parallel_loop3A_229 = tpu.dynamic_gather %parallel_loop3A_115[%parallel_loop3A_228] in [0] : vector<16xf32>, vector<16xi32> -> vector<16xf32>
          %parallel_loop3A_230 = arith.mulf %parallel_loop3A_224, %parallel_loop3A_229 : vector<16xf32>
          %parallel_loop3A_231 = arith.index_cast %parallel_loop3A_111 : i32 to index
          %parallel_loop3A_232 = arith.constant 112 : index
          %parallel_loop3A_233 = tpu.vector_load %arg18[%parallel_loop3A_231, %parallel_loop3A_232] {strides = array<i32>} : memref<128x128xf32, #tpu.memory_space<vmem>>, vector<1x16xf32>,
          %parallel_loop3A_234 = vector.shape_cast %parallel_loop3A_233 : vector<1x16xf32> to vector<16xf32>
          %parallel_loop3A_235 = vector.shape_cast %parallel_loop3A_230 : vector<16xf32> to vector<1x16xf32>
          tpu.vector_store %arg18[%parallel_loop3A_231, %parallel_loop3A_232], %parallel_loop3A_235 {strides = array<i32>} : memref<128x128xf32, #tpu.memory_space<vmem>>, vector<1x16xf32>,
        } {sc.loop_unroll_factor = 4 : i64, sc.parallel_access}
        %dma_start3A_93 = arith.constant 0 : i32
        %dma_start3A_94 = tpu.memref_slice %arg14[%scan3A_47, %dma_start3A_93] : memref<9x128xi32, #tpu.memory_space<vmem>> -> memref<1x128xi32, #tpu.memory_space<vmem>>
        %dma_start3A_95 = tpu.memref_squeeze %dma_start3A_94 : memref<1x128xi32, #tpu.memory_space<vmem>> -> memref<128xi32, #tpu.memory_space<vmem>>
        %dma_start3A_96 = arith.constant 0 : i32
        %dma_start3A_97 = arith.constant 0 : i32
        %dma_start3A_98 = tpu.memref_slice %arg11[%dma_start3A_96, %dma_start3A_97] : memref<10112x128xf32, #tpu.memory_space<vmem_shared>> -> memref<10112x128xf32, #tpu.memory_space<vmem_shared>>
        tpu.enqueue_indirect_dma source(%arg18 : memref<128x128xf32, #tpu.memory_space<vmem>>) target(%dma_start3A_98 : memref<10112x128xf32, #tpu.memory_space<vmem_shared>>) offsets(%dma_start3A_95 : memref<128xi32, #tpu.memory_space<vmem>>) semaphore(%arg23 : memref<!tpu.dma_semaphore, #tpu.memory_space<semaphore_mem>>) {add = true}
        %dma_wait3A_99 = arith.constant 0 : i32
        %dma_wait3A_100 = tpu.memref_slice %arg14[%scan3A_47, %dma_wait3A_99] : memref<9x128xi32, #tpu.memory_space<vmem>> -> memref<1x128xi32, #tpu.memory_space<vmem>>
        %dma_wait3A_101 = tpu.memref_squeeze %dma_wait3A_100 : memref<1x128xi32, #tpu.memory_space<vmem>> -> memref<128xi32, #tpu.memory_space<vmem>>
        %dma_wait3A_102 = arith.constant 0 : i32
        %dma_wait3A_103 = arith.constant 0 : i32
        %dma_wait3A_104 = tpu.memref_slice %arg12[%dma_wait3A_102, %dma_wait3A_103] : memref<10112x16xf32, #tpu.memory_space<vmem_shared>> -> memref<10112x16xf32, #tpu.memory_space<vmem_shared>>
        tpu.wait_indirect_dma semaphore(%arg22 : memref<!tpu.dma_semaphore, #tpu.memory_space<semaphore_mem>>) src(%arg17 : memref<128x16xf32, #tpu.memory_space<vmem>>) dst(%dma_wait3A_104 : memref<10112x16xf32, #tpu.memory_space<vmem_shared>>)
        %dma_wait3A_105 = arith.constant 0 : i32
        %dma_wait3A_106 = tpu.memref_slice %arg14[%scan3A_47, %dma_wait3A_105] : memref<9x128xi32, #tpu.memory_space<vmem>> -> memref<1x128xi32, #tpu.memory_space<vmem>>
        %dma_wait3A_107 = tpu.memref_squeeze %dma_wait3A_106 : memref<1x128xi32, #tpu.memory_space<vmem>> -> memref<128xi32, #tpu.memory_space<vmem>>
        %dma_wait3A_108 = arith.constant 0 : i32
        %dma_wait3A_109 = arith.constant 0 : i32
        %dma_wait3A_110 = tpu.memref_slice %arg11[%dma_wait3A_108, %dma_wait3A_109] : memref<10112x128xf32, #tpu.memory_space<vmem_shared>> -> memref<10112x128xf32, #tpu.memory_space<vmem_shared>>
        tpu.wait_indirect_dma semaphore(%arg23 : memref<!tpu.dma_semaphore, #tpu.memory_space<semaphore_mem>>) src(%arg18 : memref<128x128xf32, #tpu.memory_space<vmem>>) dst(%dma_wait3A_110 : memref<10112x128xf32, #tpu.memory_space<vmem_shared>>)
      }
      %scan3A_46 = arith.constant 9 : i32
    }
    %scan3A_26 = arith.constant 9 : i32
    %barrier3A_27 = arith.constant 0 : index
    tpu.barrier barrier_id(%barrier3A_27)
    %mul3A_28 = arith.constant 632 : i32
    %mul3A_29 = arith.muli %arg1, %mul3A_28 : i32
    %mul3A_30 = arith.constant 632 : i32
    %mul3A_31 = arith.muli %arg1, %mul3A_30 : i32
    "tpu.region"() ({
      %run_scoped3A = tpu.sem_alloc : memref<!tpu.dma_semaphore, #tpu.memory_space<semaphore_mem>>
      %dma_start3A = arith.constant 0 : i32
      %dma_start3A_36 = tpu.memref_slice %arg9[%arg0, %mul3A_31, %dma_start3A] : memref<2x10112x128xf32, #tpu.memory_space<hbm>> -> memref<1x632x128xf32, #tpu.memory_space<hbm>>
      %dma_start3A_37 = tpu.memref_squeeze %dma_start3A_36 : memref<1x632x128xf32, #tpu.memory_space<hbm>> -> memref<632x128xf32, #tpu.memory_space<hbm>>
      %dma_start3A_38 = arith.constant 0 : i32
      %dma_start3A_39 = tpu.memref_slice %arg11[%mul3A_29, %dma_start3A_38] : memref<10112x128xf32, #tpu.memory_space<vmem_shared>> -> memref<632x128xf32, #tpu.memory_space<vmem_shared>>
      tpu.enqueue_dma source(%dma_start3A_39 : memref<632x128xf32, #tpu.memory_space<vmem_shared>>) target(%dma_start3A_37 : memref<632x128xf32, #tpu.memory_space<hbm>>) target_semaphore(%run_scoped3A : memref<!tpu.dma_semaphore, #tpu.memory_space<semaphore_mem>>)
      %dma_wait3A = arith.constant 0 : i32
      %dma_wait3A_40 = tpu.memref_slice %arg9[%arg0, %mul3A_31, %dma_wait3A] : memref<2x10112x128xf32, #tpu.memory_space<hbm>> -> memref<1x632x128xf32, #tpu.memory_space<hbm>>
      %dma_wait3A_41 = tpu.memref_squeeze %dma_wait3A_40 : memref<1x632x128xf32, #tpu.memory_space<hbm>> -> memref<632x128xf32, #tpu.memory_space<hbm>>
      %dma_wait3A_42 = arith.constant 0 : i32
      %dma_wait3A_43 = tpu.memref_slice %arg11[%mul3A_29, %dma_wait3A_42] : memref<10112x128xf32, #tpu.memory_space<vmem_shared>> -> memref<632x128xf32, #tpu.memory_space<vmem_shared>>
      tpu.wait_dma2 semaphore(%run_scoped3A : memref<!tpu.dma_semaphore, #tpu.memory_space<semaphore_mem>>) src(%dma_wait3A_43 : memref<632x128xf32, #tpu.memory_space<vmem_shared>>) dst(%dma_wait3A_41 : memref<632x128xf32, #tpu.memory_space<hbm>>)
      tpu.yield
    }) : () -> ()
    %mul3A_32 = arith.constant 632 : i32
    %mul3A_33 = arith.muli %arg1, %mul3A_32 : i32
    %mul3A_34 = arith.constant 632 : i32
    %mul3A_35 = arith.muli %arg1, %mul3A_34 : i32
    "tpu.region"() ({
      %run_scoped3A = tpu.sem_alloc : memref<!tpu.dma_semaphore, #tpu.memory_space<semaphore_mem>>
      %dma_start3A = arith.constant 0 : i32
      %dma_start3A_36 = tpu.memref_slice %arg10[%arg0, %mul3A_35, %dma_start3A] : memref<2x10112x16xf32, #tpu.memory_space<hbm>> -> memref<1x632x16xf32, #tpu.memory_space<hbm>>
      %dma_start3A_37 = tpu.memref_squeeze %dma_start3A_36 : memref<1x632x16xf32, #tpu.memory_space<hbm>> -> memref<632x16xf32, #tpu.memory_space<hbm>>
      %dma_start3A_38 = arith.constant 0 : i32
      %dma_start3A_39 = tpu.memref_slice %arg12[%mul3A_33, %dma_start3A_38] : memref<10112x16xf32, #tpu.memory_space<vmem_shared>> -> memref<632x16xf32, #tpu.memory_space<vmem_shared>>
      tpu.enqueue_dma source(%dma_start3A_39 : memref<632x16xf32, #tpu.memory_space<vmem_shared>>) target(%dma_start3A_37 : memref<632x16xf32, #tpu.memory_space<hbm>>) target_semaphore(%run_scoped3A : memref<!tpu.dma_semaphore, #tpu.memory_space<semaphore_mem>>)
      %dma_wait3A = arith.constant 0 : i32
      %dma_wait3A_40 = tpu.memref_slice %arg10[%arg0, %mul3A_35, %dma_wait3A] : memref<2x10112x16xf32, #tpu.memory_space<hbm>> -> memref<1x632x16xf32, #tpu.memory_space<hbm>>
      %dma_wait3A_41 = tpu.memref_squeeze %dma_wait3A_40 : memref<1x632x16xf32, #tpu.memory_space<hbm>> -> memref<632x16xf32, #tpu.memory_space<hbm>>
      %dma_wait3A_42 = arith.constant 0 : i32
      %dma_wait3A_43 = tpu.memref_slice %arg12[%mul3A_33, %dma_wait3A_42] : memref<10112x16xf32, #tpu.memory_space<vmem_shared>> -> memref<632x16xf32, #tpu.memory_space<vmem_shared>>
      tpu.wait_dma2 semaphore(%run_scoped3A : memref<!tpu.dma_semaphore, #tpu.memory_space<semaphore_mem>>) src(%dma_wait3A_43 : memref<632x16xf32, #tpu.memory_space<vmem_shared>>) dst(%dma_wait3A_41 : memref<632x16xf32, #tpu.memory_space<hbm>>)
      tpu.yield
    }) : () -> ()
    return
  }
}

#map = affine_map<(d0, d1) -> (0, 0, 0)>
#map1 = affine_map<(d0, d1) -> (0, 0)>
module attributes {stable_mosaic.version = 14 : i64} {
  func.func @_edge_body(%arg0: i32, %arg1: i32, %arg2: memref<32x81x128xi32, #tpu.memory_space<hbm>>, %arg3: memref<32x81x128xi32, #tpu.memory_space<hbm>>, %arg4: memref<10000x128xf32, #tpu.memory_space<hbm>>, %arg5: memref<10000x16xf32, #tpu.memory_space<hbm>>, %arg6: memref<10000x16xf32, #tpu.memory_space<hbm>>, %arg7: memref<10112x128xf32, #tpu.memory_space<hbm>>, %arg8: memref<10112x16xf32, #tpu.memory_space<hbm>>, %arg9: memref<2x10112x128xf32, #tpu.memory_space<hbm>>, %arg10: memref<2x10112x16xf32, #tpu.memory_space<hbm>>, %arg11: memref<10112x128xf32, #tpu.memory_space<vmem_shared>>, %arg12: memref<10112x16xf32, #tpu.memory_space<vmem_shared>>, %arg13: memref<9x128xi32, #tpu.memory_space<vmem>>, %arg14: memref<9x128xi32, #tpu.memory_space<vmem>>, %arg15: memref<128x16xf32, #tpu.memory_space<vmem>>, %arg16: memref<128x16xf32, #tpu.memory_space<vmem>>, %arg17: memref<128x16xf32, #tpu.memory_space<vmem>>, %arg18: memref<128x128xf32, #tpu.memory_space<vmem>>, %arg19: memref<!tpu.dma_semaphore, #tpu.memory_space<semaphore_mem>>, %arg20: memref<!tpu.dma_semaphore, #tpu.memory_space<semaphore_mem>>, %arg21: memref<!tpu.dma_semaphore, #tpu.memory_space<semaphore_mem>>, %arg22: memref<!tpu.dma_semaphore, #tpu.memory_space<semaphore_mem>>, %arg23: memref<!tpu.dma_semaphore, #tpu.memory_space<semaphore_mem>>) attributes {dimension_semantics = [#tpu.dimension_semantics<core_parallel>, #tpu.dimension_semantics<subcore_parallel>], iteration_bounds = array<i64: 2, 16>, scalar_prefetch = 0 : i64, scratch_operands = 13 : i64, tpu.core_type = #tpu.core_type<sc_vector_subcore>, window_params = [{transform_indices = #map}, {transform_indices = #map}, {transform_indices = #map1}, {transform_indices = #map1}, {transform_indices = #map1}, {transform_indices = #map1}, {transform_indices = #map1}, {transform_indices = #map}, {transform_indices = #map}]} {
    %mul3A = arith.constant 2 : i32
    %mul3A_0 = arith.muli %arg1, %mul3A : i32
    %add3A = arith.addi %mul3A_0, %arg0 : i32
    %mul3A_1 = arith.constant 632 : i32
    %mul3A_2 = arith.muli %arg1, %mul3A_1 : i32
    %mul3A_3 = arith.constant 632 : i32
    %mul3A_4 = arith.muli %arg1, %mul3A_3 : i32
    "tpu.region"() ({
      %run_scoped3A = tpu.sem_alloc : memref<!tpu.dma_semaphore, #tpu.memory_space<semaphore_mem>>
      %dma_start3A = arith.constant 0 : i32
      %dma_start3A_36 = tpu.memref_slice %arg11[%mul3A_4, %dma_start3A] : memref<10112x128xf32, #tpu.memory_space<vmem_shared>> -> memref<632x128xf32, #tpu.memory_space<vmem_shared>>
      %dma_start3A_37 = arith.constant 0 : i32
      %dma_start3A_38 = tpu.memref_slice %arg7[%mul3A_2, %dma_start3A_37] : memref<10112x128xf32, #tpu.memory_space<hbm>> -> memref<632x128xf32, #tpu.memory_space<hbm>>
      tpu.enqueue_dma source(%dma_start3A_38 : memref<632x128xf32, #tpu.memory_space<hbm>>) target(%dma_start3A_36 : memref<632x128xf32, #tpu.memory_space<vmem_shared>>) target_semaphore(%run_scoped3A : memref<!tpu.dma_semaphore, #tpu.memory_space<semaphore_mem>>)
      %dma_wait3A = arith.constant 0 : i32
      %dma_wait3A_39 = tpu.memref_slice %arg11[%mul3A_4, %dma_wait3A] : memref<10112x128xf32, #tpu.memory_space<vmem_shared>> -> memref<632x128xf32, #tpu.memory_space<vmem_shared>>
      %dma_wait3A_40 = arith.constant 0 : i32
      %dma_wait3A_41 = tpu.memref_slice %arg7[%mul3A_2, %dma_wait3A_40] : memref<10112x128xf32, #tpu.memory_space<hbm>> -> memref<632x128xf32, #tpu.memory_space<hbm>>
      tpu.wait_dma2 semaphore(%run_scoped3A : memref<!tpu.dma_semaphore, #tpu.memory_space<semaphore_mem>>) src(%dma_wait3A_41 : memref<632x128xf32, #tpu.memory_space<hbm>>) dst(%dma_wait3A_39 : memref<632x128xf32, #tpu.memory_space<vmem_shared>>)
      tpu.yield
    }) : () -> ()
    %mul3A_5 = arith.constant 632 : i32
    %mul3A_6 = arith.muli %arg1, %mul3A_5 : i32
    %mul3A_7 = arith.constant 632 : i32
    %mul3A_8 = arith.muli %arg1, %mul3A_7 : i32
    "tpu.region"() ({
      %run_scoped3A = tpu.sem_alloc : memref<!tpu.dma_semaphore, #tpu.memory_space<semaphore_mem>>
      %dma_start3A = arith.constant 0 : i32
      %dma_start3A_36 = tpu.memref_slice %arg12[%mul3A_8, %dma_start3A] : memref<10112x16xf32, #tpu.memory_space<vmem_shared>> -> memref<632x16xf32, #tpu.memory_space<vmem_shared>>
      %dma_start3A_37 = arith.constant 0 : i32
      %dma_start3A_38 = tpu.memref_slice %arg8[%mul3A_6, %dma_start3A_37] : memref<10112x16xf32, #tpu.memory_space<hbm>> -> memref<632x16xf32, #tpu.memory_space<hbm>>
      tpu.enqueue_dma source(%dma_start3A_38 : memref<632x16xf32, #tpu.memory_space<hbm>>) target(%dma_start3A_36 : memref<632x16xf32, #tpu.memory_space<vmem_shared>>) target_semaphore(%run_scoped3A : memref<!tpu.dma_semaphore, #tpu.memory_space<semaphore_mem>>)
      %dma_wait3A = arith.constant 0 : i32
      %dma_wait3A_39 = tpu.memref_slice %arg12[%mul3A_8, %dma_wait3A] : memref<10112x16xf32, #tpu.memory_space<vmem_shared>> -> memref<632x16xf32, #tpu.memory_space<vmem_shared>>
      %dma_wait3A_40 = arith.constant 0 : i32
      %dma_wait3A_41 = tpu.memref_slice %arg8[%mul3A_6, %dma_wait3A_40] : memref<10112x16xf32, #tpu.memory_space<hbm>> -> memref<632x16xf32, #tpu.memory_space<hbm>>
      tpu.wait_dma2 semaphore(%run_scoped3A : memref<!tpu.dma_semaphore, #tpu.memory_space<semaphore_mem>>) src(%dma_wait3A_41 : memref<632x16xf32, #tpu.memory_space<hbm>>) dst(%dma_wait3A_39 : memref<632x16xf32, #tpu.memory_space<vmem_shared>>)
      tpu.yield
    }) : () -> ()
    %barrier3A = arith.constant 0 : index
    tpu.barrier barrier_id(%barrier3A)
    %iota3A = tpu.iota {dimensions = array<i32: 0>} : vector<16xi32>
    %convert_element_type3A = arith.sitofp %iota3A : vector<16xi32> to vector<16xf32>
    %sub3A = arith.constant 7.500000e+00 : f32
    %sub3A_9 = vector.broadcast %sub3A : f32 to vector<16xf32>
    %sub3A_10 = arith.subf %sub3A_9, %convert_element_type3A : vector<16xf32>
    %min3A = arith.constant 0.000000e+00 : f32
    %min3A_11 = vector.broadcast %min3A : f32 to vector<16xf32>
    %min3A_12 = arith.minimumf %sub3A_10, %min3A_11 : vector<16xf32>
    %mul3A_13 = arith.constant 1.000000e+30 : f32
    %mul3A_14 = vector.broadcast %mul3A_13 : f32 to vector<16xf32>
    %mul3A_15 = arith.mulf %min3A_12, %mul3A_14 : vector<16xf32>
    %add3A_16 = arith.constant 8 : i32
    %add3A_17 = vector.broadcast %add3A_16 : i32 to vector<16xi32>
    %add3A_18 = arith.addi %iota3A, %add3A_17 : vector<16xi32>
    %min3A_19 = arith.constant 15 : i32
    %min3A_20 = vector.broadcast %min3A_19 : i32 to vector<16xi32>
    %min3A_21 = arith.minsi %add3A_18, %min3A_20 : vector<16xi32>
    %scan3A = arith.constant 0 : i32
    %scan3A_22 = arith.constant 0 : i32
    %scan3A_23 = arith.constant 9 : i32
    %scan3A_24 = arith.addi %scan3A_22, %scan3A_23 : i32
    %scan3A_25 = arith.constant 1 : i32
    scf.for %scan3A_36 = %scan3A_22 to %scan3A_24 step %scan3A_25  : i32 {
      %mul3A_37 = arith.constant 9 : i32
      %mul3A_38 = arith.muli %scan3A_36, %mul3A_37 : i32
      "tpu.region"() ({
        %run_scoped3A = tpu.sem_alloc : memref<!tpu.dma_semaphore, #tpu.memory_space<semaphore_mem>>
        %dma_start3A = arith.constant 0 : i32
        %dma_start3A_47 = tpu.memref_slice %arg2[%add3A, %mul3A_38, %dma_start3A] : memref<32x81x128xi32, #tpu.memory_space<hbm>> -> memref<1x9x128xi32, #tpu.memory_space<hbm>>
        %dma_start3A_48 = tpu.memref_squeeze %dma_start3A_47 : memref<1x9x128xi32, #tpu.memory_space<hbm>> -> memref<9x128xi32, #tpu.memory_space<hbm>>
        %dma_start3A_49 = arith.constant 0 : i32
        %dma_start3A_50 = tpu.memref_slice %arg2[%add3A, %mul3A_38, %dma_start3A_49] : memref<32x81x128xi32, #tpu.memory_space<hbm>> -> memref<1x9x128xi32, #tpu.memory_space<hbm>>
        %dma_start3A_51 = tpu.memref_squeeze %dma_start3A_50 : memref<1x9x128xi32, #tpu.memory_space<hbm>> -> memref<9x128xi32, #tpu.memory_space<hbm>>
        tpu.enqueue_dma source(%dma_start3A_51 : memref<9x128xi32, #tpu.memory_space<hbm>>) target(%arg13 : memref<9x128xi32, #tpu.memory_space<vmem>>) target_semaphore(%run_scoped3A : memref<!tpu.dma_semaphore, #tpu.memory_space<semaphore_mem>>)
        %dma_wait3A = arith.constant 0 : i32
        %dma_wait3A_52 = tpu.memref_slice %arg2[%add3A, %mul3A_38, %dma_wait3A] : memref<32x81x128xi32, #tpu.memory_space<hbm>> -> memref<1x9x128xi32, #tpu.memory_space<hbm>>
        %dma_wait3A_53 = tpu.memref_squeeze %dma_wait3A_52 : memref<1x9x128xi32, #tpu.memory_space<hbm>> -> memref<9x128xi32, #tpu.memory_space<hbm>>
        %dma_wait3A_54 = arith.constant 0 : i32
        %dma_wait3A_55 = tpu.memref_slice %arg2[%add3A, %mul3A_38, %dma_wait3A_54] : memref<32x81x128xi32, #tpu.memory_space<hbm>> -> memref<1x9x128xi32, #tpu.memory_space<hbm>>
        %dma_wait3A_56 = tpu.memref_squeeze %dma_wait3A_55 : memref<1x9x128xi32, #tpu.memory_space<hbm>> -> memref<9x128xi32, #tpu.memory_space<hbm>>
        tpu.wait_dma2 semaphore(%run_scoped3A : memref<!tpu.dma_semaphore, #tpu.memory_space<semaphore_mem>>) src(%dma_wait3A_56 : memref<9x128xi32, #tpu.memory_space<hbm>>) dst(%arg13 : memref<9x128xi32, #tpu.memory_space<vmem>>)
        tpu.yield
      }) : () -> ()
      %mul3A_39 = arith.constant 9 : i32
      %mul3A_40 = arith.muli %scan3A_36, %mul3A_39 : i32
      "tpu.region"() ({
        %run_scoped3A = tpu.sem_alloc : memref<!tpu.dma_semaphore, #tpu.memory_space<semaphore_mem>>
        %dma_start3A = arith.constant 0 : i32
        %dma_start3A_47 = tpu.memref_slice %arg3[%add3A, %mul3A_40, %dma_start3A] : memref<32x81x128xi32, #tpu.memory_space<hbm>> -> memref<1x9x128xi32, #tpu.memory_space<hbm>>
        %dma_start3A_48 = tpu.memref_squeeze %dma_start3A_47 : memref<1x9x128xi32, #tpu.memory_space<hbm>> -> memref<9x128xi32, #tpu.memory_space<hbm>>
        %dma_start3A_49 = arith.constant 0 : i32
        %dma_start3A_50 = tpu.memref_slice %arg3[%add3A, %mul3A_40, %dma_start3A_49] : memref<32x81x128xi32, #tpu.memory_space<hbm>> -> memref<1x9x128xi32, #tpu.memory_space<hbm>>
        %dma_start3A_51 = tpu.memref_squeeze %dma_start3A_50 : memref<1x9x128xi32, #tpu.memory_space<hbm>> -> memref<9x128xi32, #tpu.memory_space<hbm>>
        tpu.enqueue_dma source(%dma_start3A_51 : memref<9x128xi32, #tpu.memory_space<hbm>>) target(%arg14 : memref<9x128xi32, #tpu.memory_space<vmem>>) target_semaphore(%run_scoped3A : memref<!tpu.dma_semaphore, #tpu.memory_space<semaphore_mem>>)
        %dma_wait3A = arith.constant 0 : i32
        %dma_wait3A_52 = tpu.memref_slice %arg3[%add3A, %mul3A_40, %dma_wait3A] : memref<32x81x128xi32, #tpu.memory_space<hbm>> -> memref<1x9x128xi32, #tpu.memory_space<hbm>>
        %dma_wait3A_53 = tpu.memref_squeeze %dma_wait3A_52 : memref<1x9x128xi32, #tpu.memory_space<hbm>> -> memref<9x128xi32, #tpu.memory_space<hbm>>
        %dma_wait3A_54 = arith.constant 0 : i32
        %dma_wait3A_55 = tpu.memref_slice %arg3[%add3A, %mul3A_40, %dma_wait3A_54] : memref<32x81x128xi32, #tpu.memory_space<hbm>> -> memref<1x9x128xi32, #tpu.memory_space<hbm>>
        %dma_wait3A_56 = tpu.memref_squeeze %dma_wait3A_55 : memref<1x9x128xi32, #tpu.memory_space<hbm>> -> memref<9x128xi32, #tpu.memory_space<hbm>>
        tpu.wait_dma2 semaphore(%run_scoped3A : memref<!tpu.dma_semaphore, #tpu.memory_space<semaphore_mem>>) src(%dma_wait3A_56 : memref<9x128xi32, #tpu.memory_space<hbm>>) dst(%arg14 : memref<9x128xi32, #tpu.memory_space<vmem>>)
        tpu.yield
      }) : () -> ()
      %scan3A_41 = arith.constant 0 : i32
      %scan3A_42 = arith.constant 0 : i32
      %scan3A_43 = arith.constant 9 : i32
      %scan3A_44 = arith.addi %scan3A_42, %scan3A_43 : i32
      %scan3A_45 = arith.constant 1 : i32
      scf.for %scan3A_47 = %scan3A_42 to %scan3A_44 step %scan3A_45  : i32 {
        %dma_start3A = arith.constant 0 : i32
        %dma_start3A_48 = tpu.memref_slice %arg13[%scan3A_47, %dma_start3A] : memref<9x128xi32, #tpu.memory_space<vmem>> -> memref<1x128xi32, #tpu.memory_space<vmem>>
        %dma_start3A_49 = tpu.memref_squeeze %dma_start3A_48 : memref<1x128xi32, #tpu.memory_space<vmem>> -> memref<128xi32, #tpu.memory_space<vmem>>
        %dma_start3A_50 = arith.constant 0 : i32
        %dma_start3A_51 = arith.constant 0 : i32
        %dma_start3A_52 = tpu.memref_slice %arg4[%dma_start3A_50, %dma_start3A_51] : memref<10000x128xf32, #tpu.memory_space<hbm>> -> memref<10000x128xf32, #tpu.memory_space<hbm>>
        tpu.enqueue_indirect_dma source(%dma_start3A_52 : memref<10000x128xf32, #tpu.memory_space<hbm>>) target(%arg18 : memref<128x128xf32, #tpu.memory_space<vmem>>) offsets(%dma_start3A_49 : memref<128xi32, #tpu.memory_space<vmem>>) semaphore(%arg19 : memref<!tpu.dma_semaphore, #tpu.memory_space<semaphore_mem>>)
        %dma_start3A_53 = arith.constant 0 : i32
        %dma_start3A_54 = tpu.memref_slice %arg13[%scan3A_47, %dma_start3A_53] : memref<9x128xi32, #tpu.memory_space<vmem>> -> memref<1x128xi32, #tpu.memory_space<vmem>>
        %dma_start3A_55 = tpu.memref_squeeze %dma_start3A_54 : memref<1x128xi32, #tpu.memory_space<vmem>> -> memref<128xi32, #tpu.memory_space<vmem>>
        %dma_start3A_56 = arith.constant 0 : i32
        %dma_start3A_57 = arith.constant 0 : i32
        %dma_start3A_58 = tpu.memref_slice %arg5[%dma_start3A_56, %dma_start3A_57] : memref<10000x16xf32, #tpu.memory_space<hbm>> -> memref<10000x16xf32, #tpu.memory_space<hbm>>
        tpu.enqueue_indirect_dma source(%dma_start3A_58 : memref<10000x16xf32, #tpu.memory_space<hbm>>) target(%arg15 : memref<128x16xf32, #tpu.memory_space<vmem>>) offsets(%dma_start3A_55 : memref<128xi32, #tpu.memory_space<vmem>>) semaphore(%arg20 : memref<!tpu.dma_semaphore, #tpu.memory_space<semaphore_mem>>)
        %dma_start3A_59 = arith.constant 0 : i32
        %dma_start3A_60 = tpu.memref_slice %arg14[%scan3A_47, %dma_start3A_59] : memref<9x128xi32, #tpu.memory_space<vmem>> -> memref<1x128xi32, #tpu.memory_space<vmem>>
        %dma_start3A_61 = tpu.memref_squeeze %dma_start3A_60 : memref<1x128xi32, #tpu.memory_space<vmem>> -> memref<128xi32, #tpu.memory_space<vmem>>
        %dma_start3A_62 = arith.constant 0 : i32
        %dma_start3A_63 = arith.constant 0 : i32
        %dma_start3A_64 = tpu.memref_slice %arg6[%dma_start3A_62, %dma_start3A_63] : memref<10000x16xf32, #tpu.memory_space<hbm>> -> memref<10000x16xf32, #tpu.memory_space<hbm>>
        tpu.enqueue_indirect_dma source(%dma_start3A_64 : memref<10000x16xf32, #tpu.memory_space<hbm>>) target(%arg16 : memref<128x16xf32, #tpu.memory_space<vmem>>) offsets(%dma_start3A_61 : memref<128xi32, #tpu.memory_space<vmem>>) semaphore(%arg21 : memref<!tpu.dma_semaphore, #tpu.memory_space<semaphore_mem>>)
        %dma_wait3A = arith.constant 0 : i32
        %dma_wait3A_65 = tpu.memref_slice %arg13[%scan3A_47, %dma_wait3A] : memref<9x128xi32, #tpu.memory_space<vmem>> -> memref<1x128xi32, #tpu.memory_space<vmem>>
        %dma_wait3A_66 = tpu.memref_squeeze %dma_wait3A_65 : memref<1x128xi32, #tpu.memory_space<vmem>> -> memref<128xi32, #tpu.memory_space<vmem>>
        %dma_wait3A_67 = arith.constant 0 : i32
        %dma_wait3A_68 = arith.constant 0 : i32
        %dma_wait3A_69 = tpu.memref_slice %arg5[%dma_wait3A_67, %dma_wait3A_68] : memref<10000x16xf32, #tpu.memory_space<hbm>> -> memref<10000x16xf32, #tpu.memory_space<hbm>>
        tpu.wait_indirect_dma semaphore(%arg20 : memref<!tpu.dma_semaphore, #tpu.memory_space<semaphore_mem>>) src(%dma_wait3A_69 : memref<10000x16xf32, #tpu.memory_space<hbm>>) dst(%arg15 : memref<128x16xf32, #tpu.memory_space<vmem>>)
        %dma_wait3A_70 = arith.constant 0 : i32
        %dma_wait3A_71 = tpu.memref_slice %arg14[%scan3A_47, %dma_wait3A_70] : memref<9x128xi32, #tpu.memory_space<vmem>> -> memref<1x128xi32, #tpu.memory_space<vmem>>
        %dma_wait3A_72 = tpu.memref_squeeze %dma_wait3A_71 : memref<1x128xi32, #tpu.memory_space<vmem>> -> memref<128xi32, #tpu.memory_space<vmem>>
        %dma_wait3A_73 = arith.constant 0 : i32
        %dma_wait3A_74 = arith.constant 0 : i32
        %dma_wait3A_75 = tpu.memref_slice %arg6[%dma_wait3A_73, %dma_wait3A_74] : memref<10000x16xf32, #tpu.memory_space<hbm>> -> memref<10000x16xf32, #tpu.memory_space<hbm>>
        tpu.wait_indirect_dma semaphore(%arg21 : memref<!tpu.dma_semaphore, #tpu.memory_space<semaphore_mem>>) src(%dma_wait3A_75 : memref<10000x16xf32, #tpu.memory_space<hbm>>) dst(%arg16 : memref<128x16xf32, #tpu.memory_space<vmem>>)
        %parallel_loop3A = arith.constant 0 : i32
        %parallel_loop3A_76 = arith.constant 128 : i32
        %parallel_loop3A_77 = arith.constant 1 : i32
        scf.for %parallel_loop3A_111 = %parallel_loop3A to %parallel_loop3A_76 step %parallel_loop3A_77  : i32 {
          %parallel_loop3A_112 = arith.index_cast %parallel_loop3A_111 : i32 to index
          %parallel_loop3A_113 = arith.constant 0 : index
          %parallel_loop3A_114 = tpu.vector_load %arg15[%parallel_loop3A_112, %parallel_loop3A_113] {strides = array<i32>} : memref<128x16xf32, #tpu.memory_space<vmem>>, vector<1x16xf32>,
          %parallel_loop3A_115 = vector.shape_cast %parallel_loop3A_114 : vector<1x16xf32> to vector<16xf32>
          %parallel_loop3A_116 = arith.index_cast %parallel_loop3A_111 : i32 to index
          %parallel_loop3A_117 = arith.constant 0 : index
          %parallel_loop3A_118 = tpu.vector_load %arg16[%parallel_loop3A_116, %parallel_loop3A_117] {strides = array<i32>} : memref<128x16xf32, #tpu.memory_space<vmem>>, vector<1x16xf32>,
          %parallel_loop3A_119 = vector.shape_cast %parallel_loop3A_118 : vector<1x16xf32> to vector<16xf32>
          %parallel_loop3A_120 = arith.addf %parallel_loop3A_115, %parallel_loop3A_119 : vector<16xf32>
          %parallel_loop3A_121 = arith.constant 2.000000e-01 : f32
          %parallel_loop3A_122 = vector.broadcast %parallel_loop3A_121 : f32 to vector<16xf32>
          %parallel_loop3A_123 = arith.mulf %parallel_loop3A_122, %parallel_loop3A_120 : vector<16xf32>
          %parallel_loop3A_124 = arith.maximumf %parallel_loop3A_120, %parallel_loop3A_123 : vector<16xf32>
          %parallel_loop3A_125 = vector.shape_cast %min3A_21 : vector<16xi32> to vector<16x1xi32>
          %parallel_loop3A_126 = vector.shape_cast %parallel_loop3A_125 : vector<16x1xi32> to vector<16xi32>
          %parallel_loop3A_127 = tpu.dynamic_gather %parallel_loop3A_120[%parallel_loop3A_126] in [0] : vector<16xf32>, vector<16xi32> -> vector<16xf32>
          %parallel_loop3A_128 = arith.subf %parallel_loop3A_124, %parallel_loop3A_127 : vector<16xf32>
          %parallel_loop3A_129 = arith.addf %parallel_loop3A_128, %mul3A_15 : vector<16xf32>
          %parallel_loop3A_130 = math.exp %parallel_loop3A_129 : vector<16xf32>
          %parallel_loop3A_131 = arith.index_cast %parallel_loop3A_111 : i32 to index
          %parallel_loop3A_132 = arith.constant 0 : index
          %parallel_loop3A_133 = tpu.vector_load %arg17[%parallel_loop3A_131, %parallel_loop3A_132] {strides = array<i32>} : memref<128x16xf32, #tpu.memory_space<vmem>>, vector<1x16xf32>,
          %parallel_loop3A_134 = vector.shape_cast %parallel_loop3A_133 : vector<1x16xf32> to vector<16xf32>
          %parallel_loop3A_135 = vector.shape_cast %parallel_loop3A_130 : vector<16xf32> to vector<1x16xf32>
          tpu.vector_store %arg17[%parallel_loop3A_131, %parallel_loop3A_132], %parallel_loop3A_135 {strides = array<i32>} : memref<128x16xf32, #tpu.memory_space<vmem>>, vector<1x16xf32>,
        } {sc.loop_unroll_factor = 8 : i64, sc.parallel_access}
        %dma_start3A_78 = arith.constant 0 : i32
        %dma_start3A_79 = tpu.memref_slice %arg14[%scan3A_47, %dma_start3A_78] : memref<9x128xi32, #tpu.memory_space<vmem>> -> memref<1x128xi32, #tpu.memory_space<vmem>>
        %dma_start3A_80 = tpu.memref_squeeze %dma_start3A_79 : memref<1x128xi32, #tpu.memory_space<vmem>> -> memref<128xi32, #tpu.memory_space<vmem>>
        %dma_start3A_81 = arith.constant 0 : i32
        %dma_start3A_82 = arith.constant 0 : i32
        %dma_start3A_83 = tpu.memref_slice %arg12[%dma_start3A_81, %dma_start3A_82] : memref<10112x16xf32, #tpu.memory_space<vmem_shared>> -> memref<10112x16xf32, #tpu.memory_space<vmem_shared>>
        tpu.enqueue_indirect_dma source(%arg17 : memref<128x16xf32, #tpu.memory_space<vmem>>) target(%dma_start3A_83 : memref<10112x16xf32, #tpu.memory_space<vmem_shared>>) offsets(%dma_start3A_80 : memref<128xi32, #tpu.memory_space<vmem>>) semaphore(%arg22 : memref<!tpu.dma_semaphore, #tpu.memory_space<semaphore_mem>>) {add = true}
        %dma_wait3A_84 = arith.constant 0 : i32
        %dma_wait3A_85 = tpu.memref_slice %arg13[%scan3A_47, %dma_wait3A_84] : memref<9x128xi32, #tpu.memory_space<vmem>> -> memref<1x128xi32, #tpu.memory_space<vmem>>
        %dma_wait3A_86 = tpu.memref_squeeze %dma_wait3A_85 : memref<1x128xi32, #tpu.memory_space<vmem>> -> memref<128xi32, #tpu.memory_space<vmem>>
        %dma_wait3A_87 = arith.constant 0 : i32
        %dma_wait3A_88 = arith.constant 0 : i32
        %dma_wait3A_89 = tpu.memref_slice %arg4[%dma_wait3A_87, %dma_wait3A_88] : memref<10000x128xf32, #tpu.memory_space<hbm>> -> memref<10000x128xf32, #tpu.memory_space<hbm>>
        tpu.wait_indirect_dma semaphore(%arg19 : memref<!tpu.dma_semaphore, #tpu.memory_space<semaphore_mem>>) src(%dma_wait3A_89 : memref<10000x128xf32, #tpu.memory_space<hbm>>) dst(%arg18 : memref<128x128xf32, #tpu.memory_space<vmem>>)
        %parallel_loop3A_90 = arith.constant 0 : i32
        %parallel_loop3A_91 = arith.constant 128 : i32
        %parallel_loop3A_92 = arith.constant 1 : i32
        scf.for %parallel_loop3A_111 = %parallel_loop3A_90 to %parallel_loop3A_91 step %parallel_loop3A_92  : i32 {
          %parallel_loop3A_112 = arith.index_cast %parallel_loop3A_111 : i32 to index
          %parallel_loop3A_113 = arith.constant 0 : index
          %parallel_loop3A_114 = tpu.vector_load %arg17[%parallel_loop3A_112, %parallel_loop3A_113] {strides = array<i32>} : memref<128x16xf32, #tpu.memory_space<vmem>>, vector<1x16xf32>,
          %parallel_loop3A_115 = vector.shape_cast %parallel_loop3A_114 : vector<1x16xf32> to vector<16xf32>
          %parallel_loop3A_116 = arith.index_cast %parallel_loop3A_111 : i32 to index
          %parallel_loop3A_117 = arith.constant 0 : index
          %parallel_loop3A_118 = tpu.vector_load %arg18[%parallel_loop3A_116, %parallel_loop3A_117] {strides = array<i32>} : memref<128x128xf32, #tpu.memory_space<vmem>>, vector<1x16xf32>,
          %parallel_loop3A_119 = vector.shape_cast %parallel_loop3A_118 : vector<1x16xf32> to vector<16xf32>
          %parallel_loop3A_120 = arith.constant 0 : i32
          %parallel_loop3A_121 = vector.broadcast %parallel_loop3A_120 : i32 to vector<16xi32>
          %parallel_loop3A_122 = vector.shape_cast %parallel_loop3A_121 : vector<16xi32> to vector<16x1xi32>
          %parallel_loop3A_123 = vector.shape_cast %parallel_loop3A_122 : vector<16x1xi32> to vector<16xi32>
          %parallel_loop3A_124 = tpu.dynamic_gather %parallel_loop3A_115[%parallel_loop3A_123] in [0] : vector<16xf32>, vector<16xi32> -> vector<16xf32>
          %parallel_loop3A_125 = arith.mulf %parallel_loop3A_119, %parallel_loop3A_124 : vector<16xf32>
          %parallel_loop3A_126 = arith.index_cast %parallel_loop3A_111 : i32 to index
          %parallel_loop3A_127 = arith.constant 0 : index
          %parallel_loop3A_128 = tpu.vector_load %arg18[%parallel_loop3A_126, %parallel_loop3A_127] {strides = array<i32>} : memref<128x128xf32, #tpu.memory_space<vmem>>, vector<1x16xf32>,
          %parallel_loop3A_129 = vector.shape_cast %parallel_loop3A_128 : vector<1x16xf32> to vector<16xf32>
          %parallel_loop3A_130 = vector.shape_cast %parallel_loop3A_125 : vector<16xf32> to vector<1x16xf32>
          tpu.vector_store %arg18[%parallel_loop3A_126, %parallel_loop3A_127], %parallel_loop3A_130 {strides = array<i32>} : memref<128x128xf32, #tpu.memory_space<vmem>>, vector<1x16xf32>,
          %parallel_loop3A_131 = arith.index_cast %parallel_loop3A_111 : i32 to index
          %parallel_loop3A_132 = arith.constant 16 : index
          %parallel_loop3A_133 = tpu.vector_load %arg18[%parallel_loop3A_131, %parallel_loop3A_132] {strides = array<i32>} : memref<128x128xf32, #tpu.memory_space<vmem>>, vector<1x16xf32>,
          %parallel_loop3A_134 = vector.shape_cast %parallel_loop3A_133 : vector<1x16xf32> to vector<16xf32>
          %parallel_loop3A_135 = arith.constant 1 : i32
          %parallel_loop3A_136 = vector.broadcast %parallel_loop3A_135 : i32 to vector<16xi32>
          %parallel_loop3A_137 = vector.shape_cast %parallel_loop3A_136 : vector<16xi32> to vector<16x1xi32>
          %parallel_loop3A_138 = vector.shape_cast %parallel_loop3A_137 : vector<16x1xi32> to vector<16xi32>
          %parallel_loop3A_139 = tpu.dynamic_gather %parallel_loop3A_115[%parallel_loop3A_138] in [0] : vector<16xf32>, vector<16xi32> -> vector<16xf32>
          %parallel_loop3A_140 = arith.mulf %parallel_loop3A_134, %parallel_loop3A_139 : vector<16xf32>
          %parallel_loop3A_141 = arith.index_cast %parallel_loop3A_111 : i32 to index
          %parallel_loop3A_142 = arith.constant 16 : index
          %parallel_loop3A_143 = tpu.vector_load %arg18[%parallel_loop3A_141, %parallel_loop3A_142] {strides = array<i32>} : memref<128x128xf32, #tpu.memory_space<vmem>>, vector<1x16xf32>,
          %parallel_loop3A_144 = vector.shape_cast %parallel_loop3A_143 : vector<1x16xf32> to vector<16xf32>
          %parallel_loop3A_145 = vector.shape_cast %parallel_loop3A_140 : vector<16xf32> to vector<1x16xf32>
          tpu.vector_store %arg18[%parallel_loop3A_141, %parallel_loop3A_142], %parallel_loop3A_145 {strides = array<i32>} : memref<128x128xf32, #tpu.memory_space<vmem>>, vector<1x16xf32>,
          %parallel_loop3A_146 = arith.index_cast %parallel_loop3A_111 : i32 to index
          %parallel_loop3A_147 = arith.constant 32 : index
          %parallel_loop3A_148 = tpu.vector_load %arg18[%parallel_loop3A_146, %parallel_loop3A_147] {strides = array<i32>} : memref<128x128xf32, #tpu.memory_space<vmem>>, vector<1x16xf32>,
          %parallel_loop3A_149 = vector.shape_cast %parallel_loop3A_148 : vector<1x16xf32> to vector<16xf32>
          %parallel_loop3A_150 = arith.constant 2 : i32
          %parallel_loop3A_151 = vector.broadcast %parallel_loop3A_150 : i32 to vector<16xi32>
          %parallel_loop3A_152 = vector.shape_cast %parallel_loop3A_151 : vector<16xi32> to vector<16x1xi32>
          %parallel_loop3A_153 = vector.shape_cast %parallel_loop3A_152 : vector<16x1xi32> to vector<16xi32>
          %parallel_loop3A_154 = tpu.dynamic_gather %parallel_loop3A_115[%parallel_loop3A_153] in [0] : vector<16xf32>, vector<16xi32> -> vector<16xf32>
          %parallel_loop3A_155 = arith.mulf %parallel_loop3A_149, %parallel_loop3A_154 : vector<16xf32>
          %parallel_loop3A_156 = arith.index_cast %parallel_loop3A_111 : i32 to index
          %parallel_loop3A_157 = arith.constant 32 : index
          %parallel_loop3A_158 = tpu.vector_load %arg18[%parallel_loop3A_156, %parallel_loop3A_157] {strides = array<i32>} : memref<128x128xf32, #tpu.memory_space<vmem>>, vector<1x16xf32>,
          %parallel_loop3A_159 = vector.shape_cast %parallel_loop3A_158 : vector<1x16xf32> to vector<16xf32>
          %parallel_loop3A_160 = vector.shape_cast %parallel_loop3A_155 : vector<16xf32> to vector<1x16xf32>
          tpu.vector_store %arg18[%parallel_loop3A_156, %parallel_loop3A_157], %parallel_loop3A_160 {strides = array<i32>} : memref<128x128xf32, #tpu.memory_space<vmem>>, vector<1x16xf32>,
          %parallel_loop3A_161 = arith.index_cast %parallel_loop3A_111 : i32 to index
          %parallel_loop3A_162 = arith.constant 48 : index
          %parallel_loop3A_163 = tpu.vector_load %arg18[%parallel_loop3A_161, %parallel_loop3A_162] {strides = array<i32>} : memref<128x128xf32, #tpu.memory_space<vmem>>, vector<1x16xf32>,
          %parallel_loop3A_164 = vector.shape_cast %parallel_loop3A_163 : vector<1x16xf32> to vector<16xf32>
          %parallel_loop3A_165 = arith.constant 3 : i32
          %parallel_loop3A_166 = vector.broadcast %parallel_loop3A_165 : i32 to vector<16xi32>
          %parallel_loop3A_167 = vector.shape_cast %parallel_loop3A_166 : vector<16xi32> to vector<16x1xi32>
          %parallel_loop3A_168 = vector.shape_cast %parallel_loop3A_167 : vector<16x1xi32> to vector<16xi32>
          %parallel_loop3A_169 = tpu.dynamic_gather %parallel_loop3A_115[%parallel_loop3A_168] in [0] : vector<16xf32>, vector<16xi32> -> vector<16xf32>
          %parallel_loop3A_170 = arith.mulf %parallel_loop3A_164, %parallel_loop3A_169 : vector<16xf32>
          %parallel_loop3A_171 = arith.index_cast %parallel_loop3A_111 : i32 to index
          %parallel_loop3A_172 = arith.constant 48 : index
          %parallel_loop3A_173 = tpu.vector_load %arg18[%parallel_loop3A_171, %parallel_loop3A_172] {strides = array<i32>} : memref<128x128xf32, #tpu.memory_space<vmem>>, vector<1x16xf32>,
          %parallel_loop3A_174 = vector.shape_cast %parallel_loop3A_173 : vector<1x16xf32> to vector<16xf32>
          %parallel_loop3A_175 = vector.shape_cast %parallel_loop3A_170 : vector<16xf32> to vector<1x16xf32>
          tpu.vector_store %arg18[%parallel_loop3A_171, %parallel_loop3A_172], %parallel_loop3A_175 {strides = array<i32>} : memref<128x128xf32, #tpu.memory_space<vmem>>, vector<1x16xf32>,
          %parallel_loop3A_176 = arith.index_cast %parallel_loop3A_111 : i32 to index
          %parallel_loop3A_177 = arith.constant 64 : index
          %parallel_loop3A_178 = tpu.vector_load %arg18[%parallel_loop3A_176, %parallel_loop3A_177] {strides = array<i32>} : memref<128x128xf32, #tpu.memory_space<vmem>>, vector<1x16xf32>,
          %parallel_loop3A_179 = vector.shape_cast %parallel_loop3A_178 : vector<1x16xf32> to vector<16xf32>
          %parallel_loop3A_180 = arith.constant 4 : i32
          %parallel_loop3A_181 = vector.broadcast %parallel_loop3A_180 : i32 to vector<16xi32>
          %parallel_loop3A_182 = vector.shape_cast %parallel_loop3A_181 : vector<16xi32> to vector<16x1xi32>
          %parallel_loop3A_183 = vector.shape_cast %parallel_loop3A_182 : vector<16x1xi32> to vector<16xi32>
          %parallel_loop3A_184 = tpu.dynamic_gather %parallel_loop3A_115[%parallel_loop3A_183] in [0] : vector<16xf32>, vector<16xi32> -> vector<16xf32>
          %parallel_loop3A_185 = arith.mulf %parallel_loop3A_179, %parallel_loop3A_184 : vector<16xf32>
          %parallel_loop3A_186 = arith.index_cast %parallel_loop3A_111 : i32 to index
          %parallel_loop3A_187 = arith.constant 64 : index
          %parallel_loop3A_188 = tpu.vector_load %arg18[%parallel_loop3A_186, %parallel_loop3A_187] {strides = array<i32>} : memref<128x128xf32, #tpu.memory_space<vmem>>, vector<1x16xf32>,
          %parallel_loop3A_189 = vector.shape_cast %parallel_loop3A_188 : vector<1x16xf32> to vector<16xf32>
          %parallel_loop3A_190 = vector.shape_cast %parallel_loop3A_185 : vector<16xf32> to vector<1x16xf32>
          tpu.vector_store %arg18[%parallel_loop3A_186, %parallel_loop3A_187], %parallel_loop3A_190 {strides = array<i32>} : memref<128x128xf32, #tpu.memory_space<vmem>>, vector<1x16xf32>,
          %parallel_loop3A_191 = arith.index_cast %parallel_loop3A_111 : i32 to index
          %parallel_loop3A_192 = arith.constant 80 : index
          %parallel_loop3A_193 = tpu.vector_load %arg18[%parallel_loop3A_191, %parallel_loop3A_192] {strides = array<i32>} : memref<128x128xf32, #tpu.memory_space<vmem>>, vector<1x16xf32>,
          %parallel_loop3A_194 = vector.shape_cast %parallel_loop3A_193 : vector<1x16xf32> to vector<16xf32>
          %parallel_loop3A_195 = arith.constant 5 : i32
          %parallel_loop3A_196 = vector.broadcast %parallel_loop3A_195 : i32 to vector<16xi32>
          %parallel_loop3A_197 = vector.shape_cast %parallel_loop3A_196 : vector<16xi32> to vector<16x1xi32>
          %parallel_loop3A_198 = vector.shape_cast %parallel_loop3A_197 : vector<16x1xi32> to vector<16xi32>
          %parallel_loop3A_199 = tpu.dynamic_gather %parallel_loop3A_115[%parallel_loop3A_198] in [0] : vector<16xf32>, vector<16xi32> -> vector<16xf32>
          %parallel_loop3A_200 = arith.mulf %parallel_loop3A_194, %parallel_loop3A_199 : vector<16xf32>
          %parallel_loop3A_201 = arith.index_cast %parallel_loop3A_111 : i32 to index
          %parallel_loop3A_202 = arith.constant 80 : index
          %parallel_loop3A_203 = tpu.vector_load %arg18[%parallel_loop3A_201, %parallel_loop3A_202] {strides = array<i32>} : memref<128x128xf32, #tpu.memory_space<vmem>>, vector<1x16xf32>,
          %parallel_loop3A_204 = vector.shape_cast %parallel_loop3A_203 : vector<1x16xf32> to vector<16xf32>
          %parallel_loop3A_205 = vector.shape_cast %parallel_loop3A_200 : vector<16xf32> to vector<1x16xf32>
          tpu.vector_store %arg18[%parallel_loop3A_201, %parallel_loop3A_202], %parallel_loop3A_205 {strides = array<i32>} : memref<128x128xf32, #tpu.memory_space<vmem>>, vector<1x16xf32>,
          %parallel_loop3A_206 = arith.index_cast %parallel_loop3A_111 : i32 to index
          %parallel_loop3A_207 = arith.constant 96 : index
          %parallel_loop3A_208 = tpu.vector_load %arg18[%parallel_loop3A_206, %parallel_loop3A_207] {strides = array<i32>} : memref<128x128xf32, #tpu.memory_space<vmem>>, vector<1x16xf32>,
          %parallel_loop3A_209 = vector.shape_cast %parallel_loop3A_208 : vector<1x16xf32> to vector<16xf32>
          %parallel_loop3A_210 = arith.constant 6 : i32
          %parallel_loop3A_211 = vector.broadcast %parallel_loop3A_210 : i32 to vector<16xi32>
          %parallel_loop3A_212 = vector.shape_cast %parallel_loop3A_211 : vector<16xi32> to vector<16x1xi32>
          %parallel_loop3A_213 = vector.shape_cast %parallel_loop3A_212 : vector<16x1xi32> to vector<16xi32>
          %parallel_loop3A_214 = tpu.dynamic_gather %parallel_loop3A_115[%parallel_loop3A_213] in [0] : vector<16xf32>, vector<16xi32> -> vector<16xf32>
          %parallel_loop3A_215 = arith.mulf %parallel_loop3A_209, %parallel_loop3A_214 : vector<16xf32>
          %parallel_loop3A_216 = arith.index_cast %parallel_loop3A_111 : i32 to index
          %parallel_loop3A_217 = arith.constant 96 : index
          %parallel_loop3A_218 = tpu.vector_load %arg18[%parallel_loop3A_216, %parallel_loop3A_217] {strides = array<i32>} : memref<128x128xf32, #tpu.memory_space<vmem>>, vector<1x16xf32>,
          %parallel_loop3A_219 = vector.shape_cast %parallel_loop3A_218 : vector<1x16xf32> to vector<16xf32>
          %parallel_loop3A_220 = vector.shape_cast %parallel_loop3A_215 : vector<16xf32> to vector<1x16xf32>
          tpu.vector_store %arg18[%parallel_loop3A_216, %parallel_loop3A_217], %parallel_loop3A_220 {strides = array<i32>} : memref<128x128xf32, #tpu.memory_space<vmem>>, vector<1x16xf32>,
          %parallel_loop3A_221 = arith.index_cast %parallel_loop3A_111 : i32 to index
          %parallel_loop3A_222 = arith.constant 112 : index
          %parallel_loop3A_223 = tpu.vector_load %arg18[%parallel_loop3A_221, %parallel_loop3A_222] {strides = array<i32>} : memref<128x128xf32, #tpu.memory_space<vmem>>, vector<1x16xf32>,
          %parallel_loop3A_224 = vector.shape_cast %parallel_loop3A_223 : vector<1x16xf32> to vector<16xf32>
          %parallel_loop3A_225 = arith.constant 7 : i32
          %parallel_loop3A_226 = vector.broadcast %parallel_loop3A_225 : i32 to vector<16xi32>
          %parallel_loop3A_227 = vector.shape_cast %parallel_loop3A_226 : vector<16xi32> to vector<16x1xi32>
          %parallel_loop3A_228 = vector.shape_cast %parallel_loop3A_227 : vector<16x1xi32> to vector<16xi32>
          %parallel_loop3A_229 = tpu.dynamic_gather %parallel_loop3A_115[%parallel_loop3A_228] in [0] : vector<16xf32>, vector<16xi32> -> vector<16xf32>
          %parallel_loop3A_230 = arith.mulf %parallel_loop3A_224, %parallel_loop3A_229 : vector<16xf32>
          %parallel_loop3A_231 = arith.index_cast %parallel_loop3A_111 : i32 to index
          %parallel_loop3A_232 = arith.constant 112 : index
          %parallel_loop3A_233 = tpu.vector_load %arg18[%parallel_loop3A_231, %parallel_loop3A_232] {strides = array<i32>} : memref<128x128xf32, #tpu.memory_space<vmem>>, vector<1x16xf32>,
          %parallel_loop3A_234 = vector.shape_cast %parallel_loop3A_233 : vector<1x16xf32> to vector<16xf32>
          %parallel_loop3A_235 = vector.shape_cast %parallel_loop3A_230 : vector<16xf32> to vector<1x16xf32>
          tpu.vector_store %arg18[%parallel_loop3A_231, %parallel_loop3A_232], %parallel_loop3A_235 {strides = array<i32>} : memref<128x128xf32, #tpu.memory_space<vmem>>, vector<1x16xf32>,
        } {sc.loop_unroll_factor = 4 : i64, sc.parallel_access}
        %dma_start3A_93 = arith.constant 0 : i32
        %dma_start3A_94 = tpu.memref_slice %arg14[%scan3A_47, %dma_start3A_93] : memref<9x128xi32, #tpu.memory_space<vmem>> -> memref<1x128xi32, #tpu.memory_space<vmem>>
        %dma_start3A_95 = tpu.memref_squeeze %dma_start3A_94 : memref<1x128xi32, #tpu.memory_space<vmem>> -> memref<128xi32, #tpu.memory_space<vmem>>
        %dma_start3A_96 = arith.constant 0 : i32
        %dma_start3A_97 = arith.constant 0 : i32
        %dma_start3A_98 = tpu.memref_slice %arg11[%dma_start3A_96, %dma_start3A_97] : memref<10112x128xf32, #tpu.memory_space<vmem_shared>> -> memref<10112x128xf32, #tpu.memory_space<vmem_shared>>
        tpu.enqueue_indirect_dma source(%arg18 : memref<128x128xf32, #tpu.memory_space<vmem>>) target(%dma_start3A_98 : memref<10112x128xf32, #tpu.memory_space<vmem_shared>>) offsets(%dma_start3A_95 : memref<128xi32, #tpu.memory_space<vmem>>) semaphore(%arg23 : memref<!tpu.dma_semaphore, #tpu.memory_space<semaphore_mem>>) {add = true}
        %dma_wait3A_99 = arith.constant 0 : i32
        %dma_wait3A_100 = tpu.memref_slice %arg14[%scan3A_47, %dma_wait3A_99] : memref<9x128xi32, #tpu.memory_space<vmem>> -> memref<1x128xi32, #tpu.memory_space<vmem>>
        %dma_wait3A_101 = tpu.memref_squeeze %dma_wait3A_100 : memref<1x128xi32, #tpu.memory_space<vmem>> -> memref<128xi32, #tpu.memory_space<vmem>>
        %dma_wait3A_102 = arith.constant 0 : i32
        %dma_wait3A_103 = arith.constant 0 : i32
        %dma_wait3A_104 = tpu.memref_slice %arg12[%dma_wait3A_102, %dma_wait3A_103] : memref<10112x16xf32, #tpu.memory_space<vmem_shared>> -> memref<10112x16xf32, #tpu.memory_space<vmem_shared>>
        tpu.wait_indirect_dma semaphore(%arg22 : memref<!tpu.dma_semaphore, #tpu.memory_space<semaphore_mem>>) src(%arg17 : memref<128x16xf32, #tpu.memory_space<vmem>>) dst(%dma_wait3A_104 : memref<10112x16xf32, #tpu.memory_space<vmem_shared>>)
        %dma_wait3A_105 = arith.constant 0 : i32
        %dma_wait3A_106 = tpu.memref_slice %arg14[%scan3A_47, %dma_wait3A_105] : memref<9x128xi32, #tpu.memory_space<vmem>> -> memref<1x128xi32, #tpu.memory_space<vmem>>
        %dma_wait3A_107 = tpu.memref_squeeze %dma_wait3A_106 : memref<1x128xi32, #tpu.memory_space<vmem>> -> memref<128xi32, #tpu.memory_space<vmem>>
        %dma_wait3A_108 = arith.constant 0 : i32
        %dma_wait3A_109 = arith.constant 0 : i32
        %dma_wait3A_110 = tpu.memref_slice %arg11[%dma_wait3A_108, %dma_wait3A_109] : memref<10112x128xf32, #tpu.memory_space<vmem_shared>> -> memref<10112x128xf32, #tpu.memory_space<vmem_shared>>
        tpu.wait_indirect_dma semaphore(%arg23 : memref<!tpu.dma_semaphore, #tpu.memory_space<semaphore_mem>>) src(%arg18 : memref<128x128xf32, #tpu.memory_space<vmem>>) dst(%dma_wait3A_110 : memref<10112x128xf32, #tpu.memory_space<vmem_shared>>)
      }
      %scan3A_46 = arith.constant 9 : i32
    }
    %scan3A_26 = arith.constant 9 : i32
    %barrier3A_27 = arith.constant 0 : index
    tpu.barrier barrier_id(%barrier3A_27)
    %mul3A_28 = arith.constant 632 : i32
    %mul3A_29 = arith.muli %arg1, %mul3A_28 : i32
    %mul3A_30 = arith.constant 632 : i32
    %mul3A_31 = arith.muli %arg1, %mul3A_30 : i32
    "tpu.region"() ({
      %run_scoped3A = tpu.sem_alloc : memref<!tpu.dma_semaphore, #tpu.memory_space<semaphore_mem>>
      %dma_start3A = arith.constant 0 : i32
      %dma_start3A_36 = tpu.memref_slice %arg9[%arg0, %mul3A_31, %dma_start3A] : memref<2x10112x128xf32, #tpu.memory_space<hbm>> -> memref<1x632x128xf32, #tpu.memory_space<hbm>>
      %dma_start3A_37 = tpu.memref_squeeze %dma_start3A_36 : memref<1x632x128xf32, #tpu.memory_space<hbm>> -> memref<632x128xf32, #tpu.memory_space<hbm>>
      %dma_start3A_38 = arith.constant 0 : i32
      %dma_start3A_39 = tpu.memref_slice %arg11[%mul3A_29, %dma_start3A_38] : memref<10112x128xf32, #tpu.memory_space<vmem_shared>> -> memref<632x128xf32, #tpu.memory_space<vmem_shared>>
      tpu.enqueue_dma source(%dma_start3A_39 : memref<632x128xf32, #tpu.memory_space<vmem_shared>>) target(%dma_start3A_37 : memref<632x128xf32, #tpu.memory_space<hbm>>) target_semaphore(%run_scoped3A : memref<!tpu.dma_semaphore, #tpu.memory_space<semaphore_mem>>)
      %dma_wait3A = arith.constant 0 : i32
      %dma_wait3A_40 = tpu.memref_slice %arg9[%arg0, %mul3A_31, %dma_wait3A] : memref<2x10112x128xf32, #tpu.memory_space<hbm>> -> memref<1x632x128xf32, #tpu.memory_space<hbm>>
      %dma_wait3A_41 = tpu.memref_squeeze %dma_wait3A_40 : memref<1x632x128xf32, #tpu.memory_space<hbm>> -> memref<632x128xf32, #tpu.memory_space<hbm>>
      %dma_wait3A_42 = arith.constant 0 : i32
      %dma_wait3A_43 = tpu.memref_slice %arg11[%mul3A_29, %dma_wait3A_42] : memref<10112x128xf32, #tpu.memory_space<vmem_shared>> -> memref<632x128xf32, #tpu.memory_space<vmem_shared>>
      tpu.wait_dma2 semaphore(%run_scoped3A : memref<!tpu.dma_semaphore, #tpu.memory_space<semaphore_mem>>) src(%dma_wait3A_43 : memref<632x128xf32, #tpu.memory_space<vmem_shared>>) dst(%dma_wait3A_41 : memref<632x128xf32, #tpu.memory_space<hbm>>)
      tpu.yield
    }) : () -> ()
    %mul3A_32 = arith.constant 632 : i32
    %mul3A_33 = arith.muli %arg1, %mul3A_32 : i32
    %mul3A_34 = arith.constant 632 : i32
    %mul3A_35 = arith.muli %arg1, %mul3A_34 : i32
    "tpu.region"() ({
      %run_scoped3A = tpu.sem_alloc : memref<!tpu.dma_semaphore, #tpu.memory_space<semaphore_mem>>
      %dma_start3A = arith.constant 0 : i32
      %dma_start3A_36 = tpu.memref_slice %arg10[%arg0, %mul3A_35, %dma_start3A] : memref<2x10112x16xf32, #tpu.memory_space<hbm>> -> memref<1x632x16xf32, #tpu.memory_space<hbm>>
      %dma_start3A_37 = tpu.memref_squeeze %dma_start3A_36 : memref<1x632x16xf32, #tpu.memory_space<hbm>> -> memref<632x16xf32, #tpu.memory_space<hbm>>
      %dma_start3A_38 = arith.constant 0 : i32
      %dma_start3A_39 = tpu.memref_slice %arg12[%mul3A_33, %dma_start3A_38] : memref<10112x16xf32, #tpu.memory_space<vmem_shared>> -> memref<632x16xf32, #tpu.memory_space<vmem_shared>>
      tpu.enqueue_dma source(%dma_start3A_39 : memref<632x16xf32, #tpu.memory_space<vmem_shared>>) target(%dma_start3A_37 : memref<632x16xf32, #tpu.memory_space<hbm>>) target_semaphore(%run_scoped3A : memref<!tpu.dma_semaphore, #tpu.memory_space<semaphore_mem>>)
      %dma_wait3A = arith.constant 0 : i32
      %dma_wait3A_40 = tpu.memref_slice %arg10[%arg0, %mul3A_35, %dma_wait3A] : memref<2x10112x16xf32, #tpu.memory_space<hbm>> -> memref<1x632x16xf32, #tpu.memory_space<hbm>>
      %dma_wait3A_41 = tpu.memref_squeeze %dma_wait3A_40 : memref<1x632x16xf32, #tpu.memory_space<hbm>> -> memref<632x16xf32, #tpu.memory_space<hbm>>
      %dma_wait3A_42 = arith.constant 0 : i32
      %dma_wait3A_43 = tpu.memref_slice %arg12[%mul3A_33, %dma_wait3A_42] : memref<10112x16xf32, #tpu.memory_space<vmem_shared>> -> memref<632x16xf32, #tpu.memory_space<vmem_shared>>
      tpu.wait_dma2 semaphore(%run_scoped3A : memref<!tpu.dma_semaphore, #tpu.memory_space<semaphore_mem>>) src(%dma_wait3A_43 : memref<632x16xf32, #tpu.memory_space<vmem_shared>>) dst(%dma_wait3A_41 : memref<632x16xf32, #tpu.memory_space<hbm>>)
      tpu.yield
    }) : () -> ()
    return
  }
}

module attributes {stable_mosaic.version = 14 : i64} {
  func.func @_init_body(%arg0: memref<10000x128xf32, #tpu.memory_space<vmem>>, %arg1: memref<128x128xf32, #tpu.memory_space<vmem>>, %arg2: memref<128x128xf32, #tpu.memory_space<vmem>>, %arg3: memref<128xf32, #tpu.memory_space<vmem>>, %arg4: memref<128xf32, #tpu.memory_space<vmem>>, %arg5: memref<10000x128xf32, #tpu.memory_space<vmem>>, %arg6: memref<10000x16xf32, #tpu.memory_space<vmem>>, %arg7: memref<10000x16xf32, #tpu.memory_space<vmem>>) attributes {dimension_semantics = [], scalar_prefetch = 0 : i64, scratch_operands = 0 : i64, tpu.core_type = #tpu.core_type<tc>} {
    %get3A = arith.constant 0 : index
    %get3A_0 = arith.constant 0 : index
    %get3A_1 = vector.load %arg0[%get3A, %get3A_0] : memref<10000x128xf32, #tpu.memory_space<vmem>>, vector<10000x128xf32>
    %get3A_2 = arith.constant 0 : index
    %get3A_3 = arith.constant 0 : index
    %get3A_4 = vector.load %arg1[%get3A_2, %get3A_3] : memref<128x128xf32, #tpu.memory_space<vmem>>, vector<128x128xf32>
    %dot_general3A = arith.constant dense<0.000000e+00> : vector<10000x128xf32>
    %dot_general3A_5 = tpu.matmul %get3A_1, %get3A_4, %dot_general3A {dimension_numbers = #tpu.dot_dimension_numbers<[1], [0], [0], [1], [0, 0, 1, 1], [], []>, transpose_lhs_hint = false} : vector<10000x128xf32>, vector<128x128xf32>, vector<10000x128xf32> -> vector<10000x128xf32>
    %get3A_6 = arith.constant 0 : index
    %get3A_7 = arith.constant 0 : index
    %get3A_8 = vector.load %arg2[%get3A_6, %get3A_7] : memref<128x128xf32, #tpu.memory_space<vmem>>, vector<128x128xf32>
    %dot_general3A_9 = arith.constant dense<0.000000e+00> : vector<10000x128xf32>
    %dot_general3A_10 = tpu.matmul %dot_general3A_5, %get3A_8, %dot_general3A_9 {dimension_numbers = #tpu.dot_dimension_numbers<[1], [0], [0], [1], [0, 0, 1, 1], [], []>, transpose_lhs_hint = false} : vector<10000x128xf32>, vector<128x128xf32>, vector<10000x128xf32> -> vector<10000x128xf32>
    %swap3A = arith.constant 0 : index
    %swap3A_11 = arith.constant 0 : index
    %swap3A_12 = vector.load %arg5[%swap3A, %swap3A_11] : memref<10000x128xf32, #tpu.memory_space<vmem>>, vector<10000x128xf32>
    tpu.vector_store %arg5[%swap3A, %swap3A_11], %dot_general3A_10 {strides = array<i32>} : memref<10000x128xf32, #tpu.memory_space<vmem>>, vector<10000x128xf32>,
    %get3A_13 = arith.constant 0 : index
    %get3A_14 = vector.load %arg3[%get3A_13] : memref<128xf32, #tpu.memory_space<vmem>>, vector<128xf32>
    %get3A_15 = arith.constant 0 : index
    %get3A_16 = vector.load %arg4[%get3A_15] : memref<128xf32, #tpu.memory_space<vmem>>, vector<128xf32>
    %iota3A = tpu.iota {dimensions = array<i32: 0>} : vector<128x8xi32>
    %jit3A = arith.constant 16 : i32
    %div3A = vector.broadcast %jit3A : i32 to vector<128x8xi32>
    %div3A_17 = arith.divsi %iota3A, %div3A : vector<128x8xi32>
    %sign3A = arith.constant 0 : i32
    %sign3A_18 = vector.broadcast %sign3A : i32 to vector<128x8xi32>
    %sign3A_19 = arith.cmpi sgt, %iota3A, %sign3A_18 : vector<128x8xi32>
    %sign3A_20 = arith.extui %sign3A_19 : vector<128x8xi1> to vector<128x8xi32>
    %sign3A_21 = arith.constant 0 : i32
    %sign3A_22 = vector.broadcast %sign3A_21 : i32 to vector<128x8xi32>
    %sign3A_23 = arith.cmpi slt, %iota3A, %sign3A_22 : vector<128x8xi32>
    %sign3A_24 = arith.extui %sign3A_23 : vector<128x8xi1> to vector<128x8xi32>
    %sign3A_25 = arith.subi %sign3A_20, %sign3A_24 : vector<128x8xi32>
    %sign3A_26 = arith.constant 0 : i32
    %sign3A_27 = arith.cmpi sgt, %jit3A, %sign3A_26 : i32
    %sign3A_28 = arith.extui %sign3A_27 : i1 to i32
    %sign3A_29 = arith.constant 0 : i32
    %sign3A_30 = arith.cmpi slt, %jit3A, %sign3A_29 : i32
    %sign3A_31 = arith.extui %sign3A_30 : i1 to i32
    %sign3A_32 = arith.subi %sign3A_28, %sign3A_31 : i32
    %ne3A = vector.broadcast %sign3A_32 : i32 to vector<128x8xi32>
    %ne3A_33 = arith.cmpi ne, %sign3A_25, %ne3A : vector<128x8xi32>
    %rem3A = vector.broadcast %jit3A : i32 to vector<128x8xi32>
    %rem3A_34 = arith.remsi %iota3A, %rem3A : vector<128x8xi32>
    %ne3A_35 = arith.constant 0 : i32
    %ne3A_36 = vector.broadcast %ne3A_35 : i32 to vector<128x8xi32>
    %ne3A_37 = arith.cmpi ne, %rem3A_34, %ne3A_36 : vector<128x8xi32>
    %and3A = arith.andi %ne3A_33, %ne3A_37 : vector<128x8xi1>
    %sub3A = arith.constant 1 : i32
    %sub3A_38 = vector.broadcast %sub3A : i32 to vector<128x8xi32>
    %sub3A_39 = arith.subi %div3A_17, %sub3A_38 : vector<128x8xi32>
    %select_n3A = arith.select %and3A, %sub3A_39, %div3A_17 : vector<128x8xi1>, vector<128x8xi32>
    %iota3A_40 = tpu.iota {dimensions = array<i32: 1>} : vector<128x8xi32>
    %eq3A = arith.cmpi eq, %select_n3A, %iota3A_40 : vector<128x8xi32>
    %convert_element_type3A = arith.extui %eq3A : vector<128x8xi1> to vector<128x8xi32>
    %convert_element_type3A_41 = arith.sitofp %convert_element_type3A : vector<128x8xi32> to vector<128x8xf32>
    %broadcast_in_dim3A = vector.shape_cast %get3A_14 : vector<128xf32> to vector<128x1xf32>
    %mul3A = vector.broadcast %broadcast_in_dim3A : vector<128x1xf32> to vector<128x8xf32>
    %mul3A_42 = arith.mulf %mul3A, %convert_element_type3A_41 : vector<128x8xf32>
    %broadcast_in_dim3A_43 = arith.constant 0.000000e+00 : f32
    %broadcast_in_dim3A_44 = vector.broadcast %broadcast_in_dim3A_43 : f32 to vector<128x8xf32>
    %concatenate3A = tpu.concatenate %mul3A_42, %broadcast_in_dim3A_44 in 1 : vector<128x8xf32>, vector<128x8xf32> -> vector<128x16xf32>
    %dot_general3A_45 = arith.constant dense<0.000000e+00> : vector<10000x16xf32>
    %dot_general3A_46 = tpu.matmul %dot_general3A_10, %concatenate3A, %dot_general3A_45 {dimension_numbers = #tpu.dot_dimension_numbers<[1], [0], [0], [1], [0, 0, 1, 1], [], []>, transpose_lhs_hint = false} : vector<10000x128xf32>, vector<128x16xf32>, vector<10000x16xf32> -> vector<10000x16xf32>
    %iota3A_47 = tpu.iota {dimensions = array<i32: 0>} : vector<128x8xi32>
    %jit3A_48 = arith.constant 16 : i32
    %div3A_49 = vector.broadcast %jit3A_48 : i32 to vector<128x8xi32>
    %div3A_50 = arith.divsi %iota3A_47, %div3A_49 : vector<128x8xi32>
    %sign3A_51 = arith.constant 0 : i32
    %sign3A_52 = vector.broadcast %sign3A_51 : i32 to vector<128x8xi32>
    %sign3A_53 = arith.cmpi sgt, %iota3A_47, %sign3A_52 : vector<128x8xi32>
    %sign3A_54 = arith.extui %sign3A_53 : vector<128x8xi1> to vector<128x8xi32>
    %sign3A_55 = arith.constant 0 : i32
    %sign3A_56 = vector.broadcast %sign3A_55 : i32 to vector<128x8xi32>
    %sign3A_57 = arith.cmpi slt, %iota3A_47, %sign3A_56 : vector<128x8xi32>
    %sign3A_58 = arith.extui %sign3A_57 : vector<128x8xi1> to vector<128x8xi32>
    %sign3A_59 = arith.subi %sign3A_54, %sign3A_58 : vector<128x8xi32>
    %sign3A_60 = arith.constant 0 : i32
    %sign3A_61 = arith.cmpi sgt, %jit3A_48, %sign3A_60 : i32
    %sign3A_62 = arith.extui %sign3A_61 : i1 to i32
    %sign3A_63 = arith.constant 0 : i32
    %sign3A_64 = arith.cmpi slt, %jit3A_48, %sign3A_63 : i32
    %sign3A_65 = arith.extui %sign3A_64 : i1 to i32
    %sign3A_66 = arith.subi %sign3A_62, %sign3A_65 : i32
    %ne3A_67 = vector.broadcast %sign3A_66 : i32 to vector<128x8xi32>
    %ne3A_68 = arith.cmpi ne, %sign3A_59, %ne3A_67 : vector<128x8xi32>
    %rem3A_69 = vector.broadcast %jit3A_48 : i32 to vector<128x8xi32>
    %rem3A_70 = arith.remsi %iota3A_47, %rem3A_69 : vector<128x8xi32>
    %ne3A_71 = arith.constant 0 : i32
    %ne3A_72 = vector.broadcast %ne3A_71 : i32 to vector<128x8xi32>
    %ne3A_73 = arith.cmpi ne, %rem3A_70, %ne3A_72 : vector<128x8xi32>
    %and3A_74 = arith.andi %ne3A_68, %ne3A_73 : vector<128x8xi1>
    %sub3A_75 = arith.constant 1 : i32
    %sub3A_76 = vector.broadcast %sub3A_75 : i32 to vector<128x8xi32>
    %sub3A_77 = arith.subi %div3A_50, %sub3A_76 : vector<128x8xi32>
    %select_n3A_78 = arith.select %and3A_74, %sub3A_77, %div3A_50 : vector<128x8xi1>, vector<128x8xi32>
    %iota3A_79 = tpu.iota {dimensions = array<i32: 1>} : vector<128x8xi32>
    %eq3A_80 = arith.cmpi eq, %select_n3A_78, %iota3A_79 : vector<128x8xi32>
    %convert_element_type3A_81 = arith.extui %eq3A_80 : vector<128x8xi1> to vector<128x8xi32>
    %convert_element_type3A_82 = arith.sitofp %convert_element_type3A_81 : vector<128x8xi32> to vector<128x8xf32>
    %broadcast_in_dim3A_83 = vector.shape_cast %get3A_16 : vector<128xf32> to vector<128x1xf32>
    %mul3A_84 = vector.broadcast %broadcast_in_dim3A_83 : vector<128x1xf32> to vector<128x8xf32>
    %mul3A_85 = arith.mulf %mul3A_84, %convert_element_type3A_82 : vector<128x8xf32>
    %broadcast_in_dim3A_86 = arith.constant 0.000000e+00 : f32
    %broadcast_in_dim3A_87 = vector.broadcast %broadcast_in_dim3A_86 : f32 to vector<128x8xf32>
    %concatenate3A_88 = tpu.concatenate %mul3A_85, %broadcast_in_dim3A_87 in 1 : vector<128x8xf32>, vector<128x8xf32> -> vector<128x16xf32>
    %dot_general3A_89 = arith.constant dense<0.000000e+00> : vector<10000x16xf32>
    %dot_general3A_90 = tpu.matmul %dot_general3A_10, %concatenate3A_88, %dot_general3A_89 {dimension_numbers = #tpu.dot_dimension_numbers<[1], [0], [0], [1], [0, 0, 1, 1], [], []>, transpose_lhs_hint = false} : vector<10000x128xf32>, vector<128x16xf32>, vector<10000x16xf32> -> vector<10000x16xf32>
    %slice3A = vector.extract_strided_slice %dot_general3A_46 {offsets = [0, 0], sizes = [10000, 8], strides = [1, 1]} : vector<10000x16xf32> to vector<10000x8xf32>
    %reduce_max3A = arith.constant dense<0xFF800000> : vector<8xf32>
    %reduce_max3A_91 = vector.multi_reduction <maximumf>, %slice3A, %reduce_max3A [0] : vector<10000x8xf32> to vector<8xf32>
    %broadcast_in_dim3A_92 = vector.shape_cast %reduce_max3A_91 : vector<8xf32> to vector<1x8xf32>
    %slice3A_93 = vector.extract_strided_slice %dot_general3A_90 {offsets = [0, 0], sizes = [10000, 8], strides = [1, 1]} : vector<10000x16xf32> to vector<10000x8xf32>
    %add3A = vector.broadcast %broadcast_in_dim3A_92 : vector<1x8xf32> to vector<10000x8xf32>
    %add3A_94 = arith.addf %add3A, %slice3A_93 : vector<10000x8xf32>
    %mul3A_95 = arith.constant 2.000000e-01 : f32
    %mul3A_96 = vector.broadcast %mul3A_95 : f32 to vector<10000x8xf32>
    %mul3A_97 = arith.mulf %mul3A_96, %add3A_94 : vector<10000x8xf32>
    %max3A = arith.maximumf %add3A_94, %mul3A_97 : vector<10000x8xf32>
    %slice3A_98 = vector.extract_strided_slice %dot_general3A_90 {offsets = [0, 0], sizes = [10000, 8], strides = [1, 1]} : vector<10000x16xf32> to vector<10000x8xf32>
    %concatenate3A_99 = tpu.concatenate %slice3A_98, %max3A in 1 : vector<10000x8xf32>, vector<10000x8xf32> -> vector<10000x16xf32>
    %swap3A_100 = arith.constant 0 : index
    %swap3A_101 = arith.constant 0 : index
    %swap3A_102 = vector.load %arg6[%swap3A_100, %swap3A_101] : memref<10000x16xf32, #tpu.memory_space<vmem>>, vector<10000x16xf32>
    tpu.vector_store %arg6[%swap3A_100, %swap3A_101], %dot_general3A_46 {strides = array<i32>} : memref<10000x16xf32, #tpu.memory_space<vmem>>, vector<10000x16xf32>,
    %swap3A_103 = arith.constant 0 : index
    %swap3A_104 = arith.constant 0 : index
    %swap3A_105 = vector.load %arg7[%swap3A_103, %swap3A_104] : memref<10000x16xf32, #tpu.memory_space<vmem>>, vector<10000x16xf32>
    tpu.vector_store %arg7[%swap3A_103, %swap3A_104], %concatenate3A_99 {strides = array<i32>} : memref<10000x16xf32, #tpu.memory_space<vmem>>, vector<10000x16xf32>,
    return
  }
}

module attributes {stable_mosaic.version = 14 : i64} {
  func.func @_mid_body(%arg0: memref<2x10112x128xf32, #tpu.memory_space<vmem>>, %arg1: memref<2x10112x16xf32, #tpu.memory_space<vmem>>, %arg2: memref<128xf32, #tpu.memory_space<vmem>>, %arg3: memref<128xf32, #tpu.memory_space<vmem>>, %arg4: memref<128xf32, #tpu.memory_space<vmem>>, %arg5: memref<128x128xf32, #tpu.memory_space<vmem>>, %arg6: memref<128xf32, #tpu.memory_space<vmem>>, %arg7: memref<128xf32, #tpu.memory_space<vmem>>, %arg8: memref<10000x128xf32, #tpu.memory_space<vmem>>, %arg9: memref<10000x16xf32, #tpu.memory_space<vmem>>, %arg10: memref<10000x16xf32, #tpu.memory_space<vmem>>) attributes {dimension_semantics = [], scalar_prefetch = 0 : i64, scratch_operands = 0 : i64, tpu.core_type = #tpu.core_type<tc>} {
    %get3A = arith.constant 0 : index
    %get3A_0 = arith.constant 0 : index
    %get3A_1 = arith.constant 0 : index
    %get3A_2 = vector.load %arg0[%get3A, %get3A_0, %get3A_1] : memref<2x10112x128xf32, #tpu.memory_space<vmem>>, vector<1x10112x128xf32>
    %get3A_3 = vector.shape_cast %get3A_2 : vector<1x10112x128xf32> to vector<10112x128xf32>
    %get3A_4 = arith.constant 1 : index
    %get3A_5 = arith.constant 0 : index
    %get3A_6 = arith.constant 0 : index
    %get3A_7 = vector.load %arg0[%get3A_4, %get3A_5, %get3A_6] : memref<2x10112x128xf32, #tpu.memory_space<vmem>>, vector<1x10112x128xf32>
    %get3A_8 = vector.shape_cast %get3A_7 : vector<1x10112x128xf32> to vector<10112x128xf32>
    %add3A = arith.addf %get3A_3, %get3A_8 : vector<10112x128xf32>
    %get3A_9 = arith.constant 0 : index
    %get3A_10 = arith.constant 0 : index
    %get3A_11 = arith.constant 0 : index
    %get3A_12 = vector.load %arg1[%get3A_9, %get3A_10, %get3A_11] : memref<2x10112x16xf32, #tpu.memory_space<vmem>>, vector<1x10112x16xf32>
    %get3A_13 = vector.shape_cast %get3A_12 : vector<1x10112x16xf32> to vector<10112x16xf32>
    %get3A_14 = arith.constant 1 : index
    %get3A_15 = arith.constant 0 : index
    %get3A_16 = arith.constant 0 : index
    %get3A_17 = vector.load %arg1[%get3A_14, %get3A_15, %get3A_16] : memref<2x10112x16xf32, #tpu.memory_space<vmem>>, vector<1x10112x16xf32>
    %get3A_18 = vector.shape_cast %get3A_17 : vector<1x10112x16xf32> to vector<10112x16xf32>
    %add3A_19 = arith.addf %get3A_13, %get3A_18 : vector<10112x16xf32>
    %slice3A = vector.extract_strided_slice %add3A_19 {offsets = [0, 0], sizes = [10000, 8], strides = [1, 1]} : vector<10112x16xf32> to vector<10000x8xf32>
    %iota3A = tpu.iota {dimensions = array<i32: 0>} : vector<8x128xi32>
    %iota3A_20 = tpu.iota {dimensions = array<i32: 1>} : vector<8x128xi32>
    %jit3A = arith.constant 16 : i32
    %div3A = vector.broadcast %jit3A : i32 to vector<8x128xi32>
    %div3A_21 = arith.divsi %iota3A_20, %div3A : vector<8x128xi32>
    %sign3A = arith.constant 0 : i32
    %sign3A_22 = vector.broadcast %sign3A : i32 to vector<8x128xi32>
    %sign3A_23 = arith.cmpi sgt, %iota3A_20, %sign3A_22 : vector<8x128xi32>
    %sign3A_24 = arith.extui %sign3A_23 : vector<8x128xi1> to vector<8x128xi32>
    %sign3A_25 = arith.constant 0 : i32
    %sign3A_26 = vector.broadcast %sign3A_25 : i32 to vector<8x128xi32>
    %sign3A_27 = arith.cmpi slt, %iota3A_20, %sign3A_26 : vector<8x128xi32>
    %sign3A_28 = arith.extui %sign3A_27 : vector<8x128xi1> to vector<8x128xi32>
    %sign3A_29 = arith.subi %sign3A_24, %sign3A_28 : vector<8x128xi32>
    %sign3A_30 = arith.constant 0 : i32
    %sign3A_31 = arith.cmpi sgt, %jit3A, %sign3A_30 : i32
    %sign3A_32 = arith.extui %sign3A_31 : i1 to i32
    %sign3A_33 = arith.constant 0 : i32
    %sign3A_34 = arith.cmpi slt, %jit3A, %sign3A_33 : i32
    %sign3A_35 = arith.extui %sign3A_34 : i1 to i32
    %sign3A_36 = arith.subi %sign3A_32, %sign3A_35 : i32
    %ne3A = vector.broadcast %sign3A_36 : i32 to vector<8x128xi32>
    %ne3A_37 = arith.cmpi ne, %sign3A_29, %ne3A : vector<8x128xi32>
    %rem3A = vector.broadcast %jit3A : i32 to vector<8x128xi32>
    %rem3A_38 = arith.remsi %iota3A_20, %rem3A : vector<8x128xi32>
    %ne3A_39 = arith.constant 0 : i32
    %ne3A_40 = vector.broadcast %ne3A_39 : i32 to vector<8x128xi32>
    %ne3A_41 = arith.cmpi ne, %rem3A_38, %ne3A_40 : vector<8x128xi32>
    %and3A = arith.andi %ne3A_37, %ne3A_41 : vector<8x128xi1>
    %sub3A = arith.constant 1 : i32
    %sub3A_42 = vector.broadcast %sub3A : i32 to vector<8x128xi32>
    %sub3A_43 = arith.subi %div3A_21, %sub3A_42 : vector<8x128xi32>
    %select_n3A = arith.select %and3A, %sub3A_43, %div3A_21 : vector<8x128xi1>, vector<8x128xi32>
    %eq3A = arith.cmpi eq, %iota3A, %select_n3A : vector<8x128xi32>
    %convert_element_type3A = arith.extui %eq3A : vector<8x128xi1> to vector<8x128xi32>
    %convert_element_type3A_44 = arith.sitofp %convert_element_type3A : vector<8x128xi32> to vector<8x128xf32>
    %dot_general3A = arith.constant dense<0.000000e+00> : vector<10000x128xf32>
    %dot_general3A_45 = tpu.matmul %slice3A, %convert_element_type3A_44, %dot_general3A {dimension_numbers = #tpu.dot_dimension_numbers<[1], [0], [0], [1], [0, 0, 1, 1], [], []>, transpose_lhs_hint = false} : vector<10000x8xf32>, vector<8x128xf32>, vector<10000x128xf32> -> vector<10000x128xf32>
    %slice3A_46 = vector.extract_strided_slice %add3A {offsets = [0, 0], sizes = [10000, 128], strides = [1, 1]} : vector<10112x128xf32> to vector<10000x128xf32>
    %add3A_47 = arith.constant 1.000000e-16 : f32
    %add3A_48 = vector.broadcast %add3A_47 : f32 to vector<10000x128xf32>
    %add3A_49 = arith.addf %dot_general3A_45, %add3A_48 : vector<10000x128xf32>
    %div3A_50 = arith.divf %slice3A_46, %add3A_49 : vector<10000x128xf32>
    %get3A_51 = arith.constant 0 : index
    %get3A_52 = vector.load %arg2[%get3A_51] : memref<128xf32, #tpu.memory_space<vmem>>, vector<128xf32>
    %broadcast_in_dim3A = vector.shape_cast %get3A_52 : vector<128xf32> to vector<1x128xf32>
    %add3A_53 = vector.broadcast %broadcast_in_dim3A : vector<1x128xf32> to vector<10000x128xf32>
    %add3A_54 = arith.addf %div3A_50, %add3A_53 : vector<10000x128xf32>
    %reduce_sum3A = arith.constant dense<0.000000e+00> : vector<128xf32>
    %reduce_sum3A_55 = vector.multi_reduction <add>, %add3A_54, %reduce_sum3A [0] : vector<10000x128xf32> to vector<128xf32>
    %div3A_56 = arith.constant 1.000000e+04 : f32
    %div3A_57 = vector.broadcast %div3A_56 : f32 to vector<128xf32>
    %div3A_58 = arith.divf %reduce_sum3A_55, %div3A_57 : vector<128xf32>
    %broadcast_in_dim3A_59 = vector.shape_cast %div3A_58 : vector<128xf32> to vector<1x128xf32>
    %sub3A_60 = vector.broadcast %broadcast_in_dim3A_59 : vector<1x128xf32> to vector<10000x128xf32>
    %sub3A_61 = arith.subf %add3A_54, %sub3A_60 : vector<10000x128xf32>
    %integer_pow3A = arith.mulf %sub3A_61, %sub3A_61 : vector<10000x128xf32>
    %reduce_sum3A_62 = arith.constant dense<0.000000e+00> : vector<128xf32>
    %reduce_sum3A_63 = vector.multi_reduction <add>, %integer_pow3A, %reduce_sum3A_62 [0] : vector<10000x128xf32> to vector<128xf32>
    %div3A_64 = arith.constant 1.000000e+04 : f32
    %div3A_65 = vector.broadcast %div3A_64 : f32 to vector<128xf32>
    %div3A_66 = arith.divf %reduce_sum3A_63, %div3A_65 : vector<128xf32>
    %broadcast_in_dim3A_67 = vector.shape_cast %div3A_58 : vector<128xf32> to vector<1x128xf32>
    %sub3A_68 = vector.broadcast %broadcast_in_dim3A_67 : vector<1x128xf32> to vector<10000x128xf32>
    %sub3A_69 = arith.subf %add3A_54, %sub3A_68 : vector<10000x128xf32>
    %add3A_70 = arith.constant 9.99999974E-6 : f32
    %add3A_71 = vector.broadcast %add3A_70 : f32 to vector<128xf32>
    %add3A_72 = arith.addf %div3A_66, %add3A_71 : vector<128xf32>
    %sqrt3A = math.sqrt %add3A_72 : vector<128xf32>
    %broadcast_in_dim3A_73 = vector.shape_cast %sqrt3A : vector<128xf32> to vector<1x128xf32>
    %div3A_74 = vector.broadcast %broadcast_in_dim3A_73 : vector<1x128xf32> to vector<10000x128xf32>
    %div3A_75 = arith.divf %sub3A_69, %div3A_74 : vector<10000x128xf32>
    %get3A_76 = arith.constant 0 : index
    %get3A_77 = vector.load %arg3[%get3A_76] : memref<128xf32, #tpu.memory_space<vmem>>, vector<128xf32>
    %broadcast_in_dim3A_78 = vector.shape_cast %get3A_77 : vector<128xf32> to vector<1x128xf32>
    %mul3A = vector.broadcast %broadcast_in_dim3A_78 : vector<1x128xf32> to vector<10000x128xf32>
    %mul3A_79 = arith.mulf %div3A_75, %mul3A : vector<10000x128xf32>
    %get3A_80 = arith.constant 0 : index
    %get3A_81 = vector.load %arg4[%get3A_80] : memref<128xf32, #tpu.memory_space<vmem>>, vector<128xf32>
    %broadcast_in_dim3A_82 = vector.shape_cast %get3A_81 : vector<128xf32> to vector<1x128xf32>
    %add3A_83 = vector.broadcast %broadcast_in_dim3A_82 : vector<1x128xf32> to vector<10000x128xf32>
    %add3A_84 = arith.addf %mul3A_79, %add3A_83 : vector<10000x128xf32>
    %get3A_85 = arith.constant 0 : index
    %get3A_86 = arith.constant 0 : index
    %get3A_87 = vector.load %arg5[%get3A_85, %get3A_86] : memref<128x128xf32, #tpu.memory_space<vmem>>, vector<128x128xf32>
    %dot_general3A_88 = arith.constant dense<0.000000e+00> : vector<10000x128xf32>
    %dot_general3A_89 = tpu.matmul %add3A_84, %get3A_87, %dot_general3A_88 {dimension_numbers = #tpu.dot_dimension_numbers<[1], [0], [0], [1], [0, 0, 1, 1], [], []>, transpose_lhs_hint = false} : vector<10000x128xf32>, vector<128x128xf32>, vector<10000x128xf32> -> vector<10000x128xf32>
    %swap3A = arith.constant 0 : index
    %swap3A_90 = arith.constant 0 : index
    %swap3A_91 = vector.load %arg8[%swap3A, %swap3A_90] : memref<10000x128xf32, #tpu.memory_space<vmem>>, vector<10000x128xf32>
    tpu.vector_store %arg8[%swap3A, %swap3A_90], %dot_general3A_89 {strides = array<i32>} : memref<10000x128xf32, #tpu.memory_space<vmem>>, vector<10000x128xf32>,
    %get3A_92 = arith.constant 0 : index
    %get3A_93 = vector.load %arg6[%get3A_92] : memref<128xf32, #tpu.memory_space<vmem>>, vector<128xf32>
    %get3A_94 = arith.constant 0 : index
    %get3A_95 = vector.load %arg7[%get3A_94] : memref<128xf32, #tpu.memory_space<vmem>>, vector<128xf32>
    %iota3A_96 = tpu.iota {dimensions = array<i32: 0>} : vector<128x8xi32>
    %jit3A_97 = arith.constant 16 : i32
    %div3A_98 = vector.broadcast %jit3A_97 : i32 to vector<128x8xi32>
    %div3A_99 = arith.divsi %iota3A_96, %div3A_98 : vector<128x8xi32>
    %sign3A_100 = arith.constant 0 : i32
    %sign3A_101 = vector.broadcast %sign3A_100 : i32 to vector<128x8xi32>
    %sign3A_102 = arith.cmpi sgt, %iota3A_96, %sign3A_101 : vector<128x8xi32>
    %sign3A_103 = arith.extui %sign3A_102 : vector<128x8xi1> to vector<128x8xi32>
    %sign3A_104 = arith.constant 0 : i32
    %sign3A_105 = vector.broadcast %sign3A_104 : i32 to vector<128x8xi32>
    %sign3A_106 = arith.cmpi slt, %iota3A_96, %sign3A_105 : vector<128x8xi32>
    %sign3A_107 = arith.extui %sign3A_106 : vector<128x8xi1> to vector<128x8xi32>
    %sign3A_108 = arith.subi %sign3A_103, %sign3A_107 : vector<128x8xi32>
    %sign3A_109 = arith.constant 0 : i32
    %sign3A_110 = arith.cmpi sgt, %jit3A_97, %sign3A_109 : i32
    %sign3A_111 = arith.extui %sign3A_110 : i1 to i32
    %sign3A_112 = arith.constant 0 : i32
    %sign3A_113 = arith.cmpi slt, %jit3A_97, %sign3A_112 : i32
    %sign3A_114 = arith.extui %sign3A_113 : i1 to i32
    %sign3A_115 = arith.subi %sign3A_111, %sign3A_114 : i32
    %ne3A_116 = vector.broadcast %sign3A_115 : i32 to vector<128x8xi32>
    %ne3A_117 = arith.cmpi ne, %sign3A_108, %ne3A_116 : vector<128x8xi32>
    %rem3A_118 = vector.broadcast %jit3A_97 : i32 to vector<128x8xi32>
    %rem3A_119 = arith.remsi %iota3A_96, %rem3A_118 : vector<128x8xi32>
    %ne3A_120 = arith.constant 0 : i32
    %ne3A_121 = vector.broadcast %ne3A_120 : i32 to vector<128x8xi32>
    %ne3A_122 = arith.cmpi ne, %rem3A_119, %ne3A_121 : vector<128x8xi32>
    %and3A_123 = arith.andi %ne3A_117, %ne3A_122 : vector<128x8xi1>
    %sub3A_124 = arith.constant 1 : i32
    %sub3A_125 = vector.broadcast %sub3A_124 : i32 to vector<128x8xi32>
    %sub3A_126 = arith.subi %div3A_99, %sub3A_125 : vector<128x8xi32>
    %select_n3A_127 = arith.select %and3A_123, %sub3A_126, %div3A_99 : vector<128x8xi1>, vector<128x8xi32>
    %iota3A_128 = tpu.iota {dimensions = array<i32: 1>} : vector<128x8xi32>
    %eq3A_129 = arith.cmpi eq, %select_n3A_127, %iota3A_128 : vector<128x8xi32>
    %convert_element_type3A_130 = arith.extui %eq3A_129 : vector<128x8xi1> to vector<128x8xi32>
    %convert_element_type3A_131 = arith.sitofp %convert_element_type3A_130 : vector<128x8xi32> to vector<128x8xf32>
    %broadcast_in_dim3A_132 = vector.shape_cast %get3A_93 : vector<128xf32> to vector<128x1xf32>
    %mul3A_133 = vector.broadcast %broadcast_in_dim3A_132 : vector<128x1xf32> to vector<128x8xf32>
    %mul3A_134 = arith.mulf %mul3A_133, %convert_element_type3A_131 : vector<128x8xf32>
    %broadcast_in_dim3A_135 = arith.constant 0.000000e+00 : f32
    %broadcast_in_dim3A_136 = vector.broadcast %broadcast_in_dim3A_135 : f32 to vector<128x8xf32>
    %concatenate3A = tpu.concatenate %mul3A_134, %broadcast_in_dim3A_136 in 1 : vector<128x8xf32>, vector<128x8xf32> -> vector<128x16xf32>
    %dot_general3A_137 = arith.constant dense<0.000000e+00> : vector<10000x16xf32>
    %dot_general3A_138 = tpu.matmul %dot_general3A_89, %concatenate3A, %dot_general3A_137 {dimension_numbers = #tpu.dot_dimension_numbers<[1], [0], [0], [1], [0, 0, 1, 1], [], []>, transpose_lhs_hint = false} : vector<10000x128xf32>, vector<128x16xf32>, vector<10000x16xf32> -> vector<10000x16xf32>
    %iota3A_139 = tpu.iota {dimensions = array<i32: 0>} : vector<128x8xi32>
    %jit3A_140 = arith.constant 16 : i32
    %div3A_141 = vector.broadcast %jit3A_140 : i32 to vector<128x8xi32>
    %div3A_142 = arith.divsi %iota3A_139, %div3A_141 : vector<128x8xi32>
    %sign3A_143 = arith.constant 0 : i32
    %sign3A_144 = vector.broadcast %sign3A_143 : i32 to vector<128x8xi32>
    %sign3A_145 = arith.cmpi sgt, %iota3A_139, %sign3A_144 : vector<128x8xi32>
    %sign3A_146 = arith.extui %sign3A_145 : vector<128x8xi1> to vector<128x8xi32>
    %sign3A_147 = arith.constant 0 : i32
    %sign3A_148 = vector.broadcast %sign3A_147 : i32 to vector<128x8xi32>
    %sign3A_149 = arith.cmpi slt, %iota3A_139, %sign3A_148 : vector<128x8xi32>
    %sign3A_150 = arith.extui %sign3A_149 : vector<128x8xi1> to vector<128x8xi32>
    %sign3A_151 = arith.subi %sign3A_146, %sign3A_150 : vector<128x8xi32>
    %sign3A_152 = arith.constant 0 : i32
    %sign3A_153 = arith.cmpi sgt, %jit3A_140, %sign3A_152 : i32
    %sign3A_154 = arith.extui %sign3A_153 : i1 to i32
    %sign3A_155 = arith.constant 0 : i32
    %sign3A_156 = arith.cmpi slt, %jit3A_140, %sign3A_155 : i32
    %sign3A_157 = arith.extui %sign3A_156 : i1 to i32
    %sign3A_158 = arith.subi %sign3A_154, %sign3A_157 : i32
    %ne3A_159 = vector.broadcast %sign3A_158 : i32 to vector<128x8xi32>
    %ne3A_160 = arith.cmpi ne, %sign3A_151, %ne3A_159 : vector<128x8xi32>
    %rem3A_161 = vector.broadcast %jit3A_140 : i32 to vector<128x8xi32>
    %rem3A_162 = arith.remsi %iota3A_139, %rem3A_161 : vector<128x8xi32>
    %ne3A_163 = arith.constant 0 : i32
    %ne3A_164 = vector.broadcast %ne3A_163 : i32 to vector<128x8xi32>
    %ne3A_165 = arith.cmpi ne, %rem3A_162, %ne3A_164 : vector<128x8xi32>
    %and3A_166 = arith.andi %ne3A_160, %ne3A_165 : vector<128x8xi1>
    %sub3A_167 = arith.constant 1 : i32
    %sub3A_168 = vector.broadcast %sub3A_167 : i32 to vector<128x8xi32>
    %sub3A_169 = arith.subi %div3A_142, %sub3A_168 : vector<128x8xi32>
    %select_n3A_170 = arith.select %and3A_166, %sub3A_169, %div3A_142 : vector<128x8xi1>, vector<128x8xi32>
    %iota3A_171 = tpu.iota {dimensions = array<i32: 1>} : vector<128x8xi32>
    %eq3A_172 = arith.cmpi eq, %select_n3A_170, %iota3A_171 : vector<128x8xi32>
    %convert_element_type3A_173 = arith.extui %eq3A_172 : vector<128x8xi1> to vector<128x8xi32>
    %convert_element_type3A_174 = arith.sitofp %convert_element_type3A_173 : vector<128x8xi32> to vector<128x8xf32>
    %broadcast_in_dim3A_175 = vector.shape_cast %get3A_95 : vector<128xf32> to vector<128x1xf32>
    %mul3A_176 = vector.broadcast %broadcast_in_dim3A_175 : vector<128x1xf32> to vector<128x8xf32>
    %mul3A_177 = arith.mulf %mul3A_176, %convert_element_type3A_174 : vector<128x8xf32>
    %broadcast_in_dim3A_178 = arith.constant 0.000000e+00 : f32
    %broadcast_in_dim3A_179 = vector.broadcast %broadcast_in_dim3A_178 : f32 to vector<128x8xf32>
    %concatenate3A_180 = tpu.concatenate %mul3A_177, %broadcast_in_dim3A_179 in 1 : vector<128x8xf32>, vector<128x8xf32> -> vector<128x16xf32>
    %dot_general3A_181 = arith.constant dense<0.000000e+00> : vector<10000x16xf32>
    %dot_general3A_182 = tpu.matmul %dot_general3A_89, %concatenate3A_180, %dot_general3A_181 {dimension_numbers = #tpu.dot_dimension_numbers<[1], [0], [0], [1], [0, 0, 1, 1], [], []>, transpose_lhs_hint = false} : vector<10000x128xf32>, vector<128x16xf32>, vector<10000x16xf32> -> vector<10000x16xf32>
    %slice3A_183 = vector.extract_strided_slice %dot_general3A_138 {offsets = [0, 0], sizes = [10000, 8], strides = [1, 1]} : vector<10000x16xf32> to vector<10000x8xf32>
    %reduce_max3A = arith.constant dense<0xFF800000> : vector<8xf32>
    %reduce_max3A_184 = vector.multi_reduction <maximumf>, %slice3A_183, %reduce_max3A [0] : vector<10000x8xf32> to vector<8xf32>
    %broadcast_in_dim3A_185 = vector.shape_cast %reduce_max3A_184 : vector<8xf32> to vector<1x8xf32>
    %slice3A_186 = vector.extract_strided_slice %dot_general3A_182 {offsets = [0, 0], sizes = [10000, 8], strides = [1, 1]} : vector<10000x16xf32> to vector<10000x8xf32>
    %add3A_187 = vector.broadcast %broadcast_in_dim3A_185 : vector<1x8xf32> to vector<10000x8xf32>
    %add3A_188 = arith.addf %add3A_187, %slice3A_186 : vector<10000x8xf32>
    %mul3A_189 = arith.constant 2.000000e-01 : f32
    %mul3A_190 = vector.broadcast %mul3A_189 : f32 to vector<10000x8xf32>
    %mul3A_191 = arith.mulf %mul3A_190, %add3A_188 : vector<10000x8xf32>
    %max3A = arith.maximumf %add3A_188, %mul3A_191 : vector<10000x8xf32>
    %slice3A_192 = vector.extract_strided_slice %dot_general3A_182 {offsets = [0, 0], sizes = [10000, 8], strides = [1, 1]} : vector<10000x16xf32> to vector<10000x8xf32>
    %concatenate3A_193 = tpu.concatenate %slice3A_192, %max3A in 1 : vector<10000x8xf32>, vector<10000x8xf32> -> vector<10000x16xf32>
    %swap3A_194 = arith.constant 0 : index
    %swap3A_195 = arith.constant 0 : index
    %swap3A_196 = vector.load %arg9[%swap3A_194, %swap3A_195] : memref<10000x16xf32, #tpu.memory_space<vmem>>, vector<10000x16xf32>
    tpu.vector_store %arg9[%swap3A_194, %swap3A_195], %dot_general3A_138 {strides = array<i32>} : memref<10000x16xf32, #tpu.memory_space<vmem>>, vector<10000x16xf32>,
    %swap3A_197 = arith.constant 0 : index
    %swap3A_198 = arith.constant 0 : index
    %swap3A_199 = vector.load %arg10[%swap3A_197, %swap3A_198] : memref<10000x16xf32, #tpu.memory_space<vmem>>, vector<10000x16xf32>
    tpu.vector_store %arg10[%swap3A_197, %swap3A_198], %concatenate3A_193 {strides = array<i32>} : memref<10000x16xf32, #tpu.memory_space<vmem>>, vector<10000x16xf32>,
    return
  }
}

module attributes {stable_mosaic.version = 14 : i64} {
  func.func @_final_body(%arg0: memref<2x10112x128xf32, #tpu.memory_space<vmem>>, %arg1: memref<2x10112x16xf32, #tpu.memory_space<vmem>>, %arg2: memref<128xf32, #tpu.memory_space<vmem>>, %arg3: memref<10000x128xf32, #tpu.memory_space<vmem>>) attributes {dimension_semantics = [], scalar_prefetch = 0 : i64, scratch_operands = 0 : i64, tpu.core_type = #tpu.core_type<tc>} {
    %get3A = arith.constant 0 : index
    %get3A_0 = arith.constant 0 : index
    %get3A_1 = arith.constant 0 : index
    %get3A_2 = vector.load %arg0[%get3A, %get3A_0, %get3A_1] : memref<2x10112x128xf32, #tpu.memory_space<vmem>>, vector<1x10112x128xf32>
    %get3A_3 = vector.shape_cast %get3A_2 : vector<1x10112x128xf32> to vector<10112x128xf32>
    %get3A_4 = arith.constant 1 : index
    %get3A_5 = arith.constant 0 : index
    %get3A_6 = arith.constant 0 : index
    %get3A_7 = vector.load %arg0[%get3A_4, %get3A_5, %get3A_6] : memref<2x10112x128xf32, #tpu.memory_space<vmem>>, vector<1x10112x128xf32>
    %get3A_8 = vector.shape_cast %get3A_7 : vector<1x10112x128xf32> to vector<10112x128xf32>
    %add3A = arith.addf %get3A_3, %get3A_8 : vector<10112x128xf32>
    %get3A_9 = arith.constant 0 : index
    %get3A_10 = arith.constant 0 : index
    %get3A_11 = arith.constant 0 : index
    %get3A_12 = vector.load %arg1[%get3A_9, %get3A_10, %get3A_11] : memref<2x10112x16xf32, #tpu.memory_space<vmem>>, vector<1x10112x16xf32>
    %get3A_13 = vector.shape_cast %get3A_12 : vector<1x10112x16xf32> to vector<10112x16xf32>
    %get3A_14 = arith.constant 1 : index
    %get3A_15 = arith.constant 0 : index
    %get3A_16 = arith.constant 0 : index
    %get3A_17 = vector.load %arg1[%get3A_14, %get3A_15, %get3A_16] : memref<2x10112x16xf32, #tpu.memory_space<vmem>>, vector<1x10112x16xf32>
    %get3A_18 = vector.shape_cast %get3A_17 : vector<1x10112x16xf32> to vector<10112x16xf32>
    %add3A_19 = arith.addf %get3A_13, %get3A_18 : vector<10112x16xf32>
    %slice3A = vector.extract_strided_slice %add3A_19 {offsets = [0, 0], sizes = [10000, 8], strides = [1, 1]} : vector<10112x16xf32> to vector<10000x8xf32>
    %iota3A = tpu.iota {dimensions = array<i32: 0>} : vector<8x128xi32>
    %iota3A_20 = tpu.iota {dimensions = array<i32: 1>} : vector<8x128xi32>
    %jit3A = arith.constant 16 : i32
    %div3A = vector.broadcast %jit3A : i32 to vector<8x128xi32>
    %div3A_21 = arith.divsi %iota3A_20, %div3A : vector<8x128xi32>
    %sign3A = arith.constant 0 : i32
    %sign3A_22 = vector.broadcast %sign3A : i32 to vector<8x128xi32>
    %sign3A_23 = arith.cmpi sgt, %iota3A_20, %sign3A_22 : vector<8x128xi32>
    %sign3A_24 = arith.extui %sign3A_23 : vector<8x128xi1> to vector<8x128xi32>
    %sign3A_25 = arith.constant 0 : i32
    %sign3A_26 = vector.broadcast %sign3A_25 : i32 to vector<8x128xi32>
    %sign3A_27 = arith.cmpi slt, %iota3A_20, %sign3A_26 : vector<8x128xi32>
    %sign3A_28 = arith.extui %sign3A_27 : vector<8x128xi1> to vector<8x128xi32>
    %sign3A_29 = arith.subi %sign3A_24, %sign3A_28 : vector<8x128xi32>
    %sign3A_30 = arith.constant 0 : i32
    %sign3A_31 = arith.cmpi sgt, %jit3A, %sign3A_30 : i32
    %sign3A_32 = arith.extui %sign3A_31 : i1 to i32
    %sign3A_33 = arith.constant 0 : i32
    %sign3A_34 = arith.cmpi slt, %jit3A, %sign3A_33 : i32
    %sign3A_35 = arith.extui %sign3A_34 : i1 to i32
    %sign3A_36 = arith.subi %sign3A_32, %sign3A_35 : i32
    %ne3A = vector.broadcast %sign3A_36 : i32 to vector<8x128xi32>
    %ne3A_37 = arith.cmpi ne, %sign3A_29, %ne3A : vector<8x128xi32>
    %rem3A = vector.broadcast %jit3A : i32 to vector<8x128xi32>
    %rem3A_38 = arith.remsi %iota3A_20, %rem3A : vector<8x128xi32>
    %ne3A_39 = arith.constant 0 : i32
    %ne3A_40 = vector.broadcast %ne3A_39 : i32 to vector<8x128xi32>
    %ne3A_41 = arith.cmpi ne, %rem3A_38, %ne3A_40 : vector<8x128xi32>
    %and3A = arith.andi %ne3A_37, %ne3A_41 : vector<8x128xi1>
    %sub3A = arith.constant 1 : i32
    %sub3A_42 = vector.broadcast %sub3A : i32 to vector<8x128xi32>
    %sub3A_43 = arith.subi %div3A_21, %sub3A_42 : vector<8x128xi32>
    %select_n3A = arith.select %and3A, %sub3A_43, %div3A_21 : vector<8x128xi1>, vector<8x128xi32>
    %eq3A = arith.cmpi eq, %iota3A, %select_n3A : vector<8x128xi32>
    %convert_element_type3A = arith.extui %eq3A : vector<8x128xi1> to vector<8x128xi32>
    %convert_element_type3A_44 = arith.sitofp %convert_element_type3A : vector<8x128xi32> to vector<8x128xf32>
    %dot_general3A = arith.constant dense<0.000000e+00> : vector<10000x128xf32>
    %dot_general3A_45 = tpu.matmul %slice3A, %convert_element_type3A_44, %dot_general3A {dimension_numbers = #tpu.dot_dimension_numbers<[1], [0], [0], [1], [0, 0, 1, 1], [], []>, transpose_lhs_hint = false} : vector<10000x8xf32>, vector<8x128xf32>, vector<10000x128xf32> -> vector<10000x128xf32>
    %slice3A_46 = vector.extract_strided_slice %add3A {offsets = [0, 0], sizes = [10000, 128], strides = [1, 1]} : vector<10112x128xf32> to vector<10000x128xf32>
    %add3A_47 = arith.constant 1.000000e-16 : f32
    %add3A_48 = vector.broadcast %add3A_47 : f32 to vector<10000x128xf32>
    %add3A_49 = arith.addf %dot_general3A_45, %add3A_48 : vector<10000x128xf32>
    %div3A_50 = arith.divf %slice3A_46, %add3A_49 : vector<10000x128xf32>
    %get3A_51 = arith.constant 0 : index
    %get3A_52 = vector.load %arg2[%get3A_51] : memref<128xf32, #tpu.memory_space<vmem>>, vector<128xf32>
    %broadcast_in_dim3A = vector.shape_cast %get3A_52 : vector<128xf32> to vector<1x128xf32>
    %add3A_53 = vector.broadcast %broadcast_in_dim3A : vector<1x128xf32> to vector<10000x128xf32>
    %add3A_54 = arith.addf %div3A_50, %add3A_53 : vector<10000x128xf32>
    %swap3A = arith.constant 0 : index
    %swap3A_55 = arith.constant 0 : index
    %swap3A_56 = vector.load %arg3[%swap3A, %swap3A_55] : memref<10000x128xf32, #tpu.memory_space<vmem>>, vector<10000x128xf32>
    tpu.vector_store %arg3[%swap3A, %swap3A_55], %add3A_54 {strides = array<i32>} : memref<10000x128xf32, #tpu.memory_space<vmem>>, vector<10000x128xf32>,
    return
  }
}

</mosaic_0001>

<sc_bundles>
// kernel: kernel.12.cloned.1.call-start
scs
__scs_entry_jumppad:
0x0: {  	(pc) =	sbr.rel $0x88, $3  }
0x1: {  	(tag) =	ssettag $0x0;
	lr =	simm.s32 $0x1  }
0x2: {  	[smem:$0x3F8E] =	sst lr;
	_ =	strace $0xD0000000  }
0x3: {  	_ = 	snop  }
0x4: {  	_ = 	snop  }
0x5: {  	_ = 	snop  }
0x6: {  	_ = 	snop  }
0x7: {  	_ = 	snop  }
__scs_overlays_trampoline_lowered:
0x8: {  	[smem:$0x3F9D] =	sst s0  }
0x9: {  	[smem:$0x3F9E] =	sst s1  }
0xa: {  	[smem:$0x3F9F] =	sst s2  }
0xb: {  	[smem:$0x3FA0] =	sst s3  }
0xc: {  	[smem:$0x3FA1] =	sst s4  }
0xd: {  	[smem:$0x3FA2] =	sst s5  }
0xe: {  	[smem:$0x3FA3] =	sst s6  }
0xf: {  	[smem:$0x3FA4] =	sst s7  }
0x10: {  	[smem:$0x3FA5] =	sst s8  }
0x11: {  	[smem:$0x3FA6] =	sst s9;
	s0 =	simm.s32 @!p0 $0x0  }
0x12: {  	s1 =	sld [smem:$0x3F8C];
	s0 =	simm.s32 @p0 $0x1  }
0x13: {  	[smem:$0x3FA7] =	sst s0;
	s0 =	simm.s32 @!p1 $0x0  }
0x14: {  	s2 =	sld [smem:$0x3F8B];
	s0 =	simm.s32 @p1 $0x1  }
0x15: {  	[smem:$0x3FA8] =	sst s0;
	s0 =	simm.s32 @!p2 $0x0  }
0x16: {  	s3 =	sld [smem:$0x3FDB];
	s0 =	simm.s32 @p2 $0x1  }
0x17: {  	s4 =	simm.s32 $0x1BF5;
	[smem:$0x3FAA] =	sst s0  }
0x18: {  	s0 =	sld [smem:$0x3F8D];
	_ =	swait.ge [sflag:s4], $0x0  }
0x19: {  	s7 =	sld [smem:$0x3F8E]  }
0x1a: {  	s8 =	sadd.s32 $0xFFFFE003, lr  }
0x1b: {  	s9 =	sadd.s32 $0xFFFFFEF7, lr;
	s5 =	simm.s32 $0xFFFFFFFF;
	p2 =	slt.u32 s8, $0xFFFFF086  }
0x1c: {  	p1 =	slt.u32 s9, $0xF7A;
	s5 =	simm.s32 @!p2 $0x0  }
0x1d: {  	s5 =	simm.s32 @p1 $0x1;
	p0 =	seq.s32 s7, s2  }
0x1e: {  	s7 =	smul.u32 @!p0 $0xF7A, s2;
	p2 =	seq.s32 @!p0 s5, $0x0  }
0x1f: {  	s9 =	smul.u32 $0xF7A, s1;
	s8 =	simm.s32 @!p0 $0x1BF5;
	p2 =	por !p2, p0  }
0x20: {  	[sflag:s8] =	ssyncset.s32 @!p0 $0xFFFFF086;
	s6 =	sadd.s32 @!p0 s3, s7;
	s7 =	simm.s32 @!p0 $0x108  }
0x21: {  	s3 =	sadd.s32 s3, s9;
	s6 =	sadd.s32 @!p0 $0x88, s6;
	s7 =	simm.s32 @p2 $0x1082  }
0x22: {  	[simem:s7], [sflag:s8] =	dma.local @!p0 [hbm:s6], $0xF7A  }
0x23: {  	s9 =	sor.u32 $0xD0000000, s2;
	s6 =	simm.s32 $0x108;
	_ =	swait.ge @!p0 [sflag:s8], $0x0  }
0x24: {  	s3 =	sadd.s32 $0x88, s3;
	s6 =	simm.s32 @!p1 $0x1082;
	[sflag:s4] =	ssyncset.s32 $0xFFFFF086  }
0x25: {  	[simem:s6], [sflag:s4] =	dma.local [hbm:s3], $0xF7A  }
0x26: {  	[smem:$0x3F8E] =	sst s1;
	(tag) =	ssettag s2;
	_ =	strace s9  }
0x27: {  	s1 =	sld [smem:$0x3F9E]  }
0x28: {  	s2 =	sld [smem:$0x3F9F]  }
0x29: {  	s4 =	sld [smem:$0x3FA1]  }
0x2a: {  	p0 =	seq.s32 s5, $0x0;
	s5 =	sld [smem:$0x3FA2]  }
0x2b: {  	s6 =	sld [smem:$0x3FA3]  }
0x2c: {  	s7 =	sld [smem:$0x3FA4]  }
0x2d: {  	s3 =	simm.s32 $0x108;
	s8 =	sld [smem:$0x3FA5]  }
0x2e: {  	s3 =	simm.s32 @!p0 $0x1082;
	s9 =	sld [smem:$0x3FA6]  }
0x2f: {  	lr =	sadd.s32 s0, s3;
	s0 =	sld [smem:$0x3F9D]  }
0x30: {  	s3 =	sld [smem:$0x3FA0]  }
0x31: {  	[smem:$0x3FA9] =	sst s10  }
0x32: {  	s10 =	sld [smem:$0x3FA7];
	_ =	sdelay $0x3  }
0x33: {  	p0 =	seq.s32 s10, $0x1;
	s10 =	sld [smem:$0x3FA9];
	_ =	sdelay $0x3  }
0x34: {  	[smem:$0x3FA9] =	sst s10  }
0x35: {  	s10 =	sld [smem:$0x3FA8];
	_ =	sdelay $0x3  }
0x36: {  	p1 =	seq.s32 s10, $0x1;
	s10 =	sld [smem:$0x3FA9];
	_ =	sdelay $0x3  }
0x37: {  	[smem:$0x3FA9] =	sst s10  }
0x38: {  	s10 =	sld [smem:$0x3FAA]  }
0x39: {  	_ = 	snop;
	(pc) =	sbr.ind lr, $3  }
0x3a: {  	_ = 	snop  }
0x3b: {  	_ = 	snop  }
0x3c: {  	p2 =	seq.s32 s10, $0x1;
	s10 =	sld [smem:$0x3FA9]  }
0x3d: {  	_ =	shalt  }
0x3e: {  	_ =	shalt  }
0x3f: {  	_ =	shalt  }
0x40: {  	_ =	shalt  }
0x41: {  	_ =	shalt  }
0x42: {  	_ =	shalt  }
0x43: {  	_ =	shalt  }
0x44: {  	_ =	shalt  }
0x45: {  	_ =	shalt  }
0x46: {  	_ =	shalt  }
0x47: {  	_ =	shalt  }
0x48: {  	_ =	shalt  }
0x49: {  	_ =	shalt  }
0x4a: {  	_ =	shalt  }
0x4b: {  	_ =	shalt  }
0x4c: {  	_ =	shalt  }
0x4d: {  	_ =	shalt  }
0x4e: {  	_ =	shalt  }
0x4f: {  	_ =	shalt  }
0x50: {  	_ =	shalt  }
0x51: {  	_ =	shalt  }
0x52: {  	_ =	shalt  }
0x53: {  	_ =	shalt  }
0x54: {  	_ =	shalt  }
0x55: {  	_ =	shalt  }
0x56: {  	_ =	shalt  }
0x57: {  	_ =	shalt  }
0x58: {  	_ =	shalt  }
0x59: {  	_ =	shalt  }
0x5a: {  	_ =	shalt  }
0x5b: {  	_ =	shalt  }
0x5c: {  	_ =	shalt  }
0x5d: {  	_ =	shalt  }
0x5e: {  	_ =	shalt  }
0x5f: {  	_ =	shalt  }
0x60: {  	_ =	shalt  }
0x61: {  	_ =	shalt  }
0x62: {  	_ =	shalt  }
0x63: {  	_ =	shalt  }
0x64: {  	_ =	shalt  }
0x65: {  	_ =	shalt  }
0x66: {  	_ =	shalt  }
0x67: {  	_ =	shalt  }
0x68: {  	_ =	shalt  }
0x69: {  	_ =	shalt  }
0x6a: {  	_ =	shalt  }
0x6b: {  	_ =	shalt  }
0x6c: {  	_ =	shalt  }
0x6d: {  	_ =	shalt  }
0x6e: {  	_ =	shalt  }
0x6f: {  	_ =	shalt  }
0x70: {  	_ =	shalt  }
0x71: {  	_ =	shalt  }
0x72: {  	_ =	shalt  }
0x73: {  	_ =	shalt  }
0x74: {  	_ =	shalt  }
0x75: {  	_ =	shalt  }
0x76: {  	_ =	shalt  }
0x77: {  	_ =	shalt  }
0x78: {  	_ =	shalt  }
0x79: {  	_ =	shalt  }
0x7a: {  	_ =	shalt  }
0x7b: {  	_ =	shalt  }
0x7c: {  	_ =	shalt  }
0x7d: {  	_ =	shalt  }
0x7e: {  	_ =	shalt  }
0x7f: {  	_ =	shalt  }
0x80: {  	_ =	shalt  }
0x81: {  	_ =	shalt  }
0x82: {  	_ =	shalt  }
0x83: {  	_ =	shalt  }
0x84: {  	_ =	shalt  }
0x85: {  	_ =	shalt  }
0x86: {  	_ =	shalt  }
0x87: {  	_ =	shalt  }
.Lfunc_end0:
.L_simem_size_0:
called_computation.1_lowered:
.L_overlay_start_0:
0x88: {  	s2 =	sld [smem:$0x3FD9]  }
0x89: {  	s3 =	sld [smem:$0x3FFE];
	_ =	sdelay $0x1  }
0x8a: {  	s1 =	srdreg.scid  }
0x8b: {  	s0 =	sand.u32 $0x1, s1  }
0x8c: {  	s17 =	sshll.u32 s0, $0xA;
	s2 =	sadd.s32 s3, s2  }
0x8d: {  	s2 =	sadd.s32 s2, s17  }
0x8e: {  	[smem:$0x3FB5] =	sst s2  }
0x8f: {  	_ = 	snop  }
0x90: {  	s2 =	sld [smem:$0x3FD0];
	(tm) =	ssettm $0x1  }
0x91: {  	s18 =	sld [smem:$0x3FFB];
	_ =	sdelay $0x3  }
0x92: {  	_ =	strace s18  }
0x93: {  	s3 =	sld [smem:$0x3FFC];
	_ =	sdelay $0x3  }
0x94: {  	_ =	strace s3  }
0x95: {  	s3 =	sld [smem:$0x3FFD];
	_ =	sdelay $0x3  }
0x96: {  	_ =	strace s3  }
0x97: {  	_ =	strace $0x8FFFFFFF  }
0x98: {  	s19 =	sld [smem:$0x3FDB];
	_ =	sdelay $0x1  }
0x99: {  	s4 =	simm.s32 $_scs_section_size  }
0x9a: {  	s5 =	simm.s32 $_size__tile_overlayer_lowered;
	s6 =	simm.s32 $_tile_overlayer_lowered  }
0x9b: {  	s22 =	simm.s32 $0x1BFF;
	s21 =	sshll.u32 s6, $0x1;
	s3 =	sadd.s32 s4, s19  }
0x9c: {  	s7 =	simm.s32 $0x0;
	s20 =	sshll.u32 s5, $0x1;
	s5 =	sadd.s32 s21, s3  }
0x9d: {  	[timem:s7], [sflag:s22] =	dma.local [hbm:s5], s20  }
0x9e: {  	_ =	swait.ge [sflag:s22], s20  }
0x9f: {  	s4 =	ssub.s32 $0x0, s20;
	[sflag:s22] =	ssyncset.done $0x0  }
0xa0: {  	[sflag:s22] =	ssyncadd.s32 s4;
	_ =	sdelay $0x1  }
0xa1: {  	s23 =	simm.s32 $0x1B8B  }
0xa2: {  	_ =	swait.ge [sflag:s23], $0x1  }
0xa3: {  	[sflag:s23] =	ssyncset.done $0x0  }
0xa4: {  	s25 =	simm.s32 $0x1B8E;
	s24 =	sld [smem:$0x3FFE];
	[sflag:s23] =	ssyncadd.s32 $0xFFFFFFFF  }
0xa5: {  	s26 =	simm.s32 $execute0_lowered;
	[smem:$0x3FD2] =	sst s25  }
0xa6: {  	s5 =	sshll.u32 s26, $0x1;
	_ =	strace $0x80000049;
	[dreg:$0x1] =	wrdreg $0xFFFFFFFF  }
0xa7: {  	s28 =	simm.s32 $_size_execute0_lowered;
	s3 =	sadd.s32 s3, s5;
	[dreg:$0x0] =	wrdreg $0x0  }
0xa8: {  	s5 =	sshll.u32 s28, $0x1;
	[dreg:$0x2] =	wrdreg s3  }
0xa9: {  	[dreg:$0x3] =	wrdreg s5  }
0xaa: {  	[dreg:$0x4] =	wrdreg $0xC0  }
0xab: {  	_ =	task [dreg:s7], $0x5FFFF  }
0xac: {  	[dreg:$0x1] =	wrdreg $0xFFFFFFFF  }
0xad: {  	[dreg:$0x0] =	wrdreg $0x60  }
0xae: {  	[dreg:$0x2] =	wrdreg s24  }
0xaf: {  	[dreg:$0x3] =	wrdreg s2  }
0xb0: {  	[dreg:$0x4] =	wrdreg $0x0  }
0xb1: {  	[dreg:$0x5] =	wrdreg $0x13C000  }
0xb2: {  	[dreg:$0x6] =	wrdreg $0x9  }
0xb3: {  	_ =	task.clear_ibuf [dreg:s7], $0x7FFFF;
	_ =	strace $0x90000049  }
0xb4: {  	s29 =	simm.s32 $0x9;
	_ =	strace $0x8000004B  }
0xb5: {  	_ =	swait.ge [sflag:s29], $0x1  }
0xb6: {  	[sflag:s29] =	ssyncadd.s32 $0xFFFFFFFF  }
0xb7: {  	_ =	strace $0x9000004B  }
0xb8: {  	_ =	sfence  }
0xb9: {  	s30 =	sld [smem:$0x0];
	_ =	sdelay $0x2  }
0xba: {  	s31 =	sshll.u32 s1, $0xD;
	s1 =	sshrl.u32 s1, $0x2  }
0xbb: {  	s3 =	sand.u32 $0x4000, s31;
	s1 =	sadd.s32 s1, s30  }
0xbc: {  	s0 =	sor.u32 s3, s0;
	s1 =	sshll.u32 s1, $0x11  }
0xbd: {  	s0 =	sor.u32 s1, s0  }
0xbe: {  	s0 =	sadd.s32 $0x8F2B, s0  }
0xbf: {  	[sflag:s0] =	ssyncadd.remote.s32 $0x1  }
0xc0: {  	_ =	sfence.sel $0xFFFF  }
0xc1: {  	[dreg:$0x0] =	wrdreg $0xFFFFFFFF;
	(pc) =	sbr.abs _section_cstart, $3  }
0xc2: {  	[dreg:$0x1] =	wrdreg $0xFFFFFFFF  }
0xc3: {  	_ =	task.clear_ibuf [dreg:s7], $0x2FFFF;
	_ =	strace $0x9FFFFFFF  }
0xc4: {  	(tm) =	ssettm $0x7FFFFFFF  }
0xc5: {  	_ =	shalt  }
tec
execute0_lowered:
.L_overlay_start_1:
0x0: {  	(tag) =	ssettag $0x1  }
0x1: {  	s0 =	rddreg [dreg:$0x0]  }
0x2: {  	s1 =	rddreg [dreg:$0x1]  }
0x3: {  	s2 =	rddreg [dreg:$0x2]  }
0x4: {  	s4 =	rddreg [dreg:$0x3];
	s5 =	simm.s32 $0x0  }
0x5: {  	s18 =	stileid.u32;
	s7 =	srdreg.scid;
	s20 =	simm.s32 $0x16380  }
0x6: {  	s21 =	simm.s32 $0x16800;
	s28 =	simm.s32 $0x3;
	s29 =	simm.s32 $0x17C80  }
0x7: {  	s30 =	simm.s32 $0x1;
	s31 =	simm.s32 $0x4;
	s3 =	smul.u32 $0x13C00, s18  }
0x8: {  	[smem:$0x7FF] =	sst s5;
	s6 =	sadd.s32 $0x18400, s0;
	s10 =	smul.u32 $0x2780, s18  }
0x9: {  	s11 =	sand.u32 $0x1, s7;
	s7 =	sadd.s32 $0xE200, s0;
	s8 =	sadd.s32 $0x9200, s0  }
0xa: {  	s9 =	sadd.s32 $0x4200, s0;
	s17 =	sshll.u32 s18, $0x1;
	s24 =	sshll.u32 s18, $0x6  }
0xb: {  	s18 =	simm.s32 $0x6;
	_ =	strace $0x8000004A;
	s12 =	smul.u32 $0x13C000, s11  }
0xc: {  	s14 =	smul.u32 $0x27800, s11;
	s16 =	ssub.s32 $0x2, s11;
	s23 =	sor.u32 s11, s17  }
0xd: {  	s11 =	sor.u32 $0x1C06, s24;
	s24 =	simm.s32 $0x16C80;
	s13 =	sshrl.u32 s3, $0x3  }
0xe: {  	s15 =	sshrl.u32 s10, $0x3;
	s22 =	sshrl.u32 s16, $0x1;
	s13 =	sadd.s32 s13, s0  }
0xf: {  	vm0 =	vcmask $0x1F00;
	v0 =	vimm.f32 $-7.499999890e+30;
	v1 =	vimm.s32 $0xFEDCBA98;
	s12 =	sadd.s32 s3, s12;
	s15 =	sadd.s32 s15, s0;
	s14 =	sadd.s32 s10, s14  }
0x10: {  	vm1 =	vcmask $0x2320;
	vm10 =	vcmask $0x2724;
	vm11 =	vcmask $0x2B28;
	s3 =	sadd.s32 s3, s2;
	s10 =	sadd.s32 s10, s4;
	s12 =	sshrl.u32 s12, $0x3  }
0x11: {  	vm12 =	vcmask $0x2F2C;
	vm13 =	vcmask $0x3330;
	v0 =	vsel vm0, $0x0, v0;
	s14 =	sshrl.u32 s14, $0x3;
	s13 =	sadd.s32 $0x22600, s13;
	s25 =	sadd.s32 $0x49E00, s15  }
0x12: {  	vm14 =	vcmask $0x3734;
	v1 =	vunpack.c.l.s4.s8 v1;
	v0 =	vsel vm1, $0xF0C9F2CA, v0;
	s10 =	sshrl.u32 s10, $0x3;
	s12 =	sadd.s32 s12, s0;
	[dreg:$0x5] =	wrdreg s13  }
0x13: {  	vm15 =	vcmask $0x3B38;
	v3 =	vimm.s32 $0x1;
	v0 =	vsel vm10, $0xF1977618, v0;
	s0 =	sadd.s32 s14, s0;
	s14 =	ssub.s32 s16, s22;
	[dreg:$0x6] =	wrdreg s25  }
0x14: {  	v4 =	vimm.s32 $0x2;
	v1 =	vunpack.c.0.s8.s32 v1;
	v0 =	vsel vm11, $0xF1FC6F7C, v0;
	s13 =	smul.u32 $0x2880, s23;
	[dreg:$0xb] =	wrdreg s10;
	s12 =	sadd.s32 $0x58C00, s12  }
0x15: {  	v5 =	vimm.s32 $0x3;
	v6 =	vimm.s32 $0x4;
	v0 =	vsel vm12, $0xF230B471, v0;
	s22 =	simm.s32 $0x80;
	s0 =	sadd.s32 $0x4EE00, s0;
	[dreg:$0x7] =	wrdreg s12  }
0x16: {  	v7 =	vimm.s32 $0x5;
	v1 =	vand.u32 $0xF, v1;
	v2 =	vsel vm13, $0xF2633123, v0;
	s23 =	simm.s32 $0x18480;
	s26 =	smax.u32 s14, $0x1;
	[dreg:$0x8] =	wrdreg s0  }
0x17: {  	v8 =	vimm.s32 $0x6;
	v0 =	vnsel vm0, $0xF, v1;
	s25 =	simm.s32 $0x17480;
	v1 =	vsel vm14, $0xF28AD6EB, v2;
	[dreg:$0x9] =	wrdreg s26;
	s12 =	sshrl.u32 s3, $0x3  }
0x18: {  	v9 =	vimm.s32 $0x7;
	v2 =	vimm.s32 $0x0;
	v1 =	vsel vm15, $0xF2A41544, v1;
	s26 =	simm.s32 $0x2;
	s0 =	simm.s32 $0x5;
	[dreg:$0xa] =	wrdreg s12  }
.LBB2_1:
0x19: {  	s3 =	rddreg [dreg:$0x5]  }
0x1a: {  	[spmem:s12], [sflag:s11] =	dma.local [hbm:s3], $0x2780  }
0x1b: {  	_ =	swait.ge [sflag:s18], $0x2780  }
0x1c: {  	[sflag:s18] =	ssyncset.done $0x0  }
0x1d: {  	s19 =	rddreg [dreg:$0x6];
	[sflag:s18] =	ssyncadd.s32 $0xFFFFD880  }
0x1e: {  	[spmem:s10], [sflag:s11] =	dma.local [hbm:s19], $0x4F0  }
0x1f: {  	_ =	swait.ge [sflag:s18], $0x4F0  }
0x20: {  	[sflag:s18] =	ssyncset.done $0x0  }
0x21: {  	[sflag:s18] =	ssyncadd.s32 $0xFFFFFB10  }
0x22: {  	s3 =	simm.s32 $0x0;
	[bflag:$0x0] =	sbarrier.arrive $0xFFFF  }
.LBB2_2:
0x23: {  	s10 =	smul.u32 $0x480, s3;
	_ =	sdelay $0x1  }
0x24: {  	s10 =	sadd.s32 s13, s10  }
0x25: {  	s12 =	sshrl.u32 s10, $0x3  }
0x26: {  	s10 =	simm.s32 $0x0;
	s14 =	sadd.s32 s6, s12  }
0x27: {  	[tilespmem:s20], [sflag:$0x6] =	stream.linear.gather [hbm4b:s14+s10], $0x480, $0x38;
	[tilespmem:$0x1C480] =	vst v63  }
0x28: {  	_ =	swait.ge [sflag:s18], $0x480  }
0x29: {  	[sflag:s18] =	ssyncset.done $0x0  }
0x2a: {  	s12 =	sadd.s32 s7, s12;
	[sflag:s18] =	ssyncadd.s32 $0xFFFFFB80  }
0x2b: {  	[tilespmem:s21], [sflag:$0x6] =	stream.linear.gather [hbm4b:s12+s10], $0x480, $0x38;
	[tilespmem:$0x1C480] =	vst v63  }
0x2c: {  	_ =	swait.ge [sflag:s18], $0x480  }
0x2d: {  	[sflag:s18] =	ssyncset.done $0x0  }
0x2e: {  	[sflag:s18] =	ssyncadd.s32 $0xFFFFFB80  }
.LBB2_3:
0x2f: {  	s12 =	sshll.u32 s10, $0x7  }
0x30: {  	s14 =	sadd.s32 $0x16380, s12  }
0x31: {  	[tilespmem:s23], [sflag:$0x1] =	stream.indirect.gather [hbm4b:s1+s22], $0x80, s14, s22, $0xb8;
	[tilespmem:$0x1C480] =	vst v63  }
0x32: {  	_ = 	snop  }
0x33: {  	[tilespmem:s24], [sflag:$0x2] =	stream.indirect.gather [hbm4b:s8+s22], $0x10, s14, s22, $0xb8;
	[tilespmem:$0x1C480] =	vst v63  }
0x34: {  	s12 =	sadd.s32 $0x16800, s12  }
0x35: {  	[tilespmem:s25], [sflag:$0x3] =	stream.indirect.gather [hbm4b:s9+s22], $0x10, s12, s22, $0xb8;
	[tilespmem:$0x1C480] =	vst v63  }
0x36: {  	_ =	swait.ge [sflag:s26], $0x800  }
0x37: {  	[sflag:s26] =	ssyncset.done $0x0  }
0x38: {  	[sflag:s26] =	ssyncadd.s32 $0xFFFFF800  }
0x39: {  	_ =	swait.ge [sflag:s28], $0x800  }
0x3a: {  	[sflag:s28] =	ssyncset.done $0x0  }
0x3b: {  	s16 =	simm.s32 $0x16CC0;
	[sflag:s28] =	ssyncadd.s32 $0xFFFFF800  }
0x3c: {  	v10 =	vld [tilespmem:s16+$0xFFFFFFD0]  }
0x3d: {  	s15 =	simm.s32 $0x174C0;
	v11 =	vld [tilespmem:s16+$0xFFFFFFC0]  }
0x3e: {  	v13 =	vld [tilespmem:s15+$0x30]  }
0x3f: {  	v14 =	vld [tilespmem:s15+$0x0]  }
0x40: {  	v15 =	vld [tilespmem:s15+$0xFFFFFFF0]  }
0x41: {  	v16 =	vld [tilespmem:s15+$0xFFFFFFC0]  }
0x42: {  	v17 =	vld [tilespmem:s15+$0xFFFFFFE0]  }
0x43: {  	v18 =	vld [tilespmem:s15+$0xFFFFFFD0]  }
0x44: {  	v20 =	vld [tilespmem:s16+$0xFFFFFFF0]  }
0x45: {  	v21 =	vld [tilespmem:s16+$0xFFFFFFE0]  }
0x46: {  	v24 =	vld [tilespmem:s16+$0x0]  }
0x47: {  	v19 =	vld [tilespmem:s16+$0x30]  }
0x48: {  	v12 =	vld [tilespmem:s15+$0x10]  }
0x49: {  	v11 =	vadd.f32 v16, v11;
	v16 =	vld [tilespmem:s16+$0x10];
	v18 =	vadd.f32 v18, v10  }
0x4a: {  	v15 =	vadd.f32 v15, v20;
	v17 =	vadd.f32 v17, v21  }
0x4b: {  	v22 =	vld [tilespmem:s15+$0x20];
	v14 =	vadd.f32 v14, v24;
	v23 =	vmul.f32 $2.000000030e-01, v11;
	v10 =	vperm.xlane v11, v0  }
0x4c: {  	v13 =	vadd.f32 v13, v19;
	v19 =	vld [tilespmem:s16+$0x20];
	v20 =	vperm.xlane v18, v0;
	v21 =	vperm.xlane v15, v0  }
0x4d: {  	v25 =	vmul.f32 $2.000000030e-01, v17;
	v26 =	vmul.f32 $2.000000030e-01, v14  }
0x4e: {  	v11 =	vmax.f32 v11, v23;
	v23 =	vmul.f32 $2.000000030e-01, v18;
	v12 =	vadd.f32 v12, v16  }
0x4f: {  	s17 =	simm.s32 $0x16D40;
	v29 =	vperm.xlane v13, v0;
	v11 =	vsub.f32 v11, v10;
	v10 =	vmul.f32 $2.000000030e-01, v15  }
0x50: {  	s19 =	simm.s32 $0x17540;
	v27 =	vld [tilespmem:s17+$0xFFFFFFC0];
	v16 =	vmul.f32 $2.000000030e-01, v13;
	v18 =	vmax.f32 v18, v23;
	v24 =	vmul.f32 $2.000000030e-01, v12  }
0x51: {  	v28 =	vld [tilespmem:s19+$0x10];
	v10 =	vmax.f32 v15, v10;
	v15 =	vadd.f32 v22, v19;
	v22 =	vperm.xlane v17, v0  }
0x52: {  	v30 =	vld [tilespmem:s19+$0xFFFFFFE0];
	v17 =	vmax.f32 v17, v25;
	v18 =	vsub.f32 v18, v20;
	v21 =	vsub.f32 v10, v21  }
0x53: {  	v23 =	vld [tilespmem:s19+$0x30];
	v11 =	vadd.f32 v1, v11;
	v25 =	vmul.f32 $2.000000030e-01, v15;
	v17 =	vsub.f32 v17, v22  }
0x54: {  	v19 =	vld [tilespmem:s17+$0xFFFFFFD0];
	v13 =	vmax.f32 v13, v16;
	v22 =	vperm.xlane v15, v0;
	v21 =	vadd.f32 v1, v21  }
0x55: {  	v16 =	vld [tilespmem:s19+$0xFFFFFFD0];
	v10 =	vperm.xlane v12, v0;
	v15 =	vmax.f32 v15, v25;
	v17 =	vadd.f32 v1, v17  }
0x56: {  	v13 =	vsub.f32 v13, v29;
	v15 =	vsub.f32 v15, v22;
	v20 =	vmul.f32 $1.442695020e+00, v21;
	v21 =	vld [tilespmem:s19+$0xFFFFFFC0]  }
0x57: {  	v18 =	vadd.f32 v1, v18;
	v11 =	vmul.f32 $1.442695020e+00, v11;
	v25 =	vld [tilespmem:s19+$0x0];
	v17 =	vmul.f32 $1.442695020e+00, v17  }
0x58: {  	v13 =	vadd.f32 v1, v13;
	v22 =	vld [tilespmem:s19+$0xFFFFFFF0];
	v15 =	vadd.f32 v1, v15;
	(erf) = vpow2.f32 v20  }
0x59: {  	v20 =	vmul.f32 $1.442695020e+00, v18;
	v18 =	vmax.f32 v12, v24;
	v24 =	vld [tilespmem:s17+$0x10];
	(erf) = vpow2.f32 v17  }
0x5a: {  	v12 =	vperm.xlane v14, v0;
	v14 =	vmax.f32 v14, v26;
	v17 =	vld [tilespmem:s17+$0x30];
	(erf) = vpow2.f32 v11  }
0x5b: {  	v15 =	vmul.f32 $1.442695020e+00, v15;
	v11 =	vadd.f32 v21, v27;
	v27 =	vld [tilespmem:s17+$0xFFFFFFF0];
	(erf) = vpow2.f32 v20  }
0x5c: {  	v13 =	vmul.f32 $1.442695020e+00, v13;
	v26 =	vld [tilespmem:s17+$0x0];
	v14 =	vsub.f32 v14, v12  }
0x5d: {  	v21 =	vadd.f32 v16, v19;
	v19 =	vld [tilespmem:s17+$0xFFFFFFE0];
	(erf) = vpow2.f32 v15;
	v20 =	vmul.f32 $2.000000030e-01, v11  }
0x5e: {  	v31 =	vld [tilespmem:s19+$0x20];
	v15 =	vperm.xlane v11, v0;
	(erf) = vpow2.f32 v13;
	v13 =	vadd.f32 v28, v24  }
0x5f: {  	v32 =	vld [tilespmem:s17+$0x20];
	v12 =	vadd.f32 v23, v17;
	v23 =	vmul.f32 $2.000000030e-01, v21;
	v11 =	vmax.f32 v11, v20  }
0x60: {  	v17 =	vmul.f32 $2.000000030e-01, v13;
	v27 =	vadd.f32 v22, v27;
	v22 =	vperm.xlane v21, v0  }
0x61: {  	s14 =	simm.s32 $0x17CC0;
	v16 =	vmul.f32 $2.000000030e-01, v12;
	v20 =	vsub.f32 v11, v15;
	v15 =	vadd.f32 v25, v26;
	v24 =	vpop (erf)  }
0x62: {  	v25 =	vadd.f32 v30, v19;
	v29 =	vmul.f32 $2.000000030e-01, v27;
	v26 =	vpop (erf);
	v28 =	vperm.xlane v27, v0;
	[tilespmem:s14+$0xFFFFFFF0] =	vst v24  }
0x63: {  	s15 =	simm.s32 $0x17CC0;
	v19 =	vmul.f32 $2.000000030e-01, v15;
	v24 =	vperm.xlane v13, v0;
	v11 =	vpop (erf);
	[tilespmem:s14+$0xFFFFFFE0] =	vst v26;
	v26 =	vadd.f32 v1, v14  }
0x64: {  	s16 =	simm.s32 $0x8;
	s19 =	simm.s32 $0x16DC0;
	s17 =	simm.s32 $0x175C0;
	v30 =	vmax.f32 v27, v29;
	v29 =	vmul.f32 $2.000000030e-01, v25;
	v27 =	vadd.f32 v31, v32;
	v14 =	vpop (erf)  }
.LBB2_4:
0x65: {  	v31 =	vld [tilespmem:s19+$0xFFFFFFD0];
	s16 =	sadd.s32 $0x8, s16;
	v32 =	vperm.xlane v25, v0;
	v28 =	vsub.f32 v30, v28;
	v18 =	vsub.f32 v18, v10;
	s14 =	sadd.s32 $0x80, s14;
	v10 =	vmovc v24  }
0x66: {  	v21 =	vmax.f32 v21, v23;
	v24 =	vld [tilespmem:s19+$0xFFFFFFC0];
	p0 =	slt.u32 s16, $0x78;
	v23 =	vmul.f32 $2.000000030e-01, v27;
	v30 =	vperm.xlane v27, v0;
	v33 =	vpop (erf)  }
0x67: {  	v25 =	vmax.f32 v25, v29;
	v34 =	vld [tilespmem:s17+$0x10];
	v28 =	vadd.f32 v1, v28;
	v18 =	vadd.f32 v1, v18;
	[tilespmem:s15+$0x20] =	vst v33;
	v29 =	vpop (erf)  }
0x68: {  	v21 =	vsub.f32 v21, v22;
	v22 =	vsub.f32 v25, v32;
	v33 =	vld [tilespmem:s17+$0x30];
	v23 =	vmax.f32 v27, v23;
	[tilespmem:s15+$0x30] =	vst v29  }
0x69: {  	v26 =	vmul.f32 $1.442695020e+00, v26;
	v25 =	vld [tilespmem:s17+$0x0];
	v23 =	vsub.f32 v23, v30;
	v18 =	vmul.f32 $1.442695020e+00, v18  }
0x6a: {  	v21 =	vadd.f32 v1, v21;
	v22 =	vadd.f32 v1, v22;
	v28 =	vmul.f32 $1.442695020e+00, v28;
	v27 =	vld [tilespmem:s17+$0xFFFFFFF0]  }
0x6b: {  	v20 =	vadd.f32 v1, v20;
	v30 =	vperm.xlane v12, v0;
	v29 =	vld [tilespmem:s17+$0xFFFFFFC0];
	(erf) = vpow2.f32 v26  }
0x6c: {  	v22 =	vmul.f32 $1.442695020e+00, v22;
	v23 =	vadd.f32 v1, v23;
	v26 =	vld [tilespmem:s17+$0xFFFFFFE0];
	(erf) = vpow2.f32 v18  }
0x6d: {  	v20 =	vmul.f32 $1.442695020e+00, v20;
	v12 =	vmax.f32 v12, v16;
	v32 =	vld [tilespmem:s17+$0x20];
	(erf) = vpow2.f32 v28  }
0x6e: {  	v21 =	vmul.f32 $1.442695020e+00, v21;
	v12 =	vsub.f32 v12, v30;
	v16 =	vld [tilespmem:s17+$0xFFFFFFD0];
	(erf) = vpow2.f32 v22  }
0x6f: {  	v18 =	vmax.f32 v13, v17;
	v13 =	vmul.f32 $1.442695020e+00, v23;
	v22 =	vld [tilespmem:s19+$0x30];
	(erf) = vpow2.f32 v20  }
0x70: {  	v19 =	vmax.f32 v15, v19;
	v12 =	vadd.f32 v1, v12;
	v17 =	vadd.f32 v29, v24;
	v20 =	vld [tilespmem:s19+$0xFFFFFFF0]  }
0x71: {  	v15 =	vperm.xlane v15, v0;
	v24 =	vld [tilespmem:s19+$0x10];
	(erf) = vpow2.f32 v21  }
0x72: {  	v29 =	vmul.f32 $1.442695020e+00, v12;
	v23 =	vmul.f32 $2.000000030e-01, v17;
	v28 =	vld [tilespmem:s19+$0x0];
	[tilespmem:s15+$0xFFFFFFC0] =	vst v11  }
0x73: {  	v21 =	vadd.f32 v16, v31;
	v11 =	vld [tilespmem:s19+$0xFFFFFFE0];
	v31 =	vsub.f32 v19, v15;
	(erf) = vpow2.f32 v13  }
0x74: {  	v15 =	vperm.xlane v17, v0;
	v12 =	vadd.f32 v33, v22;
	(erf) = vpow2.f32 v29;
	[tilespmem:s15+$0xFFFFFFD0] =	vst v14;
	v13 =	vpop (erf)  }
0x75: {  	v14 =	vmax.f32 v17, v23;
	v23 =	vmul.f32 $2.000000030e-01, v21;
	v19 =	vadd.f32 v27, v20;
	v27 =	vld [tilespmem:s19+$0x20];
	[tilespmem:s15+$0x0] =	vst v13;
	v17 =	vpop (erf)  }
.Ltmp0:
0x76: {  	v22 =	vperm.xlane v21, v0;
	v13 =	vadd.f32 v34, v24;
	v16 =	vmul.f32 $2.000000030e-01, v12;
	v24 =	vpop (erf);
	[tilespmem:s15+$0x10] =	vst v17;
	s15 =	smov.u32 s14;
	(pc) =	sbr.rel @p0 .LBB2_4-.Ltmp0, $4  }
0x77: {  	v20 =	vsub.f32 v14, v15;
	v33 =	vmul.f32 $2.000000030e-01, v19;
	v15 =	vadd.f32 v25, v28;
	[tilespmem:s14+$0xFFFFFFF0] =	vst v24;
	v24 =	vpop (erf)  }
0x78: {  	v28 =	vperm.xlane v19, v0;
	v25 =	vadd.f32 v26, v11;
	v17 =	vmul.f32 $2.000000030e-01, v13;
	[tilespmem:s14+$0xFFFFFFE0] =	vst v24;
	v11 =	vpop (erf)  }
0x79: {  	v24 =	vperm.xlane v13, v0;
	v30 =	vmax.f32 v19, v33;
	v19 =	vmul.f32 $2.000000030e-01, v15  }
0x7a: {  	s17 =	sadd.s32 $0x80, s17;
	s19 =	sadd.s32 $0x80, s19;
	v26 =	vadd.f32 v1, v31;
	v29 =	vmul.f32 $2.000000030e-01, v25;
	v27 =	vadd.f32 v32, v27;
	v14 =	vpop (erf)  }
0x7b: {  	v31 =	vperm.xlane v25, v0  }
0x7c: {  	v28 =	vsub.f32 v30, v28;
	v10 =	vsub.f32 v18, v10;
	v18 =	vmax.f32 v21, v23  }
0x7d: {  	v20 =	vadd.f32 v1, v20;
	v21 =	vmul.f32 $2.000000030e-01, v27;
	v23 =	vperm.xlane v27, v0  }
0x7e: {  	v25 =	vmax.f32 v25, v29;
	v18 =	vsub.f32 v18, v22;
	v22 =	vmul.f32 $1.442695020e+00, v26  }
0x7f: {  	v26 =	vperm.xlane v12, v0;
	v28 =	vadd.f32 v1, v28;
	v25 =	vsub.f32 v25, v31  }
0x80: {  	v10 =	vadd.f32 v1, v10;
	v21 =	vmax.f32 v27, v21;
	v18 =	vadd.f32 v1, v18  }
0x81: {  	(erf) = vpow2.f32 v22;
	v21 =	vsub.f32 v21, v23;
	v23 =	vadd.f32 v1, v25  }
0x82: {  	v13 =	vmax.f32 v13, v17;
	v10 =	vmul.f32 $1.442695020e+00, v10;
	v25 =	vmul.f32 $1.442695020e+00, v28  }
0x83: {  	v12 =	vmax.f32 v12, v16;
	v16 =	vmul.f32 $1.442695020e+00, v18;
	v22 =	vmul.f32 $1.442695020e+00, v23  }
0x84: {  	v12 =	vsub.f32 v12, v26;
	(erf) = vpow2.f32 v10;
	v10 =	vmul.f32 $1.442695020e+00, v20  }
0x85: {  	v18 =	vadd.f32 v1, v21;
	v20 =	vperm.xlane v15, v0;
	(erf) = vpow2.f32 v25  }
0x86: {  	v12 =	vadd.f32 v1, v12;
	v15 =	vmax.f32 v15, v19;
	(erf) = vpow2.f32 v22  }
0x87: {  	v17 =	vmul.f32 $1.442695020e+00, v18;
	(erf) = vpow2.f32 v10;
	v10 =	vsub.f32 v15, v20  }
0x88: {  	v13 =	vsub.f32 v13, v24;
	v12 =	vmul.f32 $1.442695020e+00, v12;
	(erf) = vpow2.f32 v16  }
0x89: {  	(erf) = vpow2.f32 v17;
	v10 =	vadd.f32 v1, v10  }
0x8a: {  	v15 =	vpop (erf);
	(erf) = vpow2.f32 v12;
	v12 =	vadd.f32 v1, v13  }
0x8b: {  	[tilespmem:s15+$0xFFFFFFC0] =	vst v11;
	v10 =	vmul.f32 $1.442695020e+00, v10  }
0x8c: {  	[tilespmem:s15+$0xFFFFFFD0] =	vst v14;
	v12 =	vmul.f32 $1.442695020e+00, v12  }
0x8d: {  	[tilespmem:s15+$0x20] =	vst v15;
	v13 =	vpop (erf);
	(erf) = vpow2.f32 v10  }
0x8e: {  	[tilespmem:s15+$0x30] =	vst v13;
	v13 =	vpop (erf);
	(erf) = vpow2.f32 v12  }
0x8f: {  	[tilespmem:s15+$0x0] =	vst v13;
	v11 =	vpop (erf)  }
0x90: {  	s14 =	sadd.s32 $0x80, s14;
	[tilespmem:s15+$0x10] =	vst v11;
	v10 =	vpop (erf)  }
0x91: {  	v12 =	vpop (erf);
	[tilespmem:s14+$0xFFFFFFF0] =	vst v10  }
0x92: {  	v11 =	vpop (erf);
	[tilespmem:s14+$0xFFFFFFE0] =	vst v12  }
0x93: {  	v10 =	vpop (erf);
	[tilespmem:s14+$0xFFFFFFC0] =	vst v11  }
0x94: {  	v12 =	vpop (erf);
	[tilespmem:s14+$0xFFFFFFD0] =	vst v10  }
0x95: {  	[tilespmem:s14+$0x20] =	vst v12;
	v12 =	vpop (erf)  }
0x96: {  	[tilespmem:s14+$0x30] =	vst v12;
	v10 =	vpop (erf)  }
0x97: {  	[tilespmem:s14+$0x0] =	vst v10;
	v10 =	vpop (erf)  }
0x98: {  	[tilespmem:s14+$0x10] =	vst v10  }
0x99: {  	[spmem:s4] =	stream.indirect.scatter.add.f32 [tilespmem:s29], [sflag:$0x4], $0x10, s12, s22, $0xb8;
	[tilespmem:$0x1C480] =	vst v63  }
0x9a: {  	_ =	swait.ge [sflag:s30], $0x4000  }
0x9b: {  	[sflag:s30] =	ssyncset.done $0x0  }
0x9c: {  	s19 =	simm.s32 $0x17CA0;
	[sflag:s30] =	ssyncadd.s32 $0xFFFFC000  }
0x9d: {  	v13 =	vld [tilespmem:s19+$0x10]  }
0x9e: {  	s14 =	simm.s32 $0x18580;
	v10 =	vld [tilespmem:s19+$0xFFFFFFF0]  }
0x9f: {  	v11 =	vld [tilespmem:s14+$0xF0]  }
0xa0: {  	v12 =	vld [tilespmem:s19+$0x0]  }
0xa1: {  	v14 =	vld [tilespmem:s19+$0xFFFFFFE0]  }
0xa2: {  	v15 =	vld [tilespmem:s14+$0xFFFFFF00]  }
0xa3: {  	v16 =	vld [tilespmem:s14+$0xFFFFFF10];
	v17 =	vperm.xlane v13, v2  }
0xa4: {  	v20 =	vld [tilespmem:s14+$0xFFFFFF20];
	v18 =	vperm.xlane v13, v9;
	v19 =	vperm.xlane v10, v2  }
0xa5: {  	v23 =	vld [tilespmem:s14+$0xFFFFFF30];
	v21 =	vperm.xlane v10, v3;
	v22 =	vperm.xlane v10, v4  }
0xa6: {  	v25 =	vld [tilespmem:s14+$0xFFFFFF40];
	v24 =	vperm.xlane v10, v5;
	v26 =	vperm.xlane v10, v6  }
0xa7: {  	v28 =	vld [tilespmem:s14+$0xFFFFFF50];
	v27 =	vperm.xlane v14, v2;
	v29 =	vperm.xlane v14, v3  }
0xa8: {  	v31 =	vld [tilespmem:s14+$0xFFFFFF60];
	v30 =	vperm.xlane v14, v4;
	v32 =	vperm.xlane v14, v5  }
0xa9: {  	v34 =	vld [tilespmem:s14+$0xFFFFFF70];
	v33 =	vperm.xlane v14, v6;
	v35 =	vperm.xlane v14, v7  }
0xaa: {  	v37 =	vld [tilespmem:s14+$0xFFFFFF80];
	v36 =	vperm.xlane v14, v8;
	v38 =	vperm.xlane v14, v9  }
0xab: {  	v40 =	vld [tilespmem:s14+$0xFFFFFF90];
	v39 =	vperm.xlane v10, v7;
	v41 =	vperm.xlane v10, v8  }
0xac: {  	v43 =	vld [tilespmem:s14+$0xFFFFFFA0];
	v42 =	vperm.xlane v10, v9;
	v44 =	vperm.xlane v12, v2  }
0xad: {  	v46 =	vld [tilespmem:s14+$0xFFFFFFB0];
	v45 =	vperm.xlane v12, v3;
	v47 =	vperm.xlane v12, v4  }
0xae: {  	v49 =	vld [tilespmem:s14+$0xFFFFFFC0];
	v48 =	vperm.xlane v12, v5;
	v50 =	vperm.xlane v12, v6  }
0xaf: {  	v52 =	vld [tilespmem:s14+$0xFFFFFFD0];
	v51 =	vperm.xlane v12, v7;
	v53 =	vperm.xlane v12, v8  }
0xb0: {  	v55 =	vld [tilespmem:s14+$0xFFFFFFE0];
	v54 =	vperm.xlane v12, v9;
	v56 =	vperm.xlane v13, v3  }
0xb1: {  	v57 =	vld [tilespmem:s14+$0xFFFFFFF0];
	v14 =	vperm.xlane v13, v4;
	v18 =	vmul.f32 v18, v11  }
0xb2: {  	v58 =	vld [tilespmem:s14+$0x0];
	v12 =	vperm.xlane v13, v6;
	v15 =	vmul.f32 v27, v15  }
0xb3: {  	v60 =	vld [tilespmem:s14+$0x70];
	v10 =	vperm.xlane v13, v7;
	v16 =	vmul.f32 v29, v16;
	[tilespmem:s14+$0xF0] =	vst v18  }
0xb4: {  	v62 =	vld [tilespmem:s14+$0x80];
	v11 =	vperm.xlane v13, v5;
	v20 =	vmul.f32 v30, v20;
	[tilespmem:s14+$0xFFFFFF00] =	vst v15  }
0xb5: {  	v63 =	vld [tilespmem:s14+$0x90];
	v13 =	vperm.xlane v13, v8;
	v23 =	vmul.f32 v32, v23;
	[tilespmem:s14+$0xFFFFFF10] =	vst v16  }
0xb6: {  	v25 =	vmul.f32 v33, v25;
	v29 =	vmul.f32 v36, v31;
	v31 =	vld [tilespmem:s14+$0x50];
	[tilespmem:s14+$0xFFFFFF20] =	vst v20  }
0xb7: {  	v27 =	vmul.f32 v35, v28;
	v30 =	vmul.f32 v38, v34;
	v18 =	vld [tilespmem:s14+$0x10];
	[tilespmem:s14+$0xFFFFFF30] =	vst v23  }
0xb8: {  	v19 =	vmul.f32 v19, v37;
	v21 =	vmul.f32 v21, v40;
	v15 =	vld [tilespmem:s14+$0x20];
	[tilespmem:s14+$0xFFFFFF40] =	vst v25  }
0xb9: {  	v43 =	vmul.f32 v22, v43;
	v59 =	vmul.f32 v24, v46;
	v20 =	vld [tilespmem:s14+$0x40];
	[tilespmem:s14+$0xFFFFFF50] =	vst v27  }
0xba: {  	v61 =	vmul.f32 v26, v49;
	v28 =	vmul.f32 v39, v52;
	v16 =	vld [tilespmem:s14+$0x30];
	[tilespmem:s14+$0xFFFFFF60] =	vst v29  }
0xbb: {  	v40 =	vld [tilespmem:s14+$0x60];
	v26 =	vmul.f32 v42, v57;
	v24 =	vmul.f32 v44, v58;
	[tilespmem:s14+$0xFFFFFF70] =	vst v30  }
0xbc: {  	v27 =	vmul.f32 v41, v55;
	[tilespmem:s14+$0xFFFFFF80] =	vst v19;
	v29 =	vld [tilespmem:s14+$0xA0];
	v19 =	vmul.f32 v17, v62  }
0xbd: {  	[tilespmem:s14+$0xFFFFFF90] =	vst v21;
	v30 =	vld [tilespmem:s14+$0xB0];
	v17 =	vmul.f32 v56, v63;
	v25 =	vmul.f32 v45, v18  }
0xbe: {  	[tilespmem:s14+$0xFFFFFFA0] =	vst v43;
	v21 =	vmul.f32 v50, v20;
	v20 =	vmul.f32 v51, v31;
	v31 =	vld [tilespmem:s14+$0xC0]  }
0xbf: {  	[tilespmem:s14+$0xFFFFFFB0] =	vst v59;
	v23 =	vmul.f32 v47, v15;
	v22 =	vmul.f32 v48, v16;
	v15 =	vld [tilespmem:s14+$0xD0]  }
0xc0: {  	s16 =	simm.s32 $0x0;
	s17 =	simm.s32 $0x17CE0;
	s15 =	simm.s32 $0x18580;
	v32 =	vld [tilespmem:s14+$0xE0];
	[tilespmem:s14+$0xFFFFFFC0] =	vst v61;
	v18 =	vmul.f32 v53, v40;
	v16 =	vmul.f32 v54, v60  }
.LBB2_6:
0xc1: {  	v33 =	vld [tilespmem:s17+$0x10];
	s16 =	sadd.s32 $0x4, s16;
	[tilespmem:s14+$0xFFFFFFD0] =	vst v28;
	v14 =	vmul.f32 v14, v29  }
0xc2: {  	s14 =	sadd.s32 $0x200, s14;
	v28 =	vld [tilespmem:s17+$0xFFFFFFF0];
	p0 =	slt.u32 s16, $0x7C;
	[tilespmem:s15+$0xFFFFFFE0] =	vst v27;
	v11 =	vmul.f32 v11, v30  }
0xc3: {  	v27 =	vld [tilespmem:s14+$0xF0];
	[tilespmem:s15+$0xFFFFFFF0] =	vst v26;
	v12 =	vmul.f32 v12, v31  }
0xc4: {  	v26 =	vld [tilespmem:s17+$0x0];
	[tilespmem:s15+$0x0] =	vst v24;
	v10 =	vmul.f32 v10, v15  }
0xc5: {  	v24 =	vld [tilespmem:s17+$0xFFFFFFE0];
	[tilespmem:s15+$0x10] =	vst v25;
	v13 =	vmul.f32 v13, v32  }
0xc6: {  	v25 =	vld [tilespmem:s14+$0xFFFFFF00];
	v15 =	vperm.xlane v33, v2;
	v29 =	vperm.xlane v33, v9;
	[tilespmem:s15+$0x20] =	vst v23  }
0xc7: {  	v23 =	vld [tilespmem:s14+$0xFFFFFF10];
	v30 =	vperm.xlane v28, v2;
	v31 =	vperm.xlane v28, v3;
	[tilespmem:s15+$0x30] =	vst v22  }
0xc8: {  	v32 =	vperm.xlane v28, v4;
	v22 =	vld [tilespmem:s14+$0xFFFFFF20];
	v27 =	vmul.f32 v29, v27;
	[tilespmem:s15+$0x40] =	vst v21  }
0xc9: {  	v34 =	vperm.xlane v28, v6;
	v29 =	vperm.xlane v28, v5;
	v21 =	vld [tilespmem:s14+$0xFFFFFF30];
	[tilespmem:s15+$0x50] =	vst v20  }
0xca: {  	v20 =	vperm.xlane v24, v2;
	v35 =	vperm.xlane v24, v3;
	v36 =	vld [tilespmem:s14+$0xFFFFFF40];
	[tilespmem:s14+$0xF0] =	vst v27  }
0xcb: {  	v27 =	vperm.xlane v24, v4;
	v37 =	vperm.xlane v24, v5;
	v38 =	vld [tilespmem:s14+$0xFFFFFF50];
	[tilespmem:s15+$0x60] =	vst v18  }
0xcc: {  	v39 =	vperm.xlane v24, v7;
	v18 =	vperm.xlane v24, v6;
	v40 =	vld [tilespmem:s14+$0xFFFFFF60];
	[tilespmem:s15+$0x70] =	vst v16  }
0xcd: {  	v16 =	vperm.xlane v24, v8;
	v24 =	vperm.xlane v24, v9;
	v41 =	vld [tilespmem:s14+$0xFFFFFF70];
	[tilespmem:s15+$0x80] =	vst v19  }
0xce: {  	v42 =	vperm.xlane v28, v7;
	v43 =	vperm.xlane v28, v8;
	v19 =	vld [tilespmem:s14+$0xFFFFFF80];
	[tilespmem:s15+$0x90] =	vst v17  }
0xcf: {  	v44 =	vperm.xlane v28, v9;
	v45 =	vperm.xlane v26, v2;
	v17 =	vld [tilespmem:s14+$0xFFFFFF90];
	[tilespmem:s15+$0xA0] =	vst v14  }
0xd0: {  	v46 =	vperm.xlane v26, v3;
	v47 =	vperm.xlane v26, v4;
	v28 =	vld [tilespmem:s14+$0xFFFFFFA0];
	[tilespmem:s15+$0xB0] =	vst v11  }
0xd1: {  	v49 =	vperm.xlane v26, v5;
	v50 =	vperm.xlane v26, v6;
	v48 =	vld [tilespmem:s14+$0xFFFFFFB0];
	[tilespmem:s15+$0xC0] =	vst v12  }
0xd2: {  	v52 =	vperm.xlane v26, v7;
	v53 =	vperm.xlane v26, v8;
	v51 =	vld [tilespmem:s14+$0xFFFFFFC0];
	[tilespmem:s15+$0xD0] =	vst v10  }
0xd3: {  	v56 =	vperm.xlane v33, v3;
	v55 =	vperm.xlane v26, v9;
	v54 =	vld [tilespmem:s14+$0xFFFFFFD0];
	[tilespmem:s15+$0xE0] =	vst v13;
	s15 =	smov.u32 s14  }
0xd4: {  	v14 =	vperm.xlane v33, v4;
	v11 =	vperm.xlane v33, v5;
	v26 =	vld [tilespmem:s14+$0xFFFFFFE0]  }
0xd5: {  	v12 =	vperm.xlane v33, v6;
	v10 =	vperm.xlane v33, v7;
	v57 =	vld [tilespmem:s14+$0xFFFFFFF0]  }
0xd6: {  	v20 =	vmul.f32 v20, v25;
	v13 =	vperm.xlane v33, v8;
	v25 =	vld [tilespmem:s14+$0x0]  }
0xd7: {  	v23 =	vmul.f32 v35, v23;
	v22 =	vmul.f32 v27, v22;
	v33 =	vld [tilespmem:s14+$0x10]  }
0xd8: {  	v18 =	vmul.f32 v18, v36;
	[tilespmem:s14+$0xFFFFFF00] =	vst v20;
	v20 =	vmul.f32 v37, v21;
	v21 =	vld [tilespmem:s14+$0x20]  }
0xd9: {  	v16 =	vmul.f32 v16, v40;
	[tilespmem:s14+$0xFFFFFF10] =	vst v23;
	v23 =	vmul.f32 v39, v38;
	v35 =	vld [tilespmem:s14+$0x30]  }
0xda: {  	v19 =	vmul.f32 v30, v19;
	[tilespmem:s14+$0xFFFFFF20] =	vst v22;
	v22 =	vmul.f32 v24, v41;
	v30 =	vld [tilespmem:s14+$0x40]  }
0xdb: {  	v17 =	vmul.f32 v31, v17;
	v31 =	vmul.f32 v32, v28;
	[tilespmem:s14+$0xFFFFFF30] =	vst v20;
	v20 =	vld [tilespmem:s14+$0x50]  }
0xdc: {  	v32 =	vmul.f32 v29, v48;
	v34 =	vmul.f32 v34, v51;
	[tilespmem:s14+$0xFFFFFF40] =	vst v18;
	v18 =	vld [tilespmem:s14+$0x60]  }
0xdd: {  	v28 =	vmul.f32 v42, v54;
	v27 =	vmul.f32 v43, v26;
	[tilespmem:s14+$0xFFFFFF50] =	vst v23;
	v36 =	vld [tilespmem:s14+$0x70]  }
0xde: {  	v26 =	vmul.f32 v44, v57;
	v24 =	vmul.f32 v45, v25;
	[tilespmem:s14+$0xFFFFFF60] =	vst v16;
	v37 =	vld [tilespmem:s14+$0x80]  }
0xdf: {  	v25 =	vmul.f32 v46, v33;
	v23 =	vmul.f32 v47, v21;
	[tilespmem:s14+$0xFFFFFF70] =	vst v22;
	v33 =	vld [tilespmem:s14+$0x90]  }
.Ltmp1:
0xe0: {  	v22 =	vmul.f32 v49, v35;
	v21 =	vmul.f32 v50, v30;
	[tilespmem:s14+$0xFFFFFF80] =	vst v19;
	v29 =	vld [tilespmem:s14+$0xA0];
	(pc) =	sbr.rel @p0 .LBB2_6-.Ltmp1, $4  }
0xe1: {  	v20 =	vmul.f32 v52, v20;
	[tilespmem:s14+$0xFFFFFF90] =	vst v17;
	v18 =	vmul.f32 v53, v18;
	v30 =	vld [tilespmem:s14+$0xB0]  }
0xe2: {  	[tilespmem:s14+$0xFFFFFFA0] =	vst v31;
	v16 =	vmul.f32 v55, v36;
	v31 =	vld [tilespmem:s14+$0xC0]  }
0xe3: {  	[tilespmem:s14+$0xFFFFFFB0] =	vst v32;
	v19 =	vmul.f32 v15, v37;
	v15 =	vld [tilespmem:s14+$0xD0]  }
0xe4: {  	s17 =	sadd.s32 $0x40, s17;
	[tilespmem:s14+$0xFFFFFFC0] =	vst v34;
	v17 =	vmul.f32 v56, v33;
	v32 =	vld [tilespmem:s14+$0xE0]  }
0xe5: {  	[tilespmem:s14+$0xFFFFFFD0] =	vst v28  }
0xe6: {  	[tilespmem:s15+$0x0] =	vst v24  }
0xe7: {  	[tilespmem:s15+$0x10] =	vst v25  }
0xe8: {  	[tilespmem:s15+$0x20] =	vst v23  }
0xe9: {  	[tilespmem:s15+$0x30] =	vst v22  }
0xea: {  	[tilespmem:s15+$0x40] =	vst v21  }
0xeb: {  	[tilespmem:s15+$0x50] =	vst v20  }
0xec: {  	[tilespmem:s15+$0x60] =	vst v18  }
0xed: {  	[tilespmem:s15+$0x70] =	vst v16  }
0xee: {  	[tilespmem:s15+$0x80] =	vst v19  }
0xef: {  	[tilespmem:s15+$0xFFFFFFE0] =	vst v27  }
0xf0: {  	v14 =	vmul.f32 v14, v29;
	[tilespmem:s15+$0xFFFFFFF0] =	vst v26  }
0xf1: {  	v11 =	vmul.f32 v11, v30;
	[tilespmem:s15+$0x90] =	vst v17  }
0xf2: {  	v12 =	vmul.f32 v12, v31;
	[tilespmem:s15+$0xA0] =	vst v14  }
0xf3: {  	v10 =	vmul.f32 v10, v15;
	[tilespmem:s15+$0xB0] =	vst v11  }
0xf4: {  	v11 =	vmul.f32 v13, v32;
	[tilespmem:s15+$0xC0] =	vst v12  }
0xf5: {  	[tilespmem:s15+$0xD0] =	vst v10  }
0xf6: {  	s10 =	sadd.s32 $0x1, s10;
	[tilespmem:s15+$0xE0] =	vst v11  }
0xf7: {  	[spmem:s2] =	stream.indirect.scatter.add.f32 [tilespmem:s23], [sflag:$0x5], $0x80, s12, s22, $0xb8;
	[tilespmem:$0x1C480] =	vst v63  }
0xf8: {  	p0 =	sne.s32 s10, $0x9;
	_ =	swait.ge [sflag:s31], $0x800  }
.Ltmp2:
0xf9: {  	[sflag:s31] =	ssyncset.done $0x0;
	(pc) =	sbr.rel @p0 .LBB2_3-.Ltmp2, $4  }
0xfa: {  	[sflag:s31] =	ssyncadd.s32 $0xFFFFF800  }
0xfb: {  	_ =	swait.ge [sflag:s0], $0x4000  }
0xfc: {  	[sflag:s0] =	ssyncset.done $0x0  }
0xfd: {  	[sflag:s0] =	ssyncadd.s32 $0xFFFFC000  }
0xfe: {  	s3 =	sadd.s32 $0x1, s3  }
0xff: {  	p0 =	sne.s32 s3, $0x9  }
.Ltmp3:
0x100: {  	_ = 	snop;
	(pc) =	sbr.rel @p0 .LBB2_2-.Ltmp3, $1  }
0x101: {  	_ =	sdelay $0x3  }
0x102: {  	[bflag:$0x0] =	sbarrier.arrive $0xFFFF  }
0x103: {  	s3 =	rddreg [dreg:$0x7]  }
0x104: {  	s12 =	rddreg [dreg:$0xa]  }
0x105: {  	[hbm:s3], [sflag:s11] =	dma.local [spmem:s12], $0x2780  }
0x106: {  	_ =	swait.ge [sflag:s18], $0x2780  }
0x107: {  	[sflag:s18] =	ssyncset.done $0x0;
	s17 =	rddreg [dreg:$0x8]  }
0x108: {  	s10 =	rddreg [dreg:$0xb];
	[sflag:s18] =	ssyncadd.s32 $0xFFFFD880  }
0x109: {  	[hbm:s17], [sflag:s11] =	dma.local [spmem:s10], $0x4F0  }
0x10a: {  	_ =	swait.ge [sflag:s18], $0x4F0  }
0x10b: {  	s5 =	sadd.s32 $0x1, s5;
	s19 =	rddreg [dreg:$0x9]  }
0x10c: {  	p0 =	sne.s32 s5, s19  }
.Ltmp4:
0x10d: {  	_ = 	snop;
	(pc) =	sbr.rel @p0 .LBB2_1-.Ltmp4, $3  }
0x10e: {  	_ =	sdelay $0x1  }
0x10f: {  	[sflag:s18] =	ssyncset.done $0x0  }
0x110: {  	[sflag:s18] =	ssyncadd.s32 $0xFFFFFB10  }
0x111: {  	_ =	sfence.sel $0x180000  }
0x112: {  	[bflag:$0x0] =	sbarrier.arrive $0xFFFF  }
0x113: {  	_ =	strace $0x9000004A  }
0x114: {  	s0 =	stileid.u32;
	[bflag:$0x2] =	sbarrier.arrive $0xFFFF  }
0x115: {  	p0 =	sne.s32 s0, $0x0;
	s0 =	rddreg [dreg:$0x4]  }
0x116: {  	s0 =	sadd.s32 @!p0 $0x100000, s0  }
0x117: {  	[sflag:s0] =	ssyncadd.tile.s32 @!p0 $0x1;
	_ =	shalt  }
.Lfunc_end2:
_tile_overlayer_lowered:
.L_overlay_start_2:
0x118: {  	(tag) =	ssettag $0x2  }
0x119: {  	s0 =	rddreg [dreg:$0x0];
	s2 =	stileid.u32  }
0x11a: {  	s1 =	rddreg [dreg:$0x1];
	p0 =	sne.s32 s2, $0x0  }
0x11b: {  	s3 =	rddreg [dreg:$0x2];
	[bflag:$0x3] =	sbarrier.arrive $0xFFFF;
	s2 =	simm.s32 @!p0 $0x1C06  }
0x11c: {  	[timem:s3], [sflag:s2] =	dma.local @!p0 [hbm:s0], s1  }
0x11d: {  	s0 =	simm.s32 @!p0 $0x6  }
0x11e: {  	_ =	swait.ge @!p0 [sflag:s0], s1  }
0x11f: {  	s1 =	ssub.s32 @!p0 $0x0, s1;
	[sflag:s0] =	ssyncset.done @!p0 $0x0  }
0x120: {  	[sflag:s0] =	ssyncadd.s32 @!p0 s1  }
0x121: {  	[bflag:$0x3] =	sbarrier.arrive $0xFFFF  }
0x122: {  	_ =	shalt  }

// kernel: kernel.15.cloned.1.call-start
scs
__scs_entry_jumppad:
0x0: {  	(pc) =	sbr.rel $0x88, $3  }
0x1: {  	(tag) =	ssettag $0x0;
	lr =	simm.s32 $0x1  }
0x2: {  	[smem:$0x3F8E] =	sst lr;
	_ =	strace $0xD0000000  }
0x3: {  	_ = 	snop  }
0x4: {  	_ = 	snop  }
0x5: {  	_ = 	snop  }
0x6: {  	_ = 	snop  }
0x7: {  	_ = 	snop  }
__scs_overlays_trampoline_lowered:
0x8: {  	[smem:$0x3F9D] =	sst s0  }
0x9: {  	[smem:$0x3F9E] =	sst s1  }
0xa: {  	[smem:$0x3F9F] =	sst s2  }
0xb: {  	[smem:$0x3FA0] =	sst s3  }
0xc: {  	[smem:$0x3FA1] =	sst s4  }
0xd: {  	[smem:$0x3FA2] =	sst s5  }
0xe: {  	[smem:$0x3FA3] =	sst s6  }
0xf: {  	[smem:$0x3FA4] =	sst s7  }
0x10: {  	[smem:$0x3FA5] =	sst s8  }
0x11: {  	[smem:$0x3FA6] =	sst s9;
	s0 =	simm.s32 @!p0 $0x0  }
0x12: {  	s1 =	sld [smem:$0x3F8C];
	s0 =	simm.s32 @p0 $0x1  }
0x13: {  	[smem:$0x3FA7] =	sst s0;
	s0 =	simm.s32 @!p1 $0x0  }
0x14: {  	s2 =	sld [smem:$0x3F8B];
	s0 =	simm.s32 @p1 $0x1  }
0x15: {  	[smem:$0x3FA8] =	sst s0;
	s0 =	simm.s32 @!p2 $0x0  }
0x16: {  	s3 =	sld [smem:$0x3FDB];
	s0 =	simm.s32 @p2 $0x1  }
0x17: {  	s4 =	simm.s32 $0x1BF5;
	[smem:$0x3FAA] =	sst s0  }
0x18: {  	s0 =	sld [smem:$0x3F8D];
	_ =	swait.ge [sflag:s4], $0x0  }
0x19: {  	s7 =	sld [smem:$0x3F8E]  }
0x1a: {  	s8 =	sadd.s32 $0xFFFFE003, lr  }
0x1b: {  	s9 =	sadd.s32 $0xFFFFFEF7, lr;
	s5 =	simm.s32 $0xFFFFFFFF;
	p2 =	slt.u32 s8, $0xFFFFF086  }
0x1c: {  	p1 =	slt.u32 s9, $0xF7A;
	s5 =	simm.s32 @!p2 $0x0  }
0x1d: {  	s5 =	simm.s32 @p1 $0x1;
	p0 =	seq.s32 s7, s2  }
0x1e: {  	s7 =	smul.u32 @!p0 $0xF7A, s2;
	p2 =	seq.s32 @!p0 s5, $0x0  }
0x1f: {  	s9 =	smul.u32 $0xF7A, s1;
	s8 =	simm.s32 @!p0 $0x1BF5;
	p2 =	por !p2, p0  }
0x20: {  	[sflag:s8] =	ssyncset.s32 @!p0 $0xFFFFF086;
	s6 =	sadd.s32 @!p0 s3, s7;
	s7 =	simm.s32 @!p0 $0x108  }
0x21: {  	s3 =	sadd.s32 s3, s9;
	s6 =	sadd.s32 @!p0 $0x88, s6;
	s7 =	simm.s32 @p2 $0x1082  }
0x22: {  	[simem:s7], [sflag:s8] =	dma.local @!p0 [hbm:s6], $0xF7A  }
0x23: {  	s9 =	sor.u32 $0xD0000000, s2;
	s6 =	simm.s32 $0x108;
	_ =	swait.ge @!p0 [sflag:s8], $0x0  }
0x24: {  	s3 =	sadd.s32 $0x88, s3;
	s6 =	simm.s32 @!p1 $0x1082;
	[sflag:s4] =	ssyncset.s32 $0xFFFFF086  }
0x25: {  	[simem:s6], [sflag:s4] =	dma.local [hbm:s3], $0xF7A  }
0x26: {  	[smem:$0x3F8E] =	sst s1;
	(tag) =	ssettag s2;
	_ =	strace s9  }
0x27: {  	s1 =	sld [smem:$0x3F9E]  }
0x28: {  	s2 =	sld [smem:$0x3F9F]  }
0x29: {  	s4 =	sld [smem:$0x3FA1]  }
0x2a: {  	p0 =	seq.s32 s5, $0x0;
	s5 =	sld [smem:$0x3FA2]  }
0x2b: {  	s6 =	sld [smem:$0x3FA3]  }
0x2c: {  	s7 =	sld [smem:$0x3FA4]  }
0x2d: {  	s3 =	simm.s32 $0x108;
	s8 =	sld [smem:$0x3FA5]  }
0x2e: {  	s3 =	simm.s32 @!p0 $0x1082;
	s9 =	sld [smem:$0x3FA6]  }
0x2f: {  	lr =	sadd.s32 s0, s3;
	s0 =	sld [smem:$0x3F9D]  }
0x30: {  	s3 =	sld [smem:$0x3FA0]  }
0x31: {  	[smem:$0x3FA9] =	sst s10  }
0x32: {  	s10 =	sld [smem:$0x3FA7];
	_ =	sdelay $0x3  }
0x33: {  	p0 =	seq.s32 s10, $0x1;
	s10 =	sld [smem:$0x3FA9];
	_ =	sdelay $0x3  }
0x34: {  	[smem:$0x3FA9] =	sst s10  }
0x35: {  	s10 =	sld [smem:$0x3FA8];
	_ =	sdelay $0x3  }
0x36: {  	p1 =	seq.s32 s10, $0x1;
	s10 =	sld [smem:$0x3FA9];
	_ =	sdelay $0x3  }
0x37: {  	[smem:$0x3FA9] =	sst s10  }
0x38: {  	s10 =	sld [smem:$0x3FAA]  }
0x39: {  	_ = 	snop;
	(pc) =	sbr.ind lr, $3  }
0x3a: {  	_ = 	snop  }
0x3b: {  	_ = 	snop  }
0x3c: {  	p2 =	seq.s32 s10, $0x1;
	s10 =	sld [smem:$0x3FA9]  }
0x3d: {  	_ =	shalt  }
0x3e: {  	_ =	shalt  }
0x3f: {  	_ =	shalt  }
0x40: {  	_ =	shalt  }
0x41: {  	_ =	shalt  }
0x42: {  	_ =	shalt  }
0x43: {  	_ =	shalt  }
0x44: {  	_ =	shalt  }
0x45: {  	_ =	shalt  }
0x46: {  	_ =	shalt  }
0x47: {  	_ =	shalt  }
0x48: {  	_ =	shalt  }
0x49: {  	_ =	shalt  }
0x4a: {  	_ =	shalt  }
0x4b: {  	_ =	shalt  }
0x4c: {  	_ =	shalt  }
0x4d: {  	_ =	shalt  }
0x4e: {  	_ =	shalt  }
0x4f: {  	_ =	shalt  }
0x50: {  	_ =	shalt  }
0x51: {  	_ =	shalt  }
0x52: {  	_ =	shalt  }
0x53: {  	_ =	shalt  }
0x54: {  	_ =	shalt  }
0x55: {  	_ =	shalt  }
0x56: {  	_ =	shalt  }
0x57: {  	_ =	shalt  }
0x58: {  	_ =	shalt  }
0x59: {  	_ =	shalt  }
0x5a: {  	_ =	shalt  }
0x5b: {  	_ =	shalt  }
0x5c: {  	_ =	shalt  }
0x5d: {  	_ =	shalt  }
0x5e: {  	_ =	shalt  }
0x5f: {  	_ =	shalt  }
0x60: {  	_ =	shalt  }
0x61: {  	_ =	shalt  }
0x62: {  	_ =	shalt  }
0x63: {  	_ =	shalt  }
0x64: {  	_ =	shalt  }
0x65: {  	_ =	shalt  }
0x66: {  	_ =	shalt  }
0x67: {  	_ =	shalt  }
0x68: {  	_ =	shalt  }
0x69: {  	_ =	shalt  }
0x6a: {  	_ =	shalt  }
0x6b: {  	_ =	shalt  }
0x6c: {  	_ =	shalt  }
0x6d: {  	_ =	shalt  }
0x6e: {  	_ =	shalt  }
0x6f: {  	_ =	shalt  }
0x70: {  	_ =	shalt  }
0x71: {  	_ =	shalt  }
0x72: {  	_ =	shalt  }
0x73: {  	_ =	shalt  }
0x74: {  	_ =	shalt  }
0x75: {  	_ =	shalt  }
0x76: {  	_ =	shalt  }
0x77: {  	_ =	shalt  }
0x78: {  	_ =	shalt  }
0x79: {  	_ =	shalt  }
0x7a: {  	_ =	shalt  }
0x7b: {  	_ =	shalt  }
0x7c: {  	_ =	shalt  }
0x7d: {  	_ =	shalt  }
0x7e: {  	_ =	shalt  }
0x7f: {  	_ =	shalt  }
0x80: {  	_ =	shalt  }
0x81: {  	_ =	shalt  }
0x82: {  	_ =	shalt  }
0x83: {  	_ =	shalt  }
0x84: {  	_ =	shalt  }
0x85: {  	_ =	shalt  }
0x86: {  	_ =	shalt  }
0x87: {  	_ =	shalt  }
.Lfunc_end0:
.L_simem_size_0:
called_computation.2_lowered:
.L_overlay_start_0:
0x88: {  	s2 =	sld [smem:$0x3FD9]  }
0x89: {  	s3 =	sld [smem:$0x3FFE];
	_ =	sdelay $0x1  }
0x8a: {  	s1 =	srdreg.scid  }
0x8b: {  	s0 =	sand.u32 $0x1, s1  }
0x8c: {  	s17 =	sshll.u32 s0, $0xA;
	s2 =	sadd.s32 s3, s2  }
0x8d: {  	s2 =	sadd.s32 s2, s17  }
0x8e: {  	[smem:$0x3FB5] =	sst s2  }
0x8f: {  	_ = 	snop  }
0x90: {  	s2 =	sld [smem:$0x3FD0];
	(tm) =	ssettm $0x1  }
0x91: {  	s18 =	sld [smem:$0x3FFB];
	_ =	sdelay $0x3  }
0x92: {  	_ =	strace s18  }
0x93: {  	s3 =	sld [smem:$0x3FFC];
	_ =	sdelay $0x3  }
0x94: {  	_ =	strace s3  }
0x95: {  	s3 =	sld [smem:$0x3FFD];
	_ =	sdelay $0x3  }
0x96: {  	_ =	strace s3  }
0x97: {  	_ =	strace $0x8FFFFFFF  }
0x98: {  	s19 =	sld [smem:$0x3FDB];
	_ =	sdelay $0x1  }
0x99: {  	s4 =	simm.s32 $_scs_section_size  }
0x9a: {  	s5 =	simm.s32 $_size__tile_overlayer_lowered;
	s6 =	simm.s32 $_tile_overlayer_lowered  }
0x9b: {  	s22 =	simm.s32 $0x1BFF;
	s21 =	sshll.u32 s6, $0x1;
	s3 =	sadd.s32 s4, s19  }
0x9c: {  	s7 =	simm.s32 $0x0;
	s20 =	sshll.u32 s5, $0x1;
	s5 =	sadd.s32 s21, s3  }
0x9d: {  	[timem:s7], [sflag:s22] =	dma.local [hbm:s5], s20  }
0x9e: {  	_ =	swait.ge [sflag:s22], s20  }
0x9f: {  	s4 =	ssub.s32 $0x0, s20;
	[sflag:s22] =	ssyncset.done $0x0  }
0xa0: {  	[sflag:s22] =	ssyncadd.s32 s4;
	_ =	sdelay $0x1  }
0xa1: {  	s23 =	simm.s32 $0x1B8B  }
0xa2: {  	_ =	swait.ge [sflag:s23], $0x1  }
0xa3: {  	[sflag:s23] =	ssyncset.done $0x0  }
0xa4: {  	s25 =	simm.s32 $0x1B8E;
	s24 =	sld [smem:$0x3FFE];
	[sflag:s23] =	ssyncadd.s32 $0xFFFFFFFF  }
0xa5: {  	s26 =	simm.s32 $execute0_lowered;
	[smem:$0x3FD2] =	sst s25  }
0xa6: {  	s5 =	sshll.u32 s26, $0x1;
	_ =	strace $0x8000004C;
	[dreg:$0x1] =	wrdreg $0xFFFFFFFF  }
0xa7: {  	s28 =	simm.s32 $_size_execute0_lowered;
	s3 =	sadd.s32 s3, s5;
	[dreg:$0x0] =	wrdreg $0x0  }
0xa8: {  	s5 =	sshll.u32 s28, $0x1;
	[dreg:$0x2] =	wrdreg s3  }
0xa9: {  	[dreg:$0x3] =	wrdreg s5  }
0xaa: {  	[dreg:$0x4] =	wrdreg $0xC0  }
0xab: {  	_ =	task [dreg:s7], $0x5FFFF  }
0xac: {  	[dreg:$0x1] =	wrdreg $0xFFFFFFFF  }
0xad: {  	[dreg:$0x0] =	wrdreg $0x60  }
0xae: {  	[dreg:$0x2] =	wrdreg s24  }
0xaf: {  	[dreg:$0x3] =	wrdreg s2  }
0xb0: {  	[dreg:$0x4] =	wrdreg $0x0  }
0xb1: {  	[dreg:$0x5] =	wrdreg $0x13C000  }
0xb2: {  	[dreg:$0x6] =	wrdreg $0x9  }
0xb3: {  	_ =	task.clear_ibuf [dreg:s7], $0x7FFFF;
	_ =	strace $0x9000004C  }
0xb4: {  	s29 =	simm.s32 $0x9;
	_ =	strace $0x8000004E  }
0xb5: {  	_ =	swait.ge [sflag:s29], $0x1  }
0xb6: {  	[sflag:s29] =	ssyncadd.s32 $0xFFFFFFFF  }
0xb7: {  	_ =	strace $0x9000004E  }
0xb8: {  	_ =	sfence  }
0xb9: {  	s30 =	sld [smem:$0x0];
	_ =	sdelay $0x2  }
0xba: {  	s31 =	sshll.u32 s1, $0xD;
	s1 =	sshrl.u32 s1, $0x2  }
0xbb: {  	s3 =	sand.u32 $0x4000, s31;
	s1 =	sadd.s32 s1, s30  }
0xbc: {  	s0 =	sor.u32 s3, s0;
	s1 =	sshll.u32 s1, $0x11  }
0xbd: {  	s0 =	sor.u32 s1, s0  }
0xbe: {  	s0 =	sadd.s32 $0x8F2B, s0  }
0xbf: {  	[sflag:s0] =	ssyncadd.remote.s32 $0x1  }
0xc0: {  	_ =	sfence.sel $0xFFFF  }
0xc1: {  	[dreg:$0x0] =	wrdreg $0xFFFFFFFF;
	(pc) =	sbr.abs _section_cstart, $3  }
0xc2: {  	[dreg:$0x1] =	wrdreg $0xFFFFFFFF  }
0xc3: {  	_ =	task.clear_ibuf [dreg:s7], $0x2FFFF;
	_ =	strace $0x9FFFFFFF  }
0xc4: {  	(tm) =	ssettm $0x7FFFFFFF  }
0xc5: {  	_ =	shalt  }
tec
execute0_lowered:
.L_overlay_start_1:
0x0: {  	(tag) =	ssettag $0x1  }
0x1: {  	s0 =	rddreg [dreg:$0x0]  }
0x2: {  	s1 =	rddreg [dreg:$0x1]  }
0x3: {  	s2 =	rddreg [dreg:$0x2]  }
0x4: {  	s4 =	rddreg [dreg:$0x3];
	s5 =	simm.s32 $0x0  }
0x5: {  	s18 =	stileid.u32;
	s7 =	srdreg.scid;
	s20 =	simm.s32 $0x16380  }
0x6: {  	s21 =	simm.s32 $0x16800;
	s28 =	simm.s32 $0x3;
	s29 =	simm.s32 $0x17C80  }
0x7: {  	s30 =	simm.s32 $0x1;
	s31 =	simm.s32 $0x4;
	s3 =	smul.u32 $0x13C00, s18  }
0x8: {  	[smem:$0x7FF] =	sst s5;
	s6 =	sadd.s32 $0x18400, s0;
	s10 =	smul.u32 $0x2780, s18  }
0x9: {  	s11 =	sand.u32 $0x1, s7;
	s7 =	sadd.s32 $0xE200, s0;
	s8 =	sadd.s32 $0x9200, s0  }
0xa: {  	s9 =	sadd.s32 $0x4200, s0;
	s17 =	sshll.u32 s18, $0x1;
	s24 =	sshll.u32 s18, $0x6  }
0xb: {  	s18 =	simm.s32 $0x6;
	_ =	strace $0x8000004D;
	s12 =	smul.u32 $0x13C000, s11  }
0xc: {  	s14 =	smul.u32 $0x27800, s11;
	s16 =	ssub.s32 $0x2, s11;
	s23 =	sor.u32 s11, s17  }
0xd: {  	s11 =	sor.u32 $0x1C06, s24;
	s24 =	simm.s32 $0x16C80;
	s13 =	sshrl.u32 s3, $0x3  }
0xe: {  	s15 =	sshrl.u32 s10, $0x3;
	s22 =	sshrl.u32 s16, $0x1;
	s13 =	sadd.s32 s13, s0  }
0xf: {  	vm0 =	vcmask $0x1F00;
	v0 =	vimm.f32 $-7.499999890e+30;
	v1 =	vimm.s32 $0xFEDCBA98;
	s12 =	sadd.s32 s3, s12;
	s15 =	sadd.s32 s15, s0;
	s14 =	sadd.s32 s10, s14  }
0x10: {  	vm1 =	vcmask $0x2320;
	vm10 =	vcmask $0x2724;
	vm11 =	vcmask $0x2B28;
	s3 =	sadd.s32 s3, s2;
	s10 =	sadd.s32 s10, s4;
	s12 =	sshrl.u32 s12, $0x3  }
0x11: {  	vm12 =	vcmask $0x2F2C;
	vm13 =	vcmask $0x3330;
	v0 =	vsel vm0, $0x0, v0;
	s14 =	sshrl.u32 s14, $0x3;
	s13 =	sadd.s32 $0x22600, s13;
	s25 =	sadd.s32 $0x49E00, s15  }
0x12: {  	vm14 =	vcmask $0x3734;
	v1 =	vunpack.c.l.s4.s8 v1;
	v0 =	vsel vm1, $0xF0C9F2CA, v0;
	s10 =	sshrl.u32 s10, $0x3;
	s12 =	sadd.s32 s12, s0;
	[dreg:$0x5] =	wrdreg s13  }
0x13: {  	vm15 =	vcmask $0x3B38;
	v3 =	vimm.s32 $0x1;
	v0 =	vsel vm10, $0xF1977618, v0;
	s0 =	sadd.s32 s14, s0;
	s14 =	ssub.s32 s16, s22;
	[dreg:$0x6] =	wrdreg s25  }
0x14: {  	v4 =	vimm.s32 $0x2;
	v1 =	vunpack.c.0.s8.s32 v1;
	v0 =	vsel vm11, $0xF1FC6F7C, v0;
	s13 =	smul.u32 $0x2880, s23;
	[dreg:$0xb] =	wrdreg s10;
	s12 =	sadd.s32 $0x58C00, s12  }
0x15: {  	v5 =	vimm.s32 $0x3;
	v6 =	vimm.s32 $0x4;
	v0 =	vsel vm12, $0xF230B471, v0;
	s22 =	simm.s32 $0x80;
	s0 =	sadd.s32 $0x4EE00, s0;
	[dreg:$0x7] =	wrdreg s12  }
0x16: {  	v7 =	vimm.s32 $0x5;
	v1 =	vand.u32 $0xF, v1;
	v2 =	vsel vm13, $0xF2633123, v0;
	s23 =	simm.s32 $0x18480;
	s26 =	smax.u32 s14, $0x1;
	[dreg:$0x8] =	wrdreg s0  }
0x17: {  	v8 =	vimm.s32 $0x6;
	v0 =	vnsel vm0, $0xF, v1;
	s25 =	simm.s32 $0x17480;
	v1 =	vsel vm14, $0xF28AD6EB, v2;
	[dreg:$0x9] =	wrdreg s26;
	s12 =	sshrl.u32 s3, $0x3  }
0x18: {  	v9 =	vimm.s32 $0x7;
	v2 =	vimm.s32 $0x0;
	v1 =	vsel vm15, $0xF2A41544, v1;
	s26 =	simm.s32 $0x2;
	s0 =	simm.s32 $0x5;
	[dreg:$0xa] =	wrdreg s12  }
.LBB2_1:
0x19: {  	s3 =	rddreg [dreg:$0x5]  }
0x1a: {  	[spmem:s12], [sflag:s11] =	dma.local [hbm:s3], $0x2780  }
0x1b: {  	_ =	swait.ge [sflag:s18], $0x2780  }
0x1c: {  	[sflag:s18] =	ssyncset.done $0x0  }
0x1d: {  	s19 =	rddreg [dreg:$0x6];
	[sflag:s18] =	ssyncadd.s32 $0xFFFFD880  }
0x1e: {  	[spmem:s10], [sflag:s11] =	dma.local [hbm:s19], $0x4F0  }
0x1f: {  	_ =	swait.ge [sflag:s18], $0x4F0  }
0x20: {  	[sflag:s18] =	ssyncset.done $0x0  }
0x21: {  	[sflag:s18] =	ssyncadd.s32 $0xFFFFFB10  }
0x22: {  	s3 =	simm.s32 $0x0;
	[bflag:$0x0] =	sbarrier.arrive $0xFFFF  }
.LBB2_2:
0x23: {  	s10 =	smul.u32 $0x480, s3;
	_ =	sdelay $0x1  }
0x24: {  	s10 =	sadd.s32 s13, s10  }
0x25: {  	s12 =	sshrl.u32 s10, $0x3  }
0x26: {  	s10 =	simm.s32 $0x0;
	s14 =	sadd.s32 s6, s12  }
0x27: {  	[tilespmem:s20], [sflag:$0x6] =	stream.linear.gather [hbm4b:s14+s10], $0x480, $0x38;
	[tilespmem:$0x1C480] =	vst v63  }
0x28: {  	_ =	swait.ge [sflag:s18], $0x480  }
0x29: {  	[sflag:s18] =	ssyncset.done $0x0  }
0x2a: {  	s12 =	sadd.s32 s7, s12;
	[sflag:s18] =	ssyncadd.s32 $0xFFFFFB80  }
0x2b: {  	[tilespmem:s21], [sflag:$0x6] =	stream.linear.gather [hbm4b:s12+s10], $0x480, $0x38;
	[tilespmem:$0x1C480] =	vst v63  }
0x2c: {  	_ =	swait.ge [sflag:s18], $0x480  }
0x2d: {  	[sflag:s18] =	ssyncset.done $0x0  }
0x2e: {  	[sflag:s18] =	ssyncadd.s32 $0xFFFFFB80  }
.LBB2_3:
0x2f: {  	s12 =	sshll.u32 s10, $0x7  }
0x30: {  	s14 =	sadd.s32 $0x16380, s12  }
0x31: {  	[tilespmem:s23], [sflag:$0x1] =	stream.indirect.gather [hbm4b:s1+s22], $0x80, s14, s22, $0xb8;
	[tilespmem:$0x1C480] =	vst v63  }
0x32: {  	_ = 	snop  }
0x33: {  	[tilespmem:s24], [sflag:$0x2] =	stream.indirect.gather [hbm4b:s8+s22], $0x10, s14, s22, $0xb8;
	[tilespmem:$0x1C480] =	vst v63  }
0x34: {  	s12 =	sadd.s32 $0x16800, s12  }
0x35: {  	[tilespmem:s25], [sflag:$0x3] =	stream.indirect.gather [hbm4b:s9+s22], $0x10, s12, s22, $0xb8;
	[tilespmem:$0x1C480] =	vst v63  }
0x36: {  	_ =	swait.ge [sflag:s26], $0x800  }
0x37: {  	[sflag:s26] =	ssyncset.done $0x0  }
0x38: {  	[sflag:s26] =	ssyncadd.s32 $0xFFFFF800  }
0x39: {  	_ =	swait.ge [sflag:s28], $0x800  }
0x3a: {  	[sflag:s28] =	ssyncset.done $0x0  }
0x3b: {  	s16 =	simm.s32 $0x16CC0;
	[sflag:s28] =	ssyncadd.s32 $0xFFFFF800  }
0x3c: {  	v10 =	vld [tilespmem:s16+$0xFFFFFFD0]  }
0x3d: {  	s15 =	simm.s32 $0x174C0;
	v11 =	vld [tilespmem:s16+$0xFFFFFFC0]  }
0x3e: {  	v13 =	vld [tilespmem:s15+$0x30]  }
0x3f: {  	v14 =	vld [tilespmem:s15+$0x0]  }
0x40: {  	v15 =	vld [tilespmem:s15+$0xFFFFFFF0]  }
0x41: {  	v16 =	vld [tilespmem:s15+$0xFFFFFFC0]  }
0x42: {  	v17 =	vld [tilespmem:s15+$0xFFFFFFE0]  }
0x43: {  	v18 =	vld [tilespmem:s15+$0xFFFFFFD0]  }
0x44: {  	v20 =	vld [tilespmem:s16+$0xFFFFFFF0]  }
0x45: {  	v21 =	vld [tilespmem:s16+$0xFFFFFFE0]  }
0x46: {  	v24 =	vld [tilespmem:s16+$0x0]  }
0x47: {  	v19 =	vld [tilespmem:s16+$0x30]  }
0x48: {  	v12 =	vld [tilespmem:s15+$0x10]  }
0x49: {  	v11 =	vadd.f32 v16, v11;
	v16 =	vld [tilespmem:s16+$0x10];
	v18 =	vadd.f32 v18, v10  }
0x4a: {  	v15 =	vadd.f32 v15, v20;
	v17 =	vadd.f32 v17, v21  }
0x4b: {  	v22 =	vld [tilespmem:s15+$0x20];
	v14 =	vadd.f32 v14, v24;
	v23 =	vmul.f32 $2.000000030e-01, v11;
	v10 =	vperm.xlane v11, v0  }
0x4c: {  	v13 =	vadd.f32 v13, v19;
	v19 =	vld [tilespmem:s16+$0x20];
	v20 =	vperm.xlane v18, v0;
	v21 =	vperm.xlane v15, v0  }
0x4d: {  	v25 =	vmul.f32 $2.000000030e-01, v17;
	v26 =	vmul.f32 $2.000000030e-01, v14  }
0x4e: {  	v11 =	vmax.f32 v11, v23;
	v23 =	vmul.f32 $2.000000030e-01, v18;
	v12 =	vadd.f32 v12, v16  }
0x4f: {  	s17 =	simm.s32 $0x16D40;
	v29 =	vperm.xlane v13, v0;
	v11 =	vsub.f32 v11, v10;
	v10 =	vmul.f32 $2.000000030e-01, v15  }
0x50: {  	s19 =	simm.s32 $0x17540;
	v27 =	vld [tilespmem:s17+$0xFFFFFFC0];
	v16 =	vmul.f32 $2.000000030e-01, v13;
	v18 =	vmax.f32 v18, v23;
	v24 =	vmul.f32 $2.000000030e-01, v12  }
0x51: {  	v28 =	vld [tilespmem:s19+$0x10];
	v10 =	vmax.f32 v15, v10;
	v15 =	vadd.f32 v22, v19;
	v22 =	vperm.xlane v17, v0  }
0x52: {  	v30 =	vld [tilespmem:s19+$0xFFFFFFE0];
	v17 =	vmax.f32 v17, v25;
	v18 =	vsub.f32 v18, v20;
	v21 =	vsub.f32 v10, v21  }
0x53: {  	v23 =	vld [tilespmem:s19+$0x30];
	v11 =	vadd.f32 v1, v11;
	v25 =	vmul.f32 $2.000000030e-01, v15;
	v17 =	vsub.f32 v17, v22  }
0x54: {  	v19 =	vld [tilespmem:s17+$0xFFFFFFD0];
	v13 =	vmax.f32 v13, v16;
	v22 =	vperm.xlane v15, v0;
	v21 =	vadd.f32 v1, v21  }
0x55: {  	v16 =	vld [tilespmem:s19+$0xFFFFFFD0];
	v10 =	vperm.xlane v12, v0;
	v15 =	vmax.f32 v15, v25;
	v17 =	vadd.f32 v1, v17  }
0x56: {  	v13 =	vsub.f32 v13, v29;
	v15 =	vsub.f32 v15, v22;
	v20 =	vmul.f32 $1.442695020e+00, v21;
	v21 =	vld [tilespmem:s19+$0xFFFFFFC0]  }
0x57: {  	v18 =	vadd.f32 v1, v18;
	v11 =	vmul.f32 $1.442695020e+00, v11;
	v25 =	vld [tilespmem:s19+$0x0];
	v17 =	vmul.f32 $1.442695020e+00, v17  }
0x58: {  	v13 =	vadd.f32 v1, v13;
	v22 =	vld [tilespmem:s19+$0xFFFFFFF0];
	v15 =	vadd.f32 v1, v15;
	(erf) = vpow2.f32 v20  }
0x59: {  	v20 =	vmul.f32 $1.442695020e+00, v18;
	v18 =	vmax.f32 v12, v24;
	v24 =	vld [tilespmem:s17+$0x10];
	(erf) = vpow2.f32 v17  }
0x5a: {  	v12 =	vperm.xlane v14, v0;
	v14 =	vmax.f32 v14, v26;
	v17 =	vld [tilespmem:s17+$0x30];
	(erf) = vpow2.f32 v11  }
0x5b: {  	v15 =	vmul.f32 $1.442695020e+00, v15;
	v11 =	vadd.f32 v21, v27;
	v27 =	vld [tilespmem:s17+$0xFFFFFFF0];
	(erf) = vpow2.f32 v20  }
0x5c: {  	v13 =	vmul.f32 $1.442695020e+00, v13;
	v26 =	vld [tilespmem:s17+$0x0];
	v14 =	vsub.f32 v14, v12  }
0x5d: {  	v21 =	vadd.f32 v16, v19;
	v19 =	vld [tilespmem:s17+$0xFFFFFFE0];
	(erf) = vpow2.f32 v15;
	v20 =	vmul.f32 $2.000000030e-01, v11  }
0x5e: {  	v31 =	vld [tilespmem:s19+$0x20];
	v15 =	vperm.xlane v11, v0;
	(erf) = vpow2.f32 v13;
	v13 =	vadd.f32 v28, v24  }
0x5f: {  	v32 =	vld [tilespmem:s17+$0x20];
	v12 =	vadd.f32 v23, v17;
	v23 =	vmul.f32 $2.000000030e-01, v21;
	v11 =	vmax.f32 v11, v20  }
0x60: {  	v17 =	vmul.f32 $2.000000030e-01, v13;
	v27 =	vadd.f32 v22, v27;
	v22 =	vperm.xlane v21, v0  }
0x61: {  	s14 =	simm.s32 $0x17CC0;
	v16 =	vmul.f32 $2.000000030e-01, v12;
	v20 =	vsub.f32 v11, v15;
	v15 =	vadd.f32 v25, v26;
	v24 =	vpop (erf)  }
0x62: {  	v25 =	vadd.f32 v30, v19;
	v29 =	vmul.f32 $2.000000030e-01, v27;
	v26 =	vpop (erf);
	v28 =	vperm.xlane v27, v0;
	[tilespmem:s14+$0xFFFFFFF0] =	vst v24  }
0x63: {  	s15 =	simm.s32 $0x17CC0;
	v19 =	vmul.f32 $2.000000030e-01, v15;
	v24 =	vperm.xlane v13, v0;
	v11 =	vpop (erf);
	[tilespmem:s14+$0xFFFFFFE0] =	vst v26;
	v26 =	vadd.f32 v1, v14  }
0x64: {  	s16 =	simm.s32 $0x8;
	s19 =	simm.s32 $0x16DC0;
	s17 =	simm.s32 $0x175C0;
	v30 =	vmax.f32 v27, v29;
	v29 =	vmul.f32 $2.000000030e-01, v25;
	v27 =	vadd.f32 v31, v32;
	v14 =	vpop (erf)  }
.LBB2_4:
0x65: {  	v31 =	vld [tilespmem:s19+$0xFFFFFFD0];
	s16 =	sadd.s32 $0x8, s16;
	v32 =	vperm.xlane v25, v0;
	v28 =	vsub.f32 v30, v28;
	v18 =	vsub.f32 v18, v10;
	s14 =	sadd.s32 $0x80, s14;
	v10 =	vmovc v24  }
0x66: {  	v21 =	vmax.f32 v21, v23;
	v24 =	vld [tilespmem:s19+$0xFFFFFFC0];
	p0 =	slt.u32 s16, $0x78;
	v23 =	vmul.f32 $2.000000030e-01, v27;
	v30 =	vperm.xlane v27, v0;
	v33 =	vpop (erf)  }
0x67: {  	v25 =	vmax.f32 v25, v29;
	v34 =	vld [tilespmem:s17+$0x10];
	v28 =	vadd.f32 v1, v28;
	v18 =	vadd.f32 v1, v18;
	[tilespmem:s15+$0x20] =	vst v33;
	v29 =	vpop (erf)  }
0x68: {  	v21 =	vsub.f32 v21, v22;
	v22 =	vsub.f32 v25, v32;
	v33 =	vld [tilespmem:s17+$0x30];
	v23 =	vmax.f32 v27, v23;
	[tilespmem:s15+$0x30] =	vst v29  }
0x69: {  	v26 =	vmul.f32 $1.442695020e+00, v26;
	v25 =	vld [tilespmem:s17+$0x0];
	v23 =	vsub.f32 v23, v30;
	v18 =	vmul.f32 $1.442695020e+00, v18  }
0x6a: {  	v21 =	vadd.f32 v1, v21;
	v22 =	vadd.f32 v1, v22;
	v28 =	vmul.f32 $1.442695020e+00, v28;
	v27 =	vld [tilespmem:s17+$0xFFFFFFF0]  }
0x6b: {  	v20 =	vadd.f32 v1, v20;
	v30 =	vperm.xlane v12, v0;
	v29 =	vld [tilespmem:s17+$0xFFFFFFC0];
	(erf) = vpow2.f32 v26  }
0x6c: {  	v22 =	vmul.f32 $1.442695020e+00, v22;
	v23 =	vadd.f32 v1, v23;
	v26 =	vld [tilespmem:s17+$0xFFFFFFE0];
	(erf) = vpow2.f32 v18  }
0x6d: {  	v20 =	vmul.f32 $1.442695020e+00, v20;
	v12 =	vmax.f32 v12, v16;
	v32 =	vld [tilespmem:s17+$0x20];
	(erf) = vpow2.f32 v28  }
0x6e: {  	v21 =	vmul.f32 $1.442695020e+00, v21;
	v12 =	vsub.f32 v12, v30;
	v16 =	vld [tilespmem:s17+$0xFFFFFFD0];
	(erf) = vpow2.f32 v22  }
0x6f: {  	v18 =	vmax.f32 v13, v17;
	v13 =	vmul.f32 $1.442695020e+00, v23;
	v22 =	vld [tilespmem:s19+$0x30];
	(erf) = vpow2.f32 v20  }
0x70: {  	v19 =	vmax.f32 v15, v19;
	v12 =	vadd.f32 v1, v12;
	v17 =	vadd.f32 v29, v24;
	v20 =	vld [tilespmem:s19+$0xFFFFFFF0]  }
0x71: {  	v15 =	vperm.xlane v15, v0;
	v24 =	vld [tilespmem:s19+$0x10];
	(erf) = vpow2.f32 v21  }
0x72: {  	v29 =	vmul.f32 $1.442695020e+00, v12;
	v23 =	vmul.f32 $2.000000030e-01, v17;
	v28 =	vld [tilespmem:s19+$0x0];
	[tilespmem:s15+$0xFFFFFFC0] =	vst v11  }
0x73: {  	v21 =	vadd.f32 v16, v31;
	v11 =	vld [tilespmem:s19+$0xFFFFFFE0];
	v31 =	vsub.f32 v19, v15;
	(erf) = vpow2.f32 v13  }
0x74: {  	v15 =	vperm.xlane v17, v0;
	v12 =	vadd.f32 v33, v22;
	(erf) = vpow2.f32 v29;
	[tilespmem:s15+$0xFFFFFFD0] =	vst v14;
	v13 =	vpop (erf)  }
0x75: {  	v14 =	vmax.f32 v17, v23;
	v23 =	vmul.f32 $2.000000030e-01, v21;
	v19 =	vadd.f32 v27, v20;
	v27 =	vld [tilespmem:s19+$0x20];
	[tilespmem:s15+$0x0] =	vst v13;
	v17 =	vpop (erf)  }
.Ltmp0:
0x76: {  	v22 =	vperm.xlane v21, v0;
	v13 =	vadd.f32 v34, v24;
	v16 =	vmul.f32 $2.000000030e-01, v12;
	v24 =	vpop (erf);
	[tilespmem:s15+$0x10] =	vst v17;
	s15 =	smov.u32 s14;
	(pc) =	sbr.rel @p0 .LBB2_4-.Ltmp0, $4  }
0x77: {  	v20 =	vsub.f32 v14, v15;
	v33 =	vmul.f32 $2.000000030e-01, v19;
	v15 =	vadd.f32 v25, v28;
	[tilespmem:s14+$0xFFFFFFF0] =	vst v24;
	v24 =	vpop (erf)  }
0x78: {  	v28 =	vperm.xlane v19, v0;
	v25 =	vadd.f32 v26, v11;
	v17 =	vmul.f32 $2.000000030e-01, v13;
	[tilespmem:s14+$0xFFFFFFE0] =	vst v24;
	v11 =	vpop (erf)  }
0x79: {  	v24 =	vperm.xlane v13, v0;
	v30 =	vmax.f32 v19, v33;
	v19 =	vmul.f32 $2.000000030e-01, v15  }
0x7a: {  	s17 =	sadd.s32 $0x80, s17;
	s19 =	sadd.s32 $0x80, s19;
	v26 =	vadd.f32 v1, v31;
	v29 =	vmul.f32 $2.000000030e-01, v25;
	v27 =	vadd.f32 v32, v27;
	v14 =	vpop (erf)  }
0x7b: {  	v31 =	vperm.xlane v25, v0  }
0x7c: {  	v28 =	vsub.f32 v30, v28;
	v10 =	vsub.f32 v18, v10;
	v18 =	vmax.f32 v21, v23  }
0x7d: {  	v20 =	vadd.f32 v1, v20;
	v21 =	vmul.f32 $2.000000030e-01, v27;
	v23 =	vperm.xlane v27, v0  }
0x7e: {  	v25 =	vmax.f32 v25, v29;
	v18 =	vsub.f32 v18, v22;
	v22 =	vmul.f32 $1.442695020e+00, v26  }
0x7f: {  	v26 =	vperm.xlane v12, v0;
	v28 =	vadd.f32 v1, v28;
	v25 =	vsub.f32 v25, v31  }
0x80: {  	v10 =	vadd.f32 v1, v10;
	v21 =	vmax.f32 v27, v21;
	v18 =	vadd.f32 v1, v18  }
0x81: {  	(erf) = vpow2.f32 v22;
	v21 =	vsub.f32 v21, v23;
	v23 =	vadd.f32 v1, v25  }
0x82: {  	v13 =	vmax.f32 v13, v17;
	v10 =	vmul.f32 $1.442695020e+00, v10;
	v25 =	vmul.f32 $1.442695020e+00, v28  }
0x83: {  	v12 =	vmax.f32 v12, v16;
	v16 =	vmul.f32 $1.442695020e+00, v18;
	v22 =	vmul.f32 $1.442695020e+00, v23  }
0x84: {  	v12 =	vsub.f32 v12, v26;
	(erf) = vpow2.f32 v10;
	v10 =	vmul.f32 $1.442695020e+00, v20  }
0x85: {  	v18 =	vadd.f32 v1, v21;
	v20 =	vperm.xlane v15, v0;
	(erf) = vpow2.f32 v25  }
0x86: {  	v12 =	vadd.f32 v1, v12;
	v15 =	vmax.f32 v15, v19;
	(erf) = vpow2.f32 v22  }
0x87: {  	v17 =	vmul.f32 $1.442695020e+00, v18;
	(erf) = vpow2.f32 v10;
	v10 =	vsub.f32 v15, v20  }
0x88: {  	v13 =	vsub.f32 v13, v24;
	v12 =	vmul.f32 $1.442695020e+00, v12;
	(erf) = vpow2.f32 v16  }
0x89: {  	(erf) = vpow2.f32 v17;
	v10 =	vadd.f32 v1, v10  }
0x8a: {  	v15 =	vpop (erf);
	(erf) = vpow2.f32 v12;
	v12 =	vadd.f32 v1, v13  }
0x8b: {  	[tilespmem:s15+$0xFFFFFFC0] =	vst v11;
	v10 =	vmul.f32 $1.442695020e+00, v10  }
0x8c: {  	[tilespmem:s15+$0xFFFFFFD0] =	vst v14;
	v12 =	vmul.f32 $1.442695020e+00, v12  }
0x8d: {  	[tilespmem:s15+$0x20] =	vst v15;
	v13 =	vpop (erf);
	(erf) = vpow2.f32 v10  }
0x8e: {  	[tilespmem:s15+$0x30] =	vst v13;
	v13 =	vpop (erf);
	(erf) = vpow2.f32 v12  }
0x8f: {  	[tilespmem:s15+$0x0] =	vst v13;
	v11 =	vpop (erf)  }
0x90: {  	s14 =	sadd.s32 $0x80, s14;
	[tilespmem:s15+$0x10] =	vst v11;
	v10 =	vpop (erf)  }
0x91: {  	v12 =	vpop (erf);
	[tilespmem:s14+$0xFFFFFFF0] =	vst v10  }
0x92: {  	v11 =	vpop (erf);
	[tilespmem:s14+$0xFFFFFFE0] =	vst v12  }
0x93: {  	v10 =	vpop (erf);
	[tilespmem:s14+$0xFFFFFFC0] =	vst v11  }
0x94: {  	v12 =	vpop (erf);
	[tilespmem:s14+$0xFFFFFFD0] =	vst v10  }
0x95: {  	[tilespmem:s14+$0x20] =	vst v12;
	v12 =	vpop (erf)  }
0x96: {  	[tilespmem:s14+$0x30] =	vst v12;
	v10 =	vpop (erf)  }
0x97: {  	[tilespmem:s14+$0x0] =	vst v10;
	v10 =	vpop (erf)  }
0x98: {  	[tilespmem:s14+$0x10] =	vst v10  }
0x99: {  	[spmem:s4] =	stream.indirect.scatter.add.f32 [tilespmem:s29], [sflag:$0x4], $0x10, s12, s22, $0xb8;
	[tilespmem:$0x1C480] =	vst v63  }
0x9a: {  	_ =	swait.ge [sflag:s30], $0x4000  }
0x9b: {  	[sflag:s30] =	ssyncset.done $0x0  }
0x9c: {  	s19 =	simm.s32 $0x17CA0;
	[sflag:s30] =	ssyncadd.s32 $0xFFFFC000  }
0x9d: {  	v13 =	vld [tilespmem:s19+$0x10]  }
0x9e: {  	s14 =	simm.s32 $0x18580;
	v10 =	vld [tilespmem:s19+$0xFFFFFFF0]  }
0x9f: {  	v11 =	vld [tilespmem:s14+$0xF0]  }
0xa0: {  	v12 =	vld [tilespmem:s19+$0x0]  }
0xa1: {  	v14 =	vld [tilespmem:s19+$0xFFFFFFE0]  }
0xa2: {  	v15 =	vld [tilespmem:s14+$0xFFFFFF00]  }
0xa3: {  	v16 =	vld [tilespmem:s14+$0xFFFFFF10];
	v17 =	vperm.xlane v13, v2  }
0xa4: {  	v20 =	vld [tilespmem:s14+$0xFFFFFF20];
	v18 =	vperm.xlane v13, v9;
	v19 =	vperm.xlane v10, v2  }
0xa5: {  	v23 =	vld [tilespmem:s14+$0xFFFFFF30];
	v21 =	vperm.xlane v10, v3;
	v22 =	vperm.xlane v10, v4  }
0xa6: {  	v25 =	vld [tilespmem:s14+$0xFFFFFF40];
	v24 =	vperm.xlane v10, v5;
	v26 =	vperm.xlane v10, v6  }
0xa7: {  	v28 =	vld [tilespmem:s14+$0xFFFFFF50];
	v27 =	vperm.xlane v14, v2;
	v29 =	vperm.xlane v14, v3  }
0xa8: {  	v31 =	vld [tilespmem:s14+$0xFFFFFF60];
	v30 =	vperm.xlane v14, v4;
	v32 =	vperm.xlane v14, v5  }
0xa9: {  	v34 =	vld [tilespmem:s14+$0xFFFFFF70];
	v33 =	vperm.xlane v14, v6;
	v35 =	vperm.xlane v14, v7  }
0xaa: {  	v37 =	vld [tilespmem:s14+$0xFFFFFF80];
	v36 =	vperm.xlane v14, v8;
	v38 =	vperm.xlane v14, v9  }
0xab: {  	v40 =	vld [tilespmem:s14+$0xFFFFFF90];
	v39 =	vperm.xlane v10, v7;
	v41 =	vperm.xlane v10, v8  }
0xac: {  	v43 =	vld [tilespmem:s14+$0xFFFFFFA0];
	v42 =	vperm.xlane v10, v9;
	v44 =	vperm.xlane v12, v2  }
0xad: {  	v46 =	vld [tilespmem:s14+$0xFFFFFFB0];
	v45 =	vperm.xlane v12, v3;
	v47 =	vperm.xlane v12, v4  }
0xae: {  	v49 =	vld [tilespmem:s14+$0xFFFFFFC0];
	v48 =	vperm.xlane v12, v5;
	v50 =	vperm.xlane v12, v6  }
0xaf: {  	v52 =	vld [tilespmem:s14+$0xFFFFFFD0];
	v51 =	vperm.xlane v12, v7;
	v53 =	vperm.xlane v12, v8  }
0xb0: {  	v55 =	vld [tilespmem:s14+$0xFFFFFFE0];
	v54 =	vperm.xlane v12, v9;
	v56 =	vperm.xlane v13, v3  }
0xb1: {  	v57 =	vld [tilespmem:s14+$0xFFFFFFF0];
	v14 =	vperm.xlane v13, v4;
	v18 =	vmul.f32 v18, v11  }
0xb2: {  	v58 =	vld [tilespmem:s14+$0x0];
	v12 =	vperm.xlane v13, v6;
	v15 =	vmul.f32 v27, v15  }
0xb3: {  	v60 =	vld [tilespmem:s14+$0x70];
	v10 =	vperm.xlane v13, v7;
	v16 =	vmul.f32 v29, v16;
	[tilespmem:s14+$0xF0] =	vst v18  }
0xb4: {  	v62 =	vld [tilespmem:s14+$0x80];
	v11 =	vperm.xlane v13, v5;
	v20 =	vmul.f32 v30, v20;
	[tilespmem:s14+$0xFFFFFF00] =	vst v15  }
0xb5: {  	v63 =	vld [tilespmem:s14+$0x90];
	v13 =	vperm.xlane v13, v8;
	v23 =	vmul.f32 v32, v23;
	[tilespmem:s14+$0xFFFFFF10] =	vst v16  }
0xb6: {  	v25 =	vmul.f32 v33, v25;
	v29 =	vmul.f32 v36, v31;
	v31 =	vld [tilespmem:s14+$0x50];
	[tilespmem:s14+$0xFFFFFF20] =	vst v20  }
0xb7: {  	v27 =	vmul.f32 v35, v28;
	v30 =	vmul.f32 v38, v34;
	v18 =	vld [tilespmem:s14+$0x10];
	[tilespmem:s14+$0xFFFFFF30] =	vst v23  }
0xb8: {  	v19 =	vmul.f32 v19, v37;
	v21 =	vmul.f32 v21, v40;
	v15 =	vld [tilespmem:s14+$0x20];
	[tilespmem:s14+$0xFFFFFF40] =	vst v25  }
0xb9: {  	v43 =	vmul.f32 v22, v43;
	v59 =	vmul.f32 v24, v46;
	v20 =	vld [tilespmem:s14+$0x40];
	[tilespmem:s14+$0xFFFFFF50] =	vst v27  }
0xba: {  	v61 =	vmul.f32 v26, v49;
	v28 =	vmul.f32 v39, v52;
	v16 =	vld [tilespmem:s14+$0x30];
	[tilespmem:s14+$0xFFFFFF60] =	vst v29  }
0xbb: {  	v40 =	vld [tilespmem:s14+$0x60];
	v26 =	vmul.f32 v42, v57;
	v24 =	vmul.f32 v44, v58;
	[tilespmem:s14+$0xFFFFFF70] =	vst v30  }
0xbc: {  	v27 =	vmul.f32 v41, v55;
	[tilespmem:s14+$0xFFFFFF80] =	vst v19;
	v29 =	vld [tilespmem:s14+$0xA0];
	v19 =	vmul.f32 v17, v62  }
0xbd: {  	[tilespmem:s14+$0xFFFFFF90] =	vst v21;
	v30 =	vld [tilespmem:s14+$0xB0];
	v17 =	vmul.f32 v56, v63;
	v25 =	vmul.f32 v45, v18  }
0xbe: {  	[tilespmem:s14+$0xFFFFFFA0] =	vst v43;
	v21 =	vmul.f32 v50, v20;
	v20 =	vmul.f32 v51, v31;
	v31 =	vld [tilespmem:s14+$0xC0]  }
0xbf: {  	[tilespmem:s14+$0xFFFFFFB0] =	vst v59;
	v23 =	vmul.f32 v47, v15;
	v22 =	vmul.f32 v48, v16;
	v15 =	vld [tilespmem:s14+$0xD0]  }
0xc0: {  	s16 =	simm.s32 $0x0;
	s17 =	simm.s32 $0x17CE0;
	s15 =	simm.s32 $0x18580;
	v32 =	vld [tilespmem:s14+$0xE0];
	[tilespmem:s14+$0xFFFFFFC0] =	vst v61;
	v18 =	vmul.f32 v53, v40;
	v16 =	vmul.f32 v54, v60  }
.LBB2_6:
0xc1: {  	v33 =	vld [tilespmem:s17+$0x10];
	s16 =	sadd.s32 $0x4, s16;
	[tilespmem:s14+$0xFFFFFFD0] =	vst v28;
	v14 =	vmul.f32 v14, v29  }
0xc2: {  	s14 =	sadd.s32 $0x200, s14;
	v28 =	vld [tilespmem:s17+$0xFFFFFFF0];
	p0 =	slt.u32 s16, $0x7C;
	[tilespmem:s15+$0xFFFFFFE0] =	vst v27;
	v11 =	vmul.f32 v11, v30  }
0xc3: {  	v27 =	vld [tilespmem:s14+$0xF0];
	[tilespmem:s15+$0xFFFFFFF0] =	vst v26;
	v12 =	vmul.f32 v12, v31  }
0xc4: {  	v26 =	vld [tilespmem:s17+$0x0];
	[tilespmem:s15+$0x0] =	vst v24;
	v10 =	vmul.f32 v10, v15  }
0xc5: {  	v24 =	vld [tilespmem:s17+$0xFFFFFFE0];
	[tilespmem:s15+$0x10] =	vst v25;
	v13 =	vmul.f32 v13, v32  }
0xc6: {  	v25 =	vld [tilespmem:s14+$0xFFFFFF00];
	v15 =	vperm.xlane v33, v2;
	v29 =	vperm.xlane v33, v9;
	[tilespmem:s15+$0x20] =	vst v23  }
0xc7: {  	v23 =	vld [tilespmem:s14+$0xFFFFFF10];
	v30 =	vperm.xlane v28, v2;
	v31 =	vperm.xlane v28, v3;
	[tilespmem:s15+$0x30] =	vst v22  }
0xc8: {  	v32 =	vperm.xlane v28, v4;
	v22 =	vld [tilespmem:s14+$0xFFFFFF20];
	v27 =	vmul.f32 v29, v27;
	[tilespmem:s15+$0x40] =	vst v21  }
0xc9: {  	v34 =	vperm.xlane v28, v6;
	v29 =	vperm.xlane v28, v5;
	v21 =	vld [tilespmem:s14+$0xFFFFFF30];
	[tilespmem:s15+$0x50] =	vst v20  }
0xca: {  	v20 =	vperm.xlane v24, v2;
	v35 =	vperm.xlane v24, v3;
	v36 =	vld [tilespmem:s14+$0xFFFFFF40];
	[tilespmem:s14+$0xF0] =	vst v27  }
0xcb: {  	v27 =	vperm.xlane v24, v4;
	v37 =	vperm.xlane v24, v5;
	v38 =	vld [tilespmem:s14+$0xFFFFFF50];
	[tilespmem:s15+$0x60] =	vst v18  }
0xcc: {  	v39 =	vperm.xlane v24, v7;
	v18 =	vperm.xlane v24, v6;
	v40 =	vld [tilespmem:s14+$0xFFFFFF60];
	[tilespmem:s15+$0x70] =	vst v16  }
0xcd: {  	v16 =	vperm.xlane v24, v8;
	v24 =	vperm.xlane v24, v9;
	v41 =	vld [tilespmem:s14+$0xFFFFFF70];
	[tilespmem:s15+$0x80] =	vst v19  }
0xce: {  	v42 =	vperm.xlane v28, v7;
	v43 =	vperm.xlane v28, v8;
	v19 =	vld [tilespmem:s14+$0xFFFFFF80];
	[tilespmem:s15+$0x90] =	vst v17  }
0xcf: {  	v44 =	vperm.xlane v28, v9;
	v45 =	vperm.xlane v26, v2;
	v17 =	vld [tilespmem:s14+$0xFFFFFF90];
	[tilespmem:s15+$0xA0] =	vst v14  }
0xd0: {  	v46 =	vperm.xlane v26, v3;
	v47 =	vperm.xlane v26, v4;
	v28 =	vld [tilespmem:s14+$0xFFFFFFA0];
	[tilespmem:s15+$0xB0] =	vst v11  }
0xd1: {  	v49 =	vperm.xlane v26, v5;
	v50 =	vperm.xlane v26, v6;
	v48 =	vld [tilespmem:s14+$0xFFFFFFB0];
	[tilespmem:s15+$0xC0] =	vst v12  }
0xd2: {  	v52 =	vperm.xlane v26, v7;
	v53 =	vperm.xlane v26, v8;
	v51 =	vld [tilespmem:s14+$0xFFFFFFC0];
	[tilespmem:s15+$0xD0] =	vst v10  }
0xd3: {  	v56 =	vperm.xlane v33, v3;
	v55 =	vperm.xlane v26, v9;
	v54 =	vld [tilespmem:s14+$0xFFFFFFD0];
	[tilespmem:s15+$0xE0] =	vst v13;
	s15 =	smov.u32 s14  }
0xd4: {  	v14 =	vperm.xlane v33, v4;
	v11 =	vperm.xlane v33, v5;
	v26 =	vld [tilespmem:s14+$0xFFFFFFE0]  }
0xd5: {  	v12 =	vperm.xlane v33, v6;
	v10 =	vperm.xlane v33, v7;
	v57 =	vld [tilespmem:s14+$0xFFFFFFF0]  }
0xd6: {  	v20 =	vmul.f32 v20, v25;
	v13 =	vperm.xlane v33, v8;
	v25 =	vld [tilespmem:s14+$0x0]  }
0xd7: {  	v23 =	vmul.f32 v35, v23;
	v22 =	vmul.f32 v27, v22;
	v33 =	vld [tilespmem:s14+$0x10]  }
0xd8: {  	v18 =	vmul.f32 v18, v36;
	[tilespmem:s14+$0xFFFFFF00] =	vst v20;
	v20 =	vmul.f32 v37, v21;
	v21 =	vld [tilespmem:s14+$0x20]  }
0xd9: {  	v16 =	vmul.f32 v16, v40;
	[tilespmem:s14+$0xFFFFFF10] =	vst v23;
	v23 =	vmul.f32 v39, v38;
	v35 =	vld [tilespmem:s14+$0x30]  }
0xda: {  	v19 =	vmul.f32 v30, v19;
	[tilespmem:s14+$0xFFFFFF20] =	vst v22;
	v22 =	vmul.f32 v24, v41;
	v30 =	vld [tilespmem:s14+$0x40]  }
0xdb: {  	v17 =	vmul.f32 v31, v17;
	v31 =	vmul.f32 v32, v28;
	[tilespmem:s14+$0xFFFFFF30] =	vst v20;
	v20 =	vld [tilespmem:s14+$0x50]  }
0xdc: {  	v32 =	vmul.f32 v29, v48;
	v34 =	vmul.f32 v34, v51;
	[tilespmem:s14+$0xFFFFFF40] =	vst v18;
	v18 =	vld [tilespmem:s14+$0x60]  }
0xdd: {  	v28 =	vmul.f32 v42, v54;
	v27 =	vmul.f32 v43, v26;
	[tilespmem:s14+$0xFFFFFF50] =	vst v23;
	v36 =	vld [tilespmem:s14+$0x70]  }
0xde: {  	v26 =	vmul.f32 v44, v57;
	v24 =	vmul.f32 v45, v25;
	[tilespmem:s14+$0xFFFFFF60] =	vst v16;
	v37 =	vld [tilespmem:s14+$0x80]  }
0xdf: {  	v25 =	vmul.f32 v46, v33;
	v23 =	vmul.f32 v47, v21;
	[tilespmem:s14+$0xFFFFFF70] =	vst v22;
	v33 =	vld [tilespmem:s14+$0x90]  }
.Ltmp1:
0xe0: {  	v22 =	vmul.f32 v49, v35;
	v21 =	vmul.f32 v50, v30;
	[tilespmem:s14+$0xFFFFFF80] =	vst v19;
	v29 =	vld [tilespmem:s14+$0xA0];
	(pc) =	sbr.rel @p0 .LBB2_6-.Ltmp1, $4  }
0xe1: {  	v20 =	vmul.f32 v52, v20;
	[tilespmem:s14+$0xFFFFFF90] =	vst v17;
	v18 =	vmul.f32 v53, v18;
	v30 =	vld [tilespmem:s14+$0xB0]  }
0xe2: {  	[tilespmem:s14+$0xFFFFFFA0] =	vst v31;
	v16 =	vmul.f32 v55, v36;
	v31 =	vld [tilespmem:s14+$0xC0]  }
0xe3: {  	[tilespmem:s14+$0xFFFFFFB0] =	vst v32;
	v19 =	vmul.f32 v15, v37;
	v15 =	vld [tilespmem:s14+$0xD0]  }
0xe4: {  	s17 =	sadd.s32 $0x40, s17;
	[tilespmem:s14+$0xFFFFFFC0] =	vst v34;
	v17 =	vmul.f32 v56, v33;
	v32 =	vld [tilespmem:s14+$0xE0]  }
0xe5: {  	[tilespmem:s14+$0xFFFFFFD0] =	vst v28  }
0xe6: {  	[tilespmem:s15+$0x0] =	vst v24  }
0xe7: {  	[tilespmem:s15+$0x10] =	vst v25  }
0xe8: {  	[tilespmem:s15+$0x20] =	vst v23  }
0xe9: {  	[tilespmem:s15+$0x30] =	vst v22  }
0xea: {  	[tilespmem:s15+$0x40] =	vst v21  }
0xeb: {  	[tilespmem:s15+$0x50] =	vst v20  }
0xec: {  	[tilespmem:s15+$0x60] =	vst v18  }
0xed: {  	[tilespmem:s15+$0x70] =	vst v16  }
0xee: {  	[tilespmem:s15+$0x80] =	vst v19  }
0xef: {  	[tilespmem:s15+$0xFFFFFFE0] =	vst v27  }
0xf0: {  	v14 =	vmul.f32 v14, v29;
	[tilespmem:s15+$0xFFFFFFF0] =	vst v26  }
0xf1: {  	v11 =	vmul.f32 v11, v30;
	[tilespmem:s15+$0x90] =	vst v17  }
0xf2: {  	v12 =	vmul.f32 v12, v31;
	[tilespmem:s15+$0xA0] =	vst v14  }
0xf3: {  	v10 =	vmul.f32 v10, v15;
	[tilespmem:s15+$0xB0] =	vst v11  }
0xf4: {  	v11 =	vmul.f32 v13, v32;
	[tilespmem:s15+$0xC0] =	vst v12  }
0xf5: {  	[tilespmem:s15+$0xD0] =	vst v10  }
0xf6: {  	s10 =	sadd.s32 $0x1, s10;
	[tilespmem:s15+$0xE0] =	vst v11  }
0xf7: {  	[spmem:s2] =	stream.indirect.scatter.add.f32 [tilespmem:s23], [sflag:$0x5], $0x80, s12, s22, $0xb8;
	[tilespmem:$0x1C480] =	vst v63  }
0xf8: {  	p0 =	sne.s32 s10, $0x9;
	_ =	swait.ge [sflag:s31], $0x800  }
.Ltmp2:
0xf9: {  	[sflag:s31] =	ssyncset.done $0x0;
	(pc) =	sbr.rel @p0 .LBB2_3-.Ltmp2, $4  }
0xfa: {  	[sflag:s31] =	ssyncadd.s32 $0xFFFFF800  }
0xfb: {  	_ =	swait.ge [sflag:s0], $0x4000  }
0xfc: {  	[sflag:s0] =	ssyncset.done $0x0  }
0xfd: {  	[sflag:s0] =	ssyncadd.s32 $0xFFFFC000  }
0xfe: {  	s3 =	sadd.s32 $0x1, s3  }
0xff: {  	p0 =	sne.s32 s3, $0x9  }
.Ltmp3:
0x100: {  	_ = 	snop;
	(pc) =	sbr.rel @p0 .LBB2_2-.Ltmp3, $1  }
0x101: {  	_ =	sdelay $0x3  }
0x102: {  	[bflag:$0x0] =	sbarrier.arrive $0xFFFF  }
0x103: {  	s3 =	rddreg [dreg:$0x7]  }
0x104: {  	s12 =	rddreg [dreg:$0xa]  }
0x105: {  	[hbm:s3], [sflag:s11] =	dma.local [spmem:s12], $0x2780  }
0x106: {  	_ =	swait.ge [sflag:s18], $0x2780  }
0x107: {  	[sflag:s18] =	ssyncset.done $0x0;
	s17 =	rddreg [dreg:$0x8]  }
0x108: {  	s10 =	rddreg [dreg:$0xb];
	[sflag:s18] =	ssyncadd.s32 $0xFFFFD880  }
0x109: {  	[hbm:s17], [sflag:s11] =	dma.local [spmem:s10], $0x4F0  }
0x10a: {  	_ =	swait.ge [sflag:s18], $0x4F0  }
0x10b: {  	s5 =	sadd.s32 $0x1, s5;
	s19 =	rddreg [dreg:$0x9]  }
0x10c: {  	p0 =	sne.s32 s5, s19  }
.Ltmp4:
0x10d: {  	_ = 	snop;
	(pc) =	sbr.rel @p0 .LBB2_1-.Ltmp4, $3  }
0x10e: {  	_ =	sdelay $0x1  }
0x10f: {  	[sflag:s18] =	ssyncset.done $0x0  }
0x110: {  	[sflag:s18] =	ssyncadd.s32 $0xFFFFFB10  }
0x111: {  	_ =	sfence.sel $0x180000  }
0x112: {  	[bflag:$0x0] =	sbarrier.arrive $0xFFFF  }
0x113: {  	_ =	strace $0x9000004D  }
0x114: {  	s0 =	stileid.u32;
	[bflag:$0x2] =	sbarrier.arrive $0xFFFF  }
0x115: {  	p0 =	sne.s32 s0, $0x0;
	s0 =	rddreg [dreg:$0x4]  }
0x116: {  	s0 =	sadd.s32 @!p0 $0x100000, s0  }
0x117: {  	[sflag:s0] =	ssyncadd.tile.s32 @!p0 $0x1;
	_ =	shalt  }
.Lfunc_end2:
_tile_overlayer_lowered:
.L_overlay_start_2:
0x118: {  	(tag) =	ssettag $0x2  }
0x119: {  	s0 =	rddreg [dreg:$0x0];
	s2 =	stileid.u32  }
0x11a: {  	s1 =	rddreg [dreg:$0x1];
	p0 =	sne.s32 s2, $0x0  }
0x11b: {  	s3 =	rddreg [dreg:$0x2];
	[bflag:$0x3] =	sbarrier.arrive $0xFFFF;
	s2 =	simm.s32 @!p0 $0x1C06  }
0x11c: {  	[timem:s3], [sflag:s2] =	dma.local @!p0 [hbm:s0], s1  }
0x11d: {  	s0 =	simm.s32 @!p0 $0x6  }
0x11e: {  	_ =	swait.ge @!p0 [sflag:s0], s1  }
0x11f: {  	s1 =	ssub.s32 @!p0 $0x0, s1;
	[sflag:s0] =	ssyncset.done @!p0 $0x0  }
0x120: {  	[sflag:s0] =	ssyncadd.s32 @!p0 s1  }
0x121: {  	[bflag:$0x3] =	sbarrier.arrive $0xFFFF  }
0x122: {  	_ =	shalt  }

// kernel: kernel.9.cloned.1.call-start
scs
__scs_entry_jumppad:
0x0: {  	(pc) =	sbr.rel $0x88, $3  }
0x1: {  	(tag) =	ssettag $0x0;
	lr =	simm.s32 $0x1  }
0x2: {  	[smem:$0x3F8E] =	sst lr;
	_ =	strace $0xD0000000  }
0x3: {  	_ = 	snop  }
0x4: {  	_ = 	snop  }
0x5: {  	_ = 	snop  }
0x6: {  	_ = 	snop  }
0x7: {  	_ = 	snop  }
__scs_overlays_trampoline_lowered:
0x8: {  	[smem:$0x3F9D] =	sst s0  }
0x9: {  	[smem:$0x3F9E] =	sst s1  }
0xa: {  	[smem:$0x3F9F] =	sst s2  }
0xb: {  	[smem:$0x3FA0] =	sst s3  }
0xc: {  	[smem:$0x3FA1] =	sst s4  }
0xd: {  	[smem:$0x3FA2] =	sst s5  }
0xe: {  	[smem:$0x3FA3] =	sst s6  }
0xf: {  	[smem:$0x3FA4] =	sst s7  }
0x10: {  	[smem:$0x3FA5] =	sst s8  }
0x11: {  	[smem:$0x3FA6] =	sst s9;
	s0 =	simm.s32 @!p0 $0x0  }
0x12: {  	s1 =	sld [smem:$0x3F8C];
	s0 =	simm.s32 @p0 $0x1  }
0x13: {  	[smem:$0x3FA7] =	sst s0;
	s0 =	simm.s32 @!p1 $0x0  }
0x14: {  	s2 =	sld [smem:$0x3F8B];
	s0 =	simm.s32 @p1 $0x1  }
0x15: {  	[smem:$0x3FA8] =	sst s0;
	s0 =	simm.s32 @!p2 $0x0  }
0x16: {  	s3 =	sld [smem:$0x3FDB];
	s0 =	simm.s32 @p2 $0x1  }
0x17: {  	s4 =	simm.s32 $0x1BF5;
	[smem:$0x3FAA] =	sst s0  }
0x18: {  	s0 =	sld [smem:$0x3F8D];
	_ =	swait.ge [sflag:s4], $0x0  }
0x19: {  	s7 =	sld [smem:$0x3F8E]  }
0x1a: {  	s8 =	sadd.s32 $0xFFFFE003, lr  }
0x1b: {  	s9 =	sadd.s32 $0xFFFFFEF7, lr;
	s5 =	simm.s32 $0xFFFFFFFF;
	p2 =	slt.u32 s8, $0xFFFFF086  }
0x1c: {  	p1 =	slt.u32 s9, $0xF7A;
	s5 =	simm.s32 @!p2 $0x0  }
0x1d: {  	s5 =	simm.s32 @p1 $0x1;
	p0 =	seq.s32 s7, s2  }
0x1e: {  	s7 =	smul.u32 @!p0 $0xF7A, s2;
	p2 =	seq.s32 @!p0 s5, $0x0  }
0x1f: {  	s9 =	smul.u32 $0xF7A, s1;
	s8 =	simm.s32 @!p0 $0x1BF5;
	p2 =	por !p2, p0  }
0x20: {  	[sflag:s8] =	ssyncset.s32 @!p0 $0xFFFFF086;
	s6 =	sadd.s32 @!p0 s3, s7;
	s7 =	simm.s32 @!p0 $0x108  }
0x21: {  	s3 =	sadd.s32 s3, s9;
	s6 =	sadd.s32 @!p0 $0x88, s6;
	s7 =	simm.s32 @p2 $0x1082  }
0x22: {  	[simem:s7], [sflag:s8] =	dma.local @!p0 [hbm:s6], $0xF7A  }
0x23: {  	s9 =	sor.u32 $0xD0000000, s2;
	s6 =	simm.s32 $0x108;
	_ =	swait.ge @!p0 [sflag:s8], $0x0  }
0x24: {  	s3 =	sadd.s32 $0x88, s3;
	s6 =	simm.s32 @!p1 $0x1082;
	[sflag:s4] =	ssyncset.s32 $0xFFFFF086  }
0x25: {  	[simem:s6], [sflag:s4] =	dma.local [hbm:s3], $0xF7A  }
0x26: {  	[smem:$0x3F8E] =	sst s1;
	(tag) =	ssettag s2;
	_ =	strace s9  }
0x27: {  	s1 =	sld [smem:$0x3F9E]  }
0x28: {  	s2 =	sld [smem:$0x3F9F]  }
0x29: {  	s4 =	sld [smem:$0x3FA1]  }
0x2a: {  	p0 =	seq.s32 s5, $0x0;
	s5 =	sld [smem:$0x3FA2]  }
0x2b: {  	s6 =	sld [smem:$0x3FA3]  }
0x2c: {  	s7 =	sld [smem:$0x3FA4]  }
0x2d: {  	s3 =	simm.s32 $0x108;
	s8 =	sld [smem:$0x3FA5]  }
0x2e: {  	s3 =	simm.s32 @!p0 $0x1082;
	s9 =	sld [smem:$0x3FA6]  }
0x2f: {  	lr =	sadd.s32 s0, s3;
	s0 =	sld [smem:$0x3F9D]  }
0x30: {  	s3 =	sld [smem:$0x3FA0]  }
0x31: {  	[smem:$0x3FA9] =	sst s10  }
0x32: {  	s10 =	sld [smem:$0x3FA7];
	_ =	sdelay $0x3  }
0x33: {  	p0 =	seq.s32 s10, $0x1;
	s10 =	sld [smem:$0x3FA9];
	_ =	sdelay $0x3  }
0x34: {  	[smem:$0x3FA9] =	sst s10  }
0x35: {  	s10 =	sld [smem:$0x3FA8];
	_ =	sdelay $0x3  }
0x36: {  	p1 =	seq.s32 s10, $0x1;
	s10 =	sld [smem:$0x3FA9];
	_ =	sdelay $0x3  }
0x37: {  	[smem:$0x3FA9] =	sst s10  }
0x38: {  	s10 =	sld [smem:$0x3FAA]  }
0x39: {  	_ = 	snop;
	(pc) =	sbr.ind lr, $3  }
0x3a: {  	_ = 	snop  }
0x3b: {  	_ = 	snop  }
0x3c: {  	p2 =	seq.s32 s10, $0x1;
	s10 =	sld [smem:$0x3FA9]  }
0x3d: {  	_ =	shalt  }
0x3e: {  	_ =	shalt  }
0x3f: {  	_ =	shalt  }
0x40: {  	_ =	shalt  }
0x41: {  	_ =	shalt  }
0x42: {  	_ =	shalt  }
0x43: {  	_ =	shalt  }
0x44: {  	_ =	shalt  }
0x45: {  	_ =	shalt  }
0x46: {  	_ =	shalt  }
0x47: {  	_ =	shalt  }
0x48: {  	_ =	shalt  }
0x49: {  	_ =	shalt  }
0x4a: {  	_ =	shalt  }
0x4b: {  	_ =	shalt  }
0x4c: {  	_ =	shalt  }
0x4d: {  	_ =	shalt  }
0x4e: {  	_ =	shalt  }
0x4f: {  	_ =	shalt  }
0x50: {  	_ =	shalt  }
0x51: {  	_ =	shalt  }
0x52: {  	_ =	shalt  }
0x53: {  	_ =	shalt  }
0x54: {  	_ =	shalt  }
0x55: {  	_ =	shalt  }
0x56: {  	_ =	shalt  }
0x57: {  	_ =	shalt  }
0x58: {  	_ =	shalt  }
0x59: {  	_ =	shalt  }
0x5a: {  	_ =	shalt  }
0x5b: {  	_ =	shalt  }
0x5c: {  	_ =	shalt  }
0x5d: {  	_ =	shalt  }
0x5e: {  	_ =	shalt  }
0x5f: {  	_ =	shalt  }
0x60: {  	_ =	shalt  }
0x61: {  	_ =	shalt  }
0x62: {  	_ =	shalt  }
0x63: {  	_ =	shalt  }
0x64: {  	_ =	shalt  }
0x65: {  	_ =	shalt  }
0x66: {  	_ =	shalt  }
0x67: {  	_ =	shalt  }
0x68: {  	_ =	shalt  }
0x69: {  	_ =	shalt  }
0x6a: {  	_ =	shalt  }
0x6b: {  	_ =	shalt  }
0x6c: {  	_ =	shalt  }
0x6d: {  	_ =	shalt  }
0x6e: {  	_ =	shalt  }
0x6f: {  	_ =	shalt  }
0x70: {  	_ =	shalt  }
0x71: {  	_ =	shalt  }
0x72: {  	_ =	shalt  }
0x73: {  	_ =	shalt  }
0x74: {  	_ =	shalt  }
0x75: {  	_ =	shalt  }
0x76: {  	_ =	shalt  }
0x77: {  	_ =	shalt  }
0x78: {  	_ =	shalt  }
0x79: {  	_ =	shalt  }
0x7a: {  	_ =	shalt  }
0x7b: {  	_ =	shalt  }
0x7c: {  	_ =	shalt  }
0x7d: {  	_ =	shalt  }
0x7e: {  	_ =	shalt  }
0x7f: {  	_ =	shalt  }
0x80: {  	_ =	shalt  }
0x81: {  	_ =	shalt  }
0x82: {  	_ =	shalt  }
0x83: {  	_ =	shalt  }
0x84: {  	_ =	shalt  }
0x85: {  	_ =	shalt  }
0x86: {  	_ =	shalt  }
0x87: {  	_ =	shalt  }
.Lfunc_end0:
.L_simem_size_0:
called_computation_lowered:
.L_overlay_start_0:
0x88: {  	s2 =	sld [smem:$0x3FD9]  }
0x89: {  	s3 =	sld [smem:$0x3FFE];
	_ =	sdelay $0x1  }
0x8a: {  	s1 =	srdreg.scid  }
0x8b: {  	s0 =	sand.u32 $0x1, s1  }
0x8c: {  	s17 =	sshll.u32 s0, $0xA;
	s2 =	sadd.s32 s3, s2  }
0x8d: {  	s2 =	sadd.s32 s2, s17  }
0x8e: {  	[smem:$0x3FB5] =	sst s2  }
0x8f: {  	_ = 	snop  }
0x90: {  	s2 =	sld [smem:$0x3FD0];
	(tm) =	ssettm $0x1  }
0x91: {  	s18 =	sld [smem:$0x3FFB];
	_ =	sdelay $0x3  }
0x92: {  	_ =	strace s18  }
0x93: {  	s3 =	sld [smem:$0x3FFC];
	_ =	sdelay $0x3  }
0x94: {  	_ =	strace s3  }
0x95: {  	s3 =	sld [smem:$0x3FFD];
	_ =	sdelay $0x3  }
0x96: {  	_ =	strace s3  }
0x97: {  	_ =	strace $0x8FFFFFFF  }
0x98: {  	s19 =	sld [smem:$0x3FDB];
	_ =	sdelay $0x1  }
0x99: {  	s4 =	simm.s32 $_scs_section_size  }
0x9a: {  	s5 =	simm.s32 $_size__tile_overlayer_lowered;
	s6 =	simm.s32 $_tile_overlayer_lowered  }
0x9b: {  	s22 =	simm.s32 $0x1BFF;
	s21 =	sshll.u32 s6, $0x1;
	s3 =	sadd.s32 s4, s19  }
0x9c: {  	s7 =	simm.s32 $0x0;
	s20 =	sshll.u32 s5, $0x1;
	s5 =	sadd.s32 s21, s3  }
0x9d: {  	[timem:s7], [sflag:s22] =	dma.local [hbm:s5], s20  }
0x9e: {  	_ =	swait.ge [sflag:s22], s20  }
0x9f: {  	s4 =	ssub.s32 $0x0, s20;
	[sflag:s22] =	ssyncset.done $0x0  }
0xa0: {  	[sflag:s22] =	ssyncadd.s32 s4;
	_ =	sdelay $0x1  }
0xa1: {  	s23 =	simm.s32 $0x1B8B  }
0xa2: {  	_ =	swait.ge [sflag:s23], $0x1  }
0xa3: {  	[sflag:s23] =	ssyncset.done $0x0  }
0xa4: {  	s25 =	simm.s32 $0x1B8E;
	s24 =	sld [smem:$0x3FFE];
	[sflag:s23] =	ssyncadd.s32 $0xFFFFFFFF  }
0xa5: {  	s26 =	simm.s32 $execute0_lowered;
	[smem:$0x3FD2] =	sst s25  }
0xa6: {  	s5 =	sshll.u32 s26, $0x1;
	_ =	strace $0x80000046;
	[dreg:$0x1] =	wrdreg $0xFFFFFFFF  }
0xa7: {  	s28 =	simm.s32 $_size_execute0_lowered;
	s3 =	sadd.s32 s3, s5;
	[dreg:$0x0] =	wrdreg $0x0  }
0xa8: {  	s5 =	sshll.u32 s28, $0x1;
	[dreg:$0x2] =	wrdreg s3  }
0xa9: {  	[dreg:$0x3] =	wrdreg s5  }
0xaa: {  	[dreg:$0x4] =	wrdreg $0xC0  }
0xab: {  	_ =	task [dreg:s7], $0x5FFFF  }
0xac: {  	[dreg:$0x1] =	wrdreg $0xFFFFFFFF  }
0xad: {  	[dreg:$0x0] =	wrdreg $0x60  }
0xae: {  	[dreg:$0x2] =	wrdreg s24  }
0xaf: {  	[dreg:$0x3] =	wrdreg s2  }
0xb0: {  	[dreg:$0x4] =	wrdreg $0x0  }
0xb1: {  	[dreg:$0x5] =	wrdreg $0x13C000  }
0xb2: {  	[dreg:$0x6] =	wrdreg $0x9  }
0xb3: {  	_ =	task.clear_ibuf [dreg:s7], $0x7FFFF;
	_ =	strace $0x90000046  }
0xb4: {  	s29 =	simm.s32 $0x9;
	_ =	strace $0x80000048  }
0xb5: {  	_ =	swait.ge [sflag:s29], $0x1  }
0xb6: {  	[sflag:s29] =	ssyncadd.s32 $0xFFFFFFFF  }
0xb7: {  	_ =	strace $0x90000048  }
0xb8: {  	_ =	sfence  }
0xb9: {  	s30 =	sld [smem:$0x0];
	_ =	sdelay $0x2  }
0xba: {  	s31 =	sshll.u32 s1, $0xD;
	s1 =	sshrl.u32 s1, $0x2  }
0xbb: {  	s3 =	sand.u32 $0x4000, s31;
	s1 =	sadd.s32 s1, s30  }
0xbc: {  	s0 =	sor.u32 s3, s0;
	s1 =	sshll.u32 s1, $0x11  }
0xbd: {  	s0 =	sor.u32 s1, s0  }
0xbe: {  	s0 =	sadd.s32 $0x8F2B, s0  }
0xbf: {  	[sflag:s0] =	ssyncadd.remote.s32 $0x1  }
0xc0: {  	_ =	sfence.sel $0xFFFF  }
0xc1: {  	[dreg:$0x0] =	wrdreg $0xFFFFFFFF;
	(pc) =	sbr.abs _section_cstart, $3  }
0xc2: {  	[dreg:$0x1] =	wrdreg $0xFFFFFFFF  }
0xc3: {  	_ =	task.clear_ibuf [dreg:s7], $0x2FFFF;
	_ =	strace $0x9FFFFFFF  }
0xc4: {  	(tm) =	ssettm $0x7FFFFFFF  }
0xc5: {  	_ =	shalt  }
tec
execute0_lowered:
.L_overlay_start_1:
0x0: {  	(tag) =	ssettag $0x1  }
0x1: {  	s0 =	rddreg [dreg:$0x0]  }
0x2: {  	s1 =	rddreg [dreg:$0x1]  }
0x3: {  	s2 =	rddreg [dreg:$0x2]  }
0x4: {  	s4 =	rddreg [dreg:$0x3];
	s5 =	simm.s32 $0x0  }
0x5: {  	s18 =	stileid.u32;
	s7 =	srdreg.scid;
	s20 =	simm.s32 $0x16380  }
0x6: {  	s21 =	simm.s32 $0x16800;
	s28 =	simm.s32 $0x3;
	s29 =	simm.s32 $0x17C80  }
0x7: {  	s30 =	simm.s32 $0x1;
	s31 =	simm.s32 $0x4;
	s3 =	smul.u32 $0x13C00, s18  }
0x8: {  	[smem:$0x7FF] =	sst s5;
	s6 =	sadd.s32 $0x18400, s0;
	s10 =	smul.u32 $0x2780, s18  }
0x9: {  	s11 =	sand.u32 $0x1, s7;
	s7 =	sadd.s32 $0xE200, s0;
	s8 =	sadd.s32 $0x9200, s0  }
0xa: {  	s9 =	sadd.s32 $0x4200, s0;
	s17 =	sshll.u32 s18, $0x1;
	s24 =	sshll.u32 s18, $0x6  }
0xb: {  	s18 =	simm.s32 $0x6;
	_ =	strace $0x80000047;
	s12 =	smul.u32 $0x13C000, s11  }
0xc: {  	s14 =	smul.u32 $0x27800, s11;
	s16 =	ssub.s32 $0x2, s11;
	s23 =	sor.u32 s11, s17  }
0xd: {  	s11 =	sor.u32 $0x1C06, s24;
	s24 =	simm.s32 $0x16C80;
	s13 =	sshrl.u32 s3, $0x3  }
0xe: {  	s15 =	sshrl.u32 s10, $0x3;
	s22 =	sshrl.u32 s16, $0x1;
	s13 =	sadd.s32 s13, s0  }
0xf: {  	vm0 =	vcmask $0x1F00;
	v0 =	vimm.f32 $-7.499999890e+30;
	v1 =	vimm.s32 $0xFEDCBA98;
	s12 =	sadd.s32 s3, s12;
	s15 =	sadd.s32 s15, s0;
	s14 =	sadd.s32 s10, s14  }
0x10: {  	vm1 =	vcmask $0x2320;
	vm10 =	vcmask $0x2724;
	vm11 =	vcmask $0x2B28;
	s3 =	sadd.s32 s3, s2;
	s10 =	sadd.s32 s10, s4;
	s12 =	sshrl.u32 s12, $0x3  }
0x11: {  	vm12 =	vcmask $0x2F2C;
	vm13 =	vcmask $0x3330;
	v0 =	vsel vm0, $0x0, v0;
	s14 =	sshrl.u32 s14, $0x3;
	s13 =	sadd.s32 $0x22600, s13;
	s25 =	sadd.s32 $0x49E00, s15  }
0x12: {  	vm14 =	vcmask $0x3734;
	v1 =	vunpack.c.l.s4.s8 v1;
	v0 =	vsel vm1, $0xF0C9F2CA, v0;
	s10 =	sshrl.u32 s10, $0x3;
	s12 =	sadd.s32 s12, s0;
	[dreg:$0x5] =	wrdreg s13  }
0x13: {  	vm15 =	vcmask $0x3B38;
	v3 =	vimm.s32 $0x1;
	v0 =	vsel vm10, $0xF1977618, v0;
	s0 =	sadd.s32 s14, s0;
	s14 =	ssub.s32 s16, s22;
	[dreg:$0x6] =	wrdreg s25  }
0x14: {  	v4 =	vimm.s32 $0x2;
	v1 =	vunpack.c.0.s8.s32 v1;
	v0 =	vsel vm11, $0xF1FC6F7C, v0;
	s13 =	smul.u32 $0x2880, s23;
	[dreg:$0xb] =	wrdreg s10;
	s12 =	sadd.s32 $0x58C00, s12  }
0x15: {  	v5 =	vimm.s32 $0x3;
	v6 =	vimm.s32 $0x4;
	v0 =	vsel vm12, $0xF230B471, v0;
	s22 =	simm.s32 $0x80;
	s0 =	sadd.s32 $0x4EE00, s0;
	[dreg:$0x7] =	wrdreg s12  }
0x16: {  	v7 =	vimm.s32 $0x5;
	v1 =	vand.u32 $0xF, v1;
	v2 =	vsel vm13, $0xF2633123, v0;
	s23 =	simm.s32 $0x18480;
	s26 =	smax.u32 s14, $0x1;
	[dreg:$0x8] =	wrdreg s0  }
0x17: {  	v8 =	vimm.s32 $0x6;
	v0 =	vnsel vm0, $0xF, v1;
	s25 =	simm.s32 $0x17480;
	v1 =	vsel vm14, $0xF28AD6EB, v2;
	[dreg:$0x9] =	wrdreg s26;
	s12 =	sshrl.u32 s3, $0x3  }
0x18: {  	v9 =	vimm.s32 $0x7;
	v2 =	vimm.s32 $0x0;
	v1 =	vsel vm15, $0xF2A41544, v1;
	s26 =	simm.s32 $0x2;
	s0 =	simm.s32 $0x5;
	[dreg:$0xa] =	wrdreg s12  }
.LBB2_1:
0x19: {  	s3 =	rddreg [dreg:$0x5]  }
0x1a: {  	[spmem:s12], [sflag:s11] =	dma.local [hbm:s3], $0x2780  }
0x1b: {  	_ =	swait.ge [sflag:s18], $0x2780  }
0x1c: {  	[sflag:s18] =	ssyncset.done $0x0  }
0x1d: {  	s19 =	rddreg [dreg:$0x6];
	[sflag:s18] =	ssyncadd.s32 $0xFFFFD880  }
0x1e: {  	[spmem:s10], [sflag:s11] =	dma.local [hbm:s19], $0x4F0  }
0x1f: {  	_ =	swait.ge [sflag:s18], $0x4F0  }
0x20: {  	[sflag:s18] =	ssyncset.done $0x0  }
0x21: {  	[sflag:s18] =	ssyncadd.s32 $0xFFFFFB10  }
0x22: {  	s3 =	simm.s32 $0x0;
	[bflag:$0x0] =	sbarrier.arrive $0xFFFF  }
.LBB2_2:
0x23: {  	s10 =	smul.u32 $0x480, s3;
	_ =	sdelay $0x1  }
0x24: {  	s10 =	sadd.s32 s13, s10  }
0x25: {  	s12 =	sshrl.u32 s10, $0x3  }
0x26: {  	s10 =	simm.s32 $0x0;
	s14 =	sadd.s32 s6, s12  }
0x27: {  	[tilespmem:s20], [sflag:$0x6] =	stream.linear.gather [hbm4b:s14+s10], $0x480, $0x38;
	[tilespmem:$0x1C480] =	vst v63  }
0x28: {  	_ =	swait.ge [sflag:s18], $0x480  }
0x29: {  	[sflag:s18] =	ssyncset.done $0x0  }
0x2a: {  	s12 =	sadd.s32 s7, s12;
	[sflag:s18] =	ssyncadd.s32 $0xFFFFFB80  }
0x2b: {  	[tilespmem:s21], [sflag:$0x6] =	stream.linear.gather [hbm4b:s12+s10], $0x480, $0x38;
	[tilespmem:$0x1C480] =	vst v63  }
0x2c: {  	_ =	swait.ge [sflag:s18], $0x480  }
0x2d: {  	[sflag:s18] =	ssyncset.done $0x0  }
0x2e: {  	[sflag:s18] =	ssyncadd.s32 $0xFFFFFB80  }
.LBB2_3:
0x2f: {  	s12 =	sshll.u32 s10, $0x7  }
0x30: {  	s14 =	sadd.s32 $0x16380, s12  }
0x31: {  	[tilespmem:s23], [sflag:$0x1] =	stream.indirect.gather [hbm4b:s1+s22], $0x80, s14, s22, $0xb8;
	[tilespmem:$0x1C480] =	vst v63  }
0x32: {  	_ = 	snop  }
0x33: {  	[tilespmem:s24], [sflag:$0x2] =	stream.indirect.gather [hbm4b:s8+s22], $0x10, s14, s22, $0xb8;
	[tilespmem:$0x1C480] =	vst v63  }
0x34: {  	s12 =	sadd.s32 $0x16800, s12  }
0x35: {  	[tilespmem:s25], [sflag:$0x3] =	stream.indirect.gather [hbm4b:s9+s22], $0x10, s12, s22, $0xb8;
	[tilespmem:$0x1C480] =	vst v63  }
0x36: {  	_ =	swait.ge [sflag:s26], $0x800  }
0x37: {  	[sflag:s26] =	ssyncset.done $0x0  }
0x38: {  	[sflag:s26] =	ssyncadd.s32 $0xFFFFF800  }
0x39: {  	_ =	swait.ge [sflag:s28], $0x800  }
0x3a: {  	[sflag:s28] =	ssyncset.done $0x0  }
0x3b: {  	s16 =	simm.s32 $0x16CC0;
	[sflag:s28] =	ssyncadd.s32 $0xFFFFF800  }
0x3c: {  	v10 =	vld [tilespmem:s16+$0xFFFFFFD0]  }
0x3d: {  	s15 =	simm.s32 $0x174C0;
	v11 =	vld [tilespmem:s16+$0xFFFFFFC0]  }
0x3e: {  	v13 =	vld [tilespmem:s15+$0x30]  }
0x3f: {  	v14 =	vld [tilespmem:s15+$0x0]  }
0x40: {  	v15 =	vld [tilespmem:s15+$0xFFFFFFF0]  }
0x41: {  	v16 =	vld [tilespmem:s15+$0xFFFFFFC0]  }
0x42: {  	v17 =	vld [tilespmem:s15+$0xFFFFFFE0]  }
0x43: {  	v18 =	vld [tilespmem:s15+$0xFFFFFFD0]  }
0x44: {  	v20 =	vld [tilespmem:s16+$0xFFFFFFF0]  }
0x45: {  	v21 =	vld [tilespmem:s16+$0xFFFFFFE0]  }
0x46: {  	v24 =	vld [tilespmem:s16+$0x0]  }
0x47: {  	v19 =	vld [tilespmem:s16+$0x30]  }
0x48: {  	v12 =	vld [tilespmem:s15+$0x10]  }
0x49: {  	v11 =	vadd.f32 v16, v11;
	v16 =	vld [tilespmem:s16+$0x10];
	v18 =	vadd.f32 v18, v10  }
0x4a: {  	v15 =	vadd.f32 v15, v20;
	v17 =	vadd.f32 v17, v21  }
0x4b: {  	v22 =	vld [tilespmem:s15+$0x20];
	v14 =	vadd.f32 v14, v24;
	v23 =	vmul.f32 $2.000000030e-01, v11;
	v10 =	vperm.xlane v11, v0  }
0x4c: {  	v13 =	vadd.f32 v13, v19;
	v19 =	vld [tilespmem:s16+$0x20];
	v20 =	vperm.xlane v18, v0;
	v21 =	vperm.xlane v15, v0  }
0x4d: {  	v25 =	vmul.f32 $2.000000030e-01, v17;
	v26 =	vmul.f32 $2.000000030e-01, v14  }
0x4e: {  	v11 =	vmax.f32 v11, v23;
	v23 =	vmul.f32 $2.000000030e-01, v18;
	v12 =	vadd.f32 v12, v16  }
0x4f: {  	s17 =	simm.s32 $0x16D40;
	v29 =	vperm.xlane v13, v0;
	v11 =	vsub.f32 v11, v10;
	v10 =	vmul.f32 $2.000000030e-01, v15  }
0x50: {  	s19 =	simm.s32 $0x17540;
	v27 =	vld [tilespmem:s17+$0xFFFFFFC0];
	v16 =	vmul.f32 $2.000000030e-01, v13;
	v18 =	vmax.f32 v18, v23;
	v24 =	vmul.f32 $2.000000030e-01, v12  }
0x51: {  	v28 =	vld [tilespmem:s19+$0x10];
	v10 =	vmax.f32 v15, v10;
	v15 =	vadd.f32 v22, v19;
	v22 =	vperm.xlane v17, v0  }
0x52: {  	v30 =	vld [tilespmem:s19+$0xFFFFFFE0];
	v17 =	vmax.f32 v17, v25;
	v18 =	vsub.f32 v18, v20;
	v21 =	vsub.f32 v10, v21  }
0x53: {  	v23 =	vld [tilespmem:s19+$0x30];
	v11 =	vadd.f32 v1, v11;
	v25 =	vmul.f32 $2.000000030e-01, v15;
	v17 =	vsub.f32 v17, v22  }
0x54: {  	v19 =	vld [tilespmem:s17+$0xFFFFFFD0];
	v13 =	vmax.f32 v13, v16;
	v22 =	vperm.xlane v15, v0;
	v21 =	vadd.f32 v1, v21  }
0x55: {  	v16 =	vld [tilespmem:s19+$0xFFFFFFD0];
	v10 =	vperm.xlane v12, v0;
	v15 =	vmax.f32 v15, v25;
	v17 =	vadd.f32 v1, v17  }
0x56: {  	v13 =	vsub.f32 v13, v29;
	v15 =	vsub.f32 v15, v22;
	v20 =	vmul.f32 $1.442695020e+00, v21;
	v21 =	vld [tilespmem:s19+$0xFFFFFFC0]  }
0x57: {  	v18 =	vadd.f32 v1, v18;
	v11 =	vmul.f32 $1.442695020e+00, v11;
	v25 =	vld [tilespmem:s19+$0x0];
	v17 =	vmul.f32 $1.442695020e+00, v17  }
0x58: {  	v13 =	vadd.f32 v1, v13;
	v22 =	vld [tilespmem:s19+$0xFFFFFFF0];
	v15 =	vadd.f32 v1, v15;
	(erf) = vpow2.f32 v20  }
0x59: {  	v20 =	vmul.f32 $1.442695020e+00, v18;
	v18 =	vmax.f32 v12, v24;
	v24 =	vld [tilespmem:s17+$0x10];
	(erf) = vpow2.f32 v17  }
0x5a: {  	v12 =	vperm.xlane v14, v0;
	v14 =	vmax.f32 v14, v26;
	v17 =	vld [tilespmem:s17+$0x30];
	(erf) = vpow2.f32 v11  }
0x5b: {  	v15 =	vmul.f32 $1.442695020e+00, v15;
	v11 =	vadd.f32 v21, v27;
	v27 =	vld [tilespmem:s17+$0xFFFFFFF0];
	(erf) = vpow2.f32 v20  }
0x5c: {  	v13 =	vmul.f32 $1.442695020e+00, v13;
	v26 =	vld [tilespmem:s17+$0x0];
	v14 =	vsub.f32 v14, v12  }
0x5d: {  	v21 =	vadd.f32 v16, v19;
	v19 =	vld [tilespmem:s17+$0xFFFFFFE0];
	(erf) = vpow2.f32 v15;
	v20 =	vmul.f32 $2.000000030e-01, v11  }
0x5e: {  	v31 =	vld [tilespmem:s19+$0x20];
	v15 =	vperm.xlane v11, v0;
	(erf) = vpow2.f32 v13;
	v13 =	vadd.f32 v28, v24  }
0x5f: {  	v32 =	vld [tilespmem:s17+$0x20];
	v12 =	vadd.f32 v23, v17;
	v23 =	vmul.f32 $2.000000030e-01, v21;
	v11 =	vmax.f32 v11, v20  }
0x60: {  	v17 =	vmul.f32 $2.000000030e-01, v13;
	v27 =	vadd.f32 v22, v27;
	v22 =	vperm.xlane v21, v0  }
0x61: {  	s14 =	simm.s32 $0x17CC0;
	v16 =	vmul.f32 $2.000000030e-01, v12;
	v20 =	vsub.f32 v11, v15;
	v15 =	vadd.f32 v25, v26;
	v24 =	vpop (erf)  }
0x62: {  	v25 =	vadd.f32 v30, v19;
	v29 =	vmul.f32 $2.000000030e-01, v27;
	v26 =	vpop (erf);
	v28 =	vperm.xlane v27, v0;
	[tilespmem:s14+$0xFFFFFFF0] =	vst v24  }
0x63: {  	s15 =	simm.s32 $0x17CC0;
	v19 =	vmul.f32 $2.000000030e-01, v15;
	v24 =	vperm.xlane v13, v0;
	v11 =	vpop (erf);
	[tilespmem:s14+$0xFFFFFFE0] =	vst v26;
	v26 =	vadd.f32 v1, v14  }
0x64: {  	s16 =	simm.s32 $0x8;
	s19 =	simm.s32 $0x16DC0;
	s17 =	simm.s32 $0x175C0;
	v30 =	vmax.f32 v27, v29;
	v29 =	vmul.f32 $2.000000030e-01, v25;
	v27 =	vadd.f32 v31, v32;
	v14 =	vpop (erf)  }
.LBB2_4:
0x65: {  	v31 =	vld [tilespmem:s19+$0xFFFFFFD0];
	s16 =	sadd.s32 $0x8, s16;
	v32 =	vperm.xlane v25, v0;
	v28 =	vsub.f32 v30, v28;
	v18 =	vsub.f32 v18, v10;
	s14 =	sadd.s32 $0x80, s14;
	v10 =	vmovc v24  }
0x66: {  	v21 =	vmax.f32 v21, v23;
	v24 =	vld [tilespmem:s19+$0xFFFFFFC0];
	p0 =	slt.u32 s16, $0x78;
	v23 =	vmul.f32 $2.000000030e-01, v27;
	v30 =	vperm.xlane v27, v0;
	v33 =	vpop (erf)  }
0x67: {  	v25 =	vmax.f32 v25, v29;
	v34 =	vld [tilespmem:s17+$0x10];
	v28 =	vadd.f32 v1, v28;
	v18 =	vadd.f32 v1, v18;
	[tilespmem:s15+$0x20] =	vst v33;
	v29 =	vpop (erf)  }
0x68: {  	v21 =	vsub.f32 v21, v22;
	v22 =	vsub.f32 v25, v32;
	v33 =	vld [tilespmem:s17+$0x30];
	v23 =	vmax.f32 v27, v23;
	[tilespmem:s15+$0x30] =	vst v29  }
0x69: {  	v26 =	vmul.f32 $1.442695020e+00, v26;
	v25 =	vld [tilespmem:s17+$0x0];
	v23 =	vsub.f32 v23, v30;
	v18 =	vmul.f32 $1.442695020e+00, v18  }
0x6a: {  	v21 =	vadd.f32 v1, v21;
	v22 =	vadd.f32 v1, v22;
	v28 =	vmul.f32 $1.442695020e+00, v28;
	v27 =	vld [tilespmem:s17+$0xFFFFFFF0]  }
0x6b: {  	v20 =	vadd.f32 v1, v20;
	v30 =	vperm.xlane v12, v0;
	v29 =	vld [tilespmem:s17+$0xFFFFFFC0];
	(erf) = vpow2.f32 v26  }
0x6c: {  	v22 =	vmul.f32 $1.442695020e+00, v22;
	v23 =	vadd.f32 v1, v23;
	v26 =	vld [tilespmem:s17+$0xFFFFFFE0];
	(erf) = vpow2.f32 v18  }
0x6d: {  	v20 =	vmul.f32 $1.442695020e+00, v20;
	v12 =	vmax.f32 v12, v16;
	v32 =	vld [tilespmem:s17+$0x20];
	(erf) = vpow2.f32 v28  }
0x6e: {  	v21 =	vmul.f32 $1.442695020e+00, v21;
	v12 =	vsub.f32 v12, v30;
	v16 =	vld [tilespmem:s17+$0xFFFFFFD0];
	(erf) = vpow2.f32 v22  }
0x6f: {  	v18 =	vmax.f32 v13, v17;
	v13 =	vmul.f32 $1.442695020e+00, v23;
	v22 =	vld [tilespmem:s19+$0x30];
	(erf) = vpow2.f32 v20  }
0x70: {  	v19 =	vmax.f32 v15, v19;
	v12 =	vadd.f32 v1, v12;
	v17 =	vadd.f32 v29, v24;
	v20 =	vld [tilespmem:s19+$0xFFFFFFF0]  }
0x71: {  	v15 =	vperm.xlane v15, v0;
	v24 =	vld [tilespmem:s19+$0x10];
	(erf) = vpow2.f32 v21  }
0x72: {  	v29 =	vmul.f32 $1.442695020e+00, v12;
	v23 =	vmul.f32 $2.000000030e-01, v17;
	v28 =	vld [tilespmem:s19+$0x0];
	[tilespmem:s15+$0xFFFFFFC0] =	vst v11  }
0x73: {  	v21 =	vadd.f32 v16, v31;
	v11 =	vld [tilespmem:s19+$0xFFFFFFE0];
	v31 =	vsub.f32 v19, v15;
	(erf) = vpow2.f32 v13  }
0x74: {  	v15 =	vperm.xlane v17, v0;
	v12 =	vadd.f32 v33, v22;
	(erf) = vpow2.f32 v29;
	[tilespmem:s15+$0xFFFFFFD0] =	vst v14;
	v13 =	vpop (erf)  }
0x75: {  	v14 =	vmax.f32 v17, v23;
	v23 =	vmul.f32 $2.000000030e-01, v21;
	v19 =	vadd.f32 v27, v20;
	v27 =	vld [tilespmem:s19+$0x20];
	[tilespmem:s15+$0x0] =	vst v13;
	v17 =	vpop (erf)  }
.Ltmp0:
0x76: {  	v22 =	vperm.xlane v21, v0;
	v13 =	vadd.f32 v34, v24;
	v16 =	vmul.f32 $2.000000030e-01, v12;
	v24 =	vpop (erf);
	[tilespmem:s15+$0x10] =	vst v17;
	s15 =	smov.u32 s14;
	(pc) =	sbr.rel @p0 .LBB2_4-.Ltmp0, $4  }
0x77: {  	v20 =	vsub.f32 v14, v15;
	v33 =	vmul.f32 $2.000000030e-01, v19;
	v15 =	vadd.f32 v25, v28;
	[tilespmem:s14+$0xFFFFFFF0] =	vst v24;
	v24 =	vpop (erf)  }
0x78: {  	v28 =	vperm.xlane v19, v0;
	v25 =	vadd.f32 v26, v11;
	v17 =	vmul.f32 $2.000000030e-01, v13;
	[tilespmem:s14+$0xFFFFFFE0] =	vst v24;
	v11 =	vpop (erf)  }
0x79: {  	v24 =	vperm.xlane v13, v0;
	v30 =	vmax.f32 v19, v33;
	v19 =	vmul.f32 $2.000000030e-01, v15  }
0x7a: {  	s17 =	sadd.s32 $0x80, s17;
	s19 =	sadd.s32 $0x80, s19;
	v26 =	vadd.f32 v1, v31;
	v29 =	vmul.f32 $2.000000030e-01, v25;
	v27 =	vadd.f32 v32, v27;
	v14 =	vpop (erf)  }
0x7b: {  	v31 =	vperm.xlane v25, v0  }
0x7c: {  	v28 =	vsub.f32 v30, v28;
	v10 =	vsub.f32 v18, v10;
	v18 =	vmax.f32 v21, v23  }
0x7d: {  	v20 =	vadd.f32 v1, v20;
	v21 =	vmul.f32 $2.000000030e-01, v27;
	v23 =	vperm.xlane v27, v0  }
0x7e: {  	v25 =	vmax.f32 v25, v29;
	v18 =	vsub.f32 v18, v22;
	v22 =	vmul.f32 $1.442695020e+00, v26  }
0x7f: {  	v26 =	vperm.xlane v12, v0;
	v28 =	vadd.f32 v1, v28;
	v25 =	vsub.f32 v25, v31  }
0x80: {  	v10 =	vadd.f32 v1, v10;
	v21 =	vmax.f32 v27, v21;
	v18 =	vadd.f32 v1, v18  }
0x81: {  	(erf) = vpow2.f32 v22;
	v21 =	vsub.f32 v21, v23;
	v23 =	vadd.f32 v1, v25  }
0x82: {  	v13 =	vmax.f32 v13, v17;
	v10 =	vmul.f32 $1.442695020e+00, v10;
	v25 =	vmul.f32 $1.442695020e+00, v28  }
0x83: {  	v12 =	vmax.f32 v12, v16;
	v16 =	vmul.f32 $1.442695020e+00, v18;
	v22 =	vmul.f32 $1.442695020e+00, v23  }
0x84: {  	v12 =	vsub.f32 v12, v26;
	(erf) = vpow2.f32 v10;
	v10 =	vmul.f32 $1.442695020e+00, v20  }
0x85: {  	v18 =	vadd.f32 v1, v21;
	v20 =	vperm.xlane v15, v0;
	(erf) = vpow2.f32 v25  }
0x86: {  	v12 =	vadd.f32 v1, v12;
	v15 =	vmax.f32 v15, v19;
	(erf) = vpow2.f32 v22  }
0x87: {  	v17 =	vmul.f32 $1.442695020e+00, v18;
	(erf) = vpow2.f32 v10;
	v10 =	vsub.f32 v15, v20  }
0x88: {  	v13 =	vsub.f32 v13, v24;
	v12 =	vmul.f32 $1.442695020e+00, v12;
	(erf) = vpow2.f32 v16  }
0x89: {  	(erf) = vpow2.f32 v17;
	v10 =	vadd.f32 v1, v10  }
0x8a: {  	v15 =	vpop (erf);
	(erf) = vpow2.f32 v12;
	v12 =	vadd.f32 v1, v13  }
0x8b: {  	[tilespmem:s15+$0xFFFFFFC0] =	vst v11;
	v10 =	vmul.f32 $1.442695020e+00, v10  }
0x8c: {  	[tilespmem:s15+$0xFFFFFFD0] =	vst v14;
	v12 =	vmul.f32 $1.442695020e+00, v12  }
0x8d: {  	[tilespmem:s15+$0x20] =	vst v15;
	v13 =	vpop (erf);
	(erf) = vpow2.f32 v10  }
0x8e: {  	[tilespmem:s15+$0x30] =	vst v13;
	v13 =	vpop (erf);
	(erf) = vpow2.f32 v12  }
0x8f: {  	[tilespmem:s15+$0x0] =	vst v13;
	v11 =	vpop (erf)  }
0x90: {  	s14 =	sadd.s32 $0x80, s14;
	[tilespmem:s15+$0x10] =	vst v11;
	v10 =	vpop (erf)  }
0x91: {  	v12 =	vpop (erf);
	[tilespmem:s14+$0xFFFFFFF0] =	vst v10  }
0x92: {  	v11 =	vpop (erf);
	[tilespmem:s14+$0xFFFFFFE0] =	vst v12  }
0x93: {  	v10 =	vpop (erf);
	[tilespmem:s14+$0xFFFFFFC0] =	vst v11  }
0x94: {  	v12 =	vpop (erf);
	[tilespmem:s14+$0xFFFFFFD0] =	vst v10  }
0x95: {  	[tilespmem:s14+$0x20] =	vst v12;
	v12 =	vpop (erf)  }
0x96: {  	[tilespmem:s14+$0x30] =	vst v12;
	v10 =	vpop (erf)  }
0x97: {  	[tilespmem:s14+$0x0] =	vst v10;
	v10 =	vpop (erf)  }
0x98: {  	[tilespmem:s14+$0x10] =	vst v10  }
0x99: {  	[spmem:s4] =	stream.indirect.scatter.add.f32 [tilespmem:s29], [sflag:$0x4], $0x10, s12, s22, $0xb8;
	[tilespmem:$0x1C480] =	vst v63  }
0x9a: {  	_ =	swait.ge [sflag:s30], $0x4000  }
0x9b: {  	[sflag:s30] =	ssyncset.done $0x0  }
0x9c: {  	s19 =	simm.s32 $0x17CA0;
	[sflag:s30] =	ssyncadd.s32 $0xFFFFC000  }
0x9d: {  	v13 =	vld [tilespmem:s19+$0x10]  }
0x9e: {  	s14 =	simm.s32 $0x18580;
	v10 =	vld [tilespmem:s19+$0xFFFFFFF0]  }
0x9f: {  	v11 =	vld [tilespmem:s14+$0xF0]  }
0xa0: {  	v12 =	vld [tilespmem:s19+$0x0]  }
0xa1: {  	v14 =	vld [tilespmem:s19+$0xFFFFFFE0]  }
0xa2: {  	v15 =	vld [tilespmem:s14+$0xFFFFFF00]  }
0xa3: {  	v16 =	vld [tilespmem:s14+$0xFFFFFF10];
	v17 =	vperm.xlane v13, v2  }
0xa4: {  	v20 =	vld [tilespmem:s14+$0xFFFFFF20];
	v18 =	vperm.xlane v13, v9;
	v19 =	vperm.xlane v10, v2  }
0xa5: {  	v23 =	vld [tilespmem:s14+$0xFFFFFF30];
	v21 =	vperm.xlane v10, v3;
	v22 =	vperm.xlane v10, v4  }
0xa6: {  	v25 =	vld [tilespmem:s14+$0xFFFFFF40];
	v24 =	vperm.xlane v10, v5;
	v26 =	vperm.xlane v10, v6  }
0xa7: {  	v28 =	vld [tilespmem:s14+$0xFFFFFF50];
	v27 =	vperm.xlane v14, v2;
	v29 =	vperm.xlane v14, v3  }
0xa8: {  	v31 =	vld [tilespmem:s14+$0xFFFFFF60];
	v30 =	vperm.xlane v14, v4;
	v32 =	vperm.xlane v14, v5  }
0xa9: {  	v34 =	vld [tilespmem:s14+$0xFFFFFF70];
	v33 =	vperm.xlane v14, v6;
	v35 =	vperm.xlane v14, v7  }
0xaa: {  	v37 =	vld [tilespmem:s14+$0xFFFFFF80];
	v36 =	vperm.xlane v14, v8;
	v38 =	vperm.xlane v14, v9  }
0xab: {  	v40 =	vld [tilespmem:s14+$0xFFFFFF90];
	v39 =	vperm.xlane v10, v7;
	v41 =	vperm.xlane v10, v8  }
0xac: {  	v43 =	vld [tilespmem:s14+$0xFFFFFFA0];
	v42 =	vperm.xlane v10, v9;
	v44 =	vperm.xlane v12, v2  }
0xad: {  	v46 =	vld [tilespmem:s14+$0xFFFFFFB0];
	v45 =	vperm.xlane v12, v3;
	v47 =	vperm.xlane v12, v4  }
0xae: {  	v49 =	vld [tilespmem:s14+$0xFFFFFFC0];
	v48 =	vperm.xlane v12, v5;
	v50 =	vperm.xlane v12, v6  }
0xaf: {  	v52 =	vld [tilespmem:s14+$0xFFFFFFD0];
	v51 =	vperm.xlane v12, v7;
	v53 =	vperm.xlane v12, v8  }
0xb0: {  	v55 =	vld [tilespmem:s14+$0xFFFFFFE0];
	v54 =	vperm.xlane v12, v9;
	v56 =	vperm.xlane v13, v3  }
0xb1: {  	v57 =	vld [tilespmem:s14+$0xFFFFFFF0];
	v14 =	vperm.xlane v13, v4;
	v18 =	vmul.f32 v18, v11  }
0xb2: {  	v58 =	vld [tilespmem:s14+$0x0];
	v12 =	vperm.xlane v13, v6;
	v15 =	vmul.f32 v27, v15  }
0xb3: {  	v60 =	vld [tilespmem:s14+$0x70];
	v10 =	vperm.xlane v13, v7;
	v16 =	vmul.f32 v29, v16;
	[tilespmem:s14+$0xF0] =	vst v18  }
0xb4: {  	v62 =	vld [tilespmem:s14+$0x80];
	v11 =	vperm.xlane v13, v5;
	v20 =	vmul.f32 v30, v20;
	[tilespmem:s14+$0xFFFFFF00] =	vst v15  }
0xb5: {  	v63 =	vld [tilespmem:s14+$0x90];
	v13 =	vperm.xlane v13, v8;
	v23 =	vmul.f32 v32, v23;
	[tilespmem:s14+$0xFFFFFF10] =	vst v16  }
0xb6: {  	v25 =	vmul.f32 v33, v25;
	v29 =	vmul.f32 v36, v31;
	v31 =	vld [tilespmem:s14+$0x50];
	[tilespmem:s14+$0xFFFFFF20] =	vst v20  }
0xb7: {  	v27 =	vmul.f32 v35, v28;
	v30 =	vmul.f32 v38, v34;
	v18 =	vld [tilespmem:s14+$0x10];
	[tilespmem:s14+$0xFFFFFF30] =	vst v23  }
0xb8: {  	v19 =	vmul.f32 v19, v37;
	v21 =	vmul.f32 v21, v40;
	v15 =	vld [tilespmem:s14+$0x20];
	[tilespmem:s14+$0xFFFFFF40] =	vst v25  }
0xb9: {  	v43 =	vmul.f32 v22, v43;
	v59 =	vmul.f32 v24, v46;
	v20 =	vld [tilespmem:s14+$0x40];
	[tilespmem:s14+$0xFFFFFF50] =	vst v27  }
0xba: {  	v61 =	vmul.f32 v26, v49;
	v28 =	vmul.f32 v39, v52;
	v16 =	vld [tilespmem:s14+$0x30];
	[tilespmem:s14+$0xFFFFFF60] =	vst v29  }
0xbb: {  	v40 =	vld [tilespmem:s14+$0x60];
	v26 =	vmul.f32 v42, v57;
	v24 =	vmul.f32 v44, v58;
	[tilespmem:s14+$0xFFFFFF70] =	vst v30  }
0xbc: {  	v27 =	vmul.f32 v41, v55;
	[tilespmem:s14+$0xFFFFFF80] =	vst v19;
	v29 =	vld [tilespmem:s14+$0xA0];
	v19 =	vmul.f32 v17, v62  }
0xbd: {  	[tilespmem:s14+$0xFFFFFF90] =	vst v21;
	v30 =	vld [tilespmem:s14+$0xB0];
	v17 =	vmul.f32 v56, v63;
	v25 =	vmul.f32 v45, v18  }
0xbe: {  	[tilespmem:s14+$0xFFFFFFA0] =	vst v43;
	v21 =	vmul.f32 v50, v20;
	v20 =	vmul.f32 v51, v31;
	v31 =	vld [tilespmem:s14+$0xC0]  }
0xbf: {  	[tilespmem:s14+$0xFFFFFFB0] =	vst v59;
	v23 =	vmul.f32 v47, v15;
	v22 =	vmul.f32 v48, v16;
	v15 =	vld [tilespmem:s14+$0xD0]  }
0xc0: {  	s16 =	simm.s32 $0x0;
	s17 =	simm.s32 $0x17CE0;
	s15 =	simm.s32 $0x18580;
	v32 =	vld [tilespmem:s14+$0xE0];
	[tilespmem:s14+$0xFFFFFFC0] =	vst v61;
	v18 =	vmul.f32 v53, v40;
	v16 =	vmul.f32 v54, v60  }
.LBB2_6:
0xc1: {  	v33 =	vld [tilespmem:s17+$0x10];
	s16 =	sadd.s32 $0x4, s16;
	[tilespmem:s14+$0xFFFFFFD0] =	vst v28;
	v14 =	vmul.f32 v14, v29  }
0xc2: {  	s14 =	sadd.s32 $0x200, s14;
	v28 =	vld [tilespmem:s17+$0xFFFFFFF0];
	p0 =	slt.u32 s16, $0x7C;
	[tilespmem:s15+$0xFFFFFFE0] =	vst v27;
	v11 =	vmul.f32 v11, v30  }
0xc3: {  	v27 =	vld [tilespmem:s14+$0xF0];
	[tilespmem:s15+$0xFFFFFFF0] =	vst v26;
	v12 =	vmul.f32 v12, v31  }
0xc4: {  	v26 =	vld [tilespmem:s17+$0x0];
	[tilespmem:s15+$0x0] =	vst v24;
	v10 =	vmul.f32 v10, v15  }
0xc5: {  	v24 =	vld [tilespmem:s17+$0xFFFFFFE0];
	[tilespmem:s15+$0x10] =	vst v25;
	v13 =	vmul.f32 v13, v32  }
0xc6: {  	v25 =	vld [tilespmem:s14+$0xFFFFFF00];
	v15 =	vperm.xlane v33, v2;
	v29 =	vperm.xlane v33, v9;
	[tilespmem:s15+$0x20] =	vst v23  }
0xc7: {  	v23 =	vld [tilespmem:s14+$0xFFFFFF10];
	v30 =	vperm.xlane v28, v2;
	v31 =	vperm.xlane v28, v3;
	[tilespmem:s15+$0x30] =	vst v22  }
0xc8: {  	v32 =	vperm.xlane v28, v4;
	v22 =	vld [tilespmem:s14+$0xFFFFFF20];
	v27 =	vmul.f32 v29, v27;
	[tilespmem:s15+$0x40] =	vst v21  }
0xc9: {  	v34 =	vperm.xlane v28, v6;
	v29 =	vperm.xlane v28, v5;
	v21 =	vld [tilespmem:s14+$0xFFFFFF30];
	[tilespmem:s15+$0x50] =	vst v20  }
0xca: {  	v20 =	vperm.xlane v24, v2;
	v35 =	vperm.xlane v24, v3;
	v36 =	vld [tilespmem:s14+$0xFFFFFF40];
	[tilespmem:s14+$0xF0] =	vst v27  }
0xcb: {  	v27 =	vperm.xlane v24, v4;
	v37 =	vperm.xlane v24, v5;
	v38 =	vld [tilespmem:s14+$0xFFFFFF50];
	[tilespmem:s15+$0x60] =	vst v18  }
0xcc: {  	v39 =	vperm.xlane v24, v7;
	v18 =	vperm.xlane v24, v6;
	v40 =	vld [tilespmem:s14+$0xFFFFFF60];
	[tilespmem:s15+$0x70] =	vst v16  }
0xcd: {  	v16 =	vperm.xlane v24, v8;
	v24 =	vperm.xlane v24, v9;
	v41 =	vld [tilespmem:s14+$0xFFFFFF70];
	[tilespmem:s15+$0x80] =	vst v19  }
0xce: {  	v42 =	vperm.xlane v28, v7;
	v43 =	vperm.xlane v28, v8;
	v19 =	vld [tilespmem:s14+$0xFFFFFF80];
	[tilespmem:s15+$0x90] =	vst v17  }
0xcf: {  	v44 =	vperm.xlane v28, v9;
	v45 =	vperm.xlane v26, v2;
	v17 =	vld [tilespmem:s14+$0xFFFFFF90];
	[tilespmem:s15+$0xA0] =	vst v14  }
0xd0: {  	v46 =	vperm.xlane v26, v3;
	v47 =	vperm.xlane v26, v4;
	v28 =	vld [tilespmem:s14+$0xFFFFFFA0];
	[tilespmem:s15+$0xB0] =	vst v11  }
0xd1: {  	v49 =	vperm.xlane v26, v5;
	v50 =	vperm.xlane v26, v6;
	v48 =	vld [tilespmem:s14+$0xFFFFFFB0];
	[tilespmem:s15+$0xC0] =	vst v12  }
0xd2: {  	v52 =	vperm.xlane v26, v7;
	v53 =	vperm.xlane v26, v8;
	v51 =	vld [tilespmem:s14+$0xFFFFFFC0];
	[tilespmem:s15+$0xD0] =	vst v10  }
0xd3: {  	v56 =	vperm.xlane v33, v3;
	v55 =	vperm.xlane v26, v9;
	v54 =	vld [tilespmem:s14+$0xFFFFFFD0];
	[tilespmem:s15+$0xE0] =	vst v13;
	s15 =	smov.u32 s14  }
0xd4: {  	v14 =	vperm.xlane v33, v4;
	v11 =	vperm.xlane v33, v5;
	v26 =	vld [tilespmem:s14+$0xFFFFFFE0]  }
0xd5: {  	v12 =	vperm.xlane v33, v6;
	v10 =	vperm.xlane v33, v7;
	v57 =	vld [tilespmem:s14+$0xFFFFFFF0]  }
0xd6: {  	v20 =	vmul.f32 v20, v25;
	v13 =	vperm.xlane v33, v8;
	v25 =	vld [tilespmem:s14+$0x0]  }
0xd7: {  	v23 =	vmul.f32 v35, v23;
	v22 =	vmul.f32 v27, v22;
	v33 =	vld [tilespmem:s14+$0x10]  }
0xd8: {  	v18 =	vmul.f32 v18, v36;
	[tilespmem:s14+$0xFFFFFF00] =	vst v20;
	v20 =	vmul.f32 v37, v21;
	v21 =	vld [tilespmem:s14+$0x20]  }
0xd9: {  	v16 =	vmul.f32 v16, v40;
	[tilespmem:s14+$0xFFFFFF10] =	vst v23;
	v23 =	vmul.f32 v39, v38;
	v35 =	vld [tilespmem:s14+$0x30]  }
0xda: {  	v19 =	vmul.f32 v30, v19;
	[tilespmem:s14+$0xFFFFFF20] =	vst v22;
	v22 =	vmul.f32 v24, v41;
	v30 =	vld [tilespmem:s14+$0x40]  }
0xdb: {  	v17 =	vmul.f32 v31, v17;
	v31 =	vmul.f32 v32, v28;
	[tilespmem:s14+$0xFFFFFF30] =	vst v20;
	v20 =	vld [tilespmem:s14+$0x50]  }
0xdc: {  	v32 =	vmul.f32 v29, v48;
	v34 =	vmul.f32 v34, v51;
	[tilespmem:s14+$0xFFFFFF40] =	vst v18;
	v18 =	vld [tilespmem:s14+$0x60]  }
0xdd: {  	v28 =	vmul.f32 v42, v54;
	v27 =	vmul.f32 v43, v26;
	[tilespmem:s14+$0xFFFFFF50] =	vst v23;
	v36 =	vld [tilespmem:s14+$0x70]  }
0xde: {  	v26 =	vmul.f32 v44, v57;
	v24 =	vmul.f32 v45, v25;
	[tilespmem:s14+$0xFFFFFF60] =	vst v16;
	v37 =	vld [tilespmem:s14+$0x80]  }
0xdf: {  	v25 =	vmul.f32 v46, v33;
	v23 =	vmul.f32 v47, v21;
	[tilespmem:s14+$0xFFFFFF70] =	vst v22;
	v33 =	vld [tilespmem:s14+$0x90]  }
.Ltmp1:
0xe0: {  	v22 =	vmul.f32 v49, v35;
	v21 =	vmul.f32 v50, v30;
	[tilespmem:s14+$0xFFFFFF80] =	vst v19;
	v29 =	vld [tilespmem:s14+$0xA0];
	(pc) =	sbr.rel @p0 .LBB2_6-.Ltmp1, $4  }
0xe1: {  	v20 =	vmul.f32 v52, v20;
	[tilespmem:s14+$0xFFFFFF90] =	vst v17;
	v18 =	vmul.f32 v53, v18;
	v30 =	vld [tilespmem:s14+$0xB0]  }
0xe2: {  	[tilespmem:s14+$0xFFFFFFA0] =	vst v31;
	v16 =	vmul.f32 v55, v36;
	v31 =	vld [tilespmem:s14+$0xC0]  }
0xe3: {  	[tilespmem:s14+$0xFFFFFFB0] =	vst v32;
	v19 =	vmul.f32 v15, v37;
	v15 =	vld [tilespmem:s14+$0xD0]  }
0xe4: {  	s17 =	sadd.s32 $0x40, s17;
	[tilespmem:s14+$0xFFFFFFC0] =	vst v34;
	v17 =	vmul.f32 v56, v33;
	v32 =	vld [tilespmem:s14+$0xE0]  }
0xe5: {  	[tilespmem:s14+$0xFFFFFFD0] =	vst v28  }
0xe6: {  	[tilespmem:s15+$0x0] =	vst v24  }
0xe7: {  	[tilespmem:s15+$0x10] =	vst v25  }
0xe8: {  	[tilespmem:s15+$0x20] =	vst v23  }
0xe9: {  	[tilespmem:s15+$0x30] =	vst v22  }
0xea: {  	[tilespmem:s15+$0x40] =	vst v21  }
0xeb: {  	[tilespmem:s15+$0x50] =	vst v20  }
0xec: {  	[tilespmem:s15+$0x60] =	vst v18  }
0xed: {  	[tilespmem:s15+$0x70] =	vst v16  }
0xee: {  	[tilespmem:s15+$0x80] =	vst v19  }
0xef: {  	[tilespmem:s15+$0xFFFFFFE0] =	vst v27  }
0xf0: {  	v14 =	vmul.f32 v14, v29;
	[tilespmem:s15+$0xFFFFFFF0] =	vst v26  }
0xf1: {  	v11 =	vmul.f32 v11, v30;
	[tilespmem:s15+$0x90] =	vst v17  }
0xf2: {  	v12 =	vmul.f32 v12, v31;
	[tilespmem:s15+$0xA0] =	vst v14  }
0xf3: {  	v10 =	vmul.f32 v10, v15;
	[tilespmem:s15+$0xB0] =	vst v11  }
0xf4: {  	v11 =	vmul.f32 v13, v32;
	[tilespmem:s15+$0xC0] =	vst v12  }
0xf5: {  	[tilespmem:s15+$0xD0] =	vst v10  }
0xf6: {  	s10 =	sadd.s32 $0x1, s10;
	[tilespmem:s15+$0xE0] =	vst v11  }
0xf7: {  	[spmem:s2] =	stream.indirect.scatter.add.f32 [tilespmem:s23], [sflag:$0x5], $0x80, s12, s22, $0xb8;
	[tilespmem:$0x1C480] =	vst v63  }
0xf8: {  	p0 =	sne.s32 s10, $0x9;
	_ =	swait.ge [sflag:s31], $0x800  }
.Ltmp2:
0xf9: {  	[sflag:s31] =	ssyncset.done $0x0;
	(pc) =	sbr.rel @p0 .LBB2_3-.Ltmp2, $4  }
0xfa: {  	[sflag:s31] =	ssyncadd.s32 $0xFFFFF800  }
0xfb: {  	_ =	swait.ge [sflag:s0], $0x4000  }
0xfc: {  	[sflag:s0] =	ssyncset.done $0x0  }
0xfd: {  	[sflag:s0] =	ssyncadd.s32 $0xFFFFC000  }
0xfe: {  	s3 =	sadd.s32 $0x1, s3  }
0xff: {  	p0 =	sne.s32 s3, $0x9  }
.Ltmp3:
0x100: {  	_ = 	snop;
	(pc) =	sbr.rel @p0 .LBB2_2-.Ltmp3, $1  }
0x101: {  	_ =	sdelay $0x3  }
0x102: {  	[bflag:$0x0] =	sbarrier.arrive $0xFFFF  }
0x103: {  	s3 =	rddreg [dreg:$0x7]  }
0x104: {  	s12 =	rddreg [dreg:$0xa]  }
0x105: {  	[hbm:s3], [sflag:s11] =	dma.local [spmem:s12], $0x2780  }
0x106: {  	_ =	swait.ge [sflag:s18], $0x2780  }
0x107: {  	[sflag:s18] =	ssyncset.done $0x0;
	s17 =	rddreg [dreg:$0x8]  }
0x108: {  	s10 =	rddreg [dreg:$0xb];
	[sflag:s18] =	ssyncadd.s32 $0xFFFFD880  }
0x109: {  	[hbm:s17], [sflag:s11] =	dma.local [spmem:s10], $0x4F0  }
0x10a: {  	_ =	swait.ge [sflag:s18], $0x4F0  }
0x10b: {  	s5 =	sadd.s32 $0x1, s5;
	s19 =	rddreg [dreg:$0x9]  }
0x10c: {  	p0 =	sne.s32 s5, s19  }
.Ltmp4:
0x10d: {  	_ = 	snop;
	(pc) =	sbr.rel @p0 .LBB2_1-.Ltmp4, $3  }
0x10e: {  	_ =	sdelay $0x1  }
0x10f: {  	[sflag:s18] =	ssyncset.done $0x0  }
0x110: {  	[sflag:s18] =	ssyncadd.s32 $0xFFFFFB10  }
0x111: {  	_ =	sfence.sel $0x180000  }
0x112: {  	[bflag:$0x0] =	sbarrier.arrive $0xFFFF  }
0x113: {  	_ =	strace $0x90000047  }
0x114: {  	s0 =	stileid.u32;
	[bflag:$0x2] =	sbarrier.arrive $0xFFFF  }
0x115: {  	p0 =	sne.s32 s0, $0x0;
	s0 =	rddreg [dreg:$0x4]  }
0x116: {  	s0 =	sadd.s32 @!p0 $0x100000, s0  }
0x117: {  	[sflag:s0] =	ssyncadd.tile.s32 @!p0 $0x1;
	_ =	shalt  }
.Lfunc_end2:
_tile_overlayer_lowered:
.L_overlay_start_2:
0x118: {  	(tag) =	ssettag $0x2  }
0x119: {  	s0 =	rddreg [dreg:$0x0];
	s2 =	stileid.u32  }
0x11a: {  	s1 =	rddreg [dreg:$0x1];
	p0 =	sne.s32 s2, $0x0  }
0x11b: {  	s3 =	rddreg [dreg:$0x2];
	[bflag:$0x3] =	sbarrier.arrive $0xFFFF;
	s2 =	simm.s32 @!p0 $0x1C06  }
0x11c: {  	[timem:s3], [sflag:s2] =	dma.local @!p0 [hbm:s0], s1  }
0x11d: {  	s0 =	simm.s32 @!p0 $0x6  }
0x11e: {  	_ =	swait.ge @!p0 [sflag:s0], s1  }
0x11f: {  	s1 =	ssub.s32 @!p0 $0x0, s1;
	[sflag:s0] =	ssyncset.done @!p0 $0x0  }
0x120: {  	[sflag:s0] =	ssyncadd.s32 @!p0 s1  }
0x121: {  	[bflag:$0x3] =	sbarrier.arrive $0xFFFF  }
0x122: {  	_ =	shalt  }

</sc_bundles>
